<compile_context>
chip_gen: v7x
topology: tpu7x:2x2x1
jax: 0.10.2.dev20260603
libtpu: 0.0.44.dev20260713+nightly
codegen_flags: <defaults>
</compile_context>

<pallas_src>
import jax
import jax.numpy as jnp
from jax import lax
from jax.experimental import pallas as pl
from jax.experimental.pallas import tpu as pltpu
from jax.experimental.pallas import tpu_sc as plsc

N = 10000
D = 256
HALF = 128
C16 = 16
E = 160000
NTILE = 16
NCORE = 2
NPAD = 10112
NSINK = 16
CH = 128
EPAD = 163840
ECH = EPAD // CH
STG = 128
NBLK = NPAD // STG
NCHP = 40
BM = 1264

_MESH = plsc.VectorSubcoreMesh(core_axis_name="c", subcore_axis_name="s")


def _stage_blocks(src_fn, dst_fn, s, stage):
    def blk(k, carry):
        j = s + k * NTILE
        @pl.when(j < NBLK)
        def _():
            pltpu.sync_copy(src_fn(j), stage)
            pltpu.sync_copy(stage, dst_fn(j))
        return carry
    lax.fori_loop(0, (NBLK + NTILE - 1) // NTILE, blk, 0)


def _edge_pipeline(gref, acc_sh, src_all, dst_all, rows0, rows1,
                   ga0, ga1, ssem0, ssem1):
    bufs = ((rows0, ga0, ssem0), (rows1, ga1, ssem1))

    def drain_gather(rows, gsem):
        pltpu.make_async_copy(gref.at[pl.ds(0, CH)], rows, gsem).wait()

    def drain_scatter(rows, ssem):
        pltpu.make_async_copy(rows, acc_sh.at[pl.ds(0, CH)], ssem).wait()

    def do_chunk(c, p):
        rows_p, gsem_p, ssem_p = bufs[p]
        rows_q, gsem_q, ssem_q = bufs[1 - p]

        @pl.when(c >= 2)
        def _():
            drain_scatter(rows_p, ssem_p)
        pltpu.async_copy(gref.at[src_all.at[c]], rows_p, gsem_p)

        @pl.when(c >= 1)
        def _():
            drain_gather(rows_q, gsem_q)
            pltpu.async_copy(rows_q, acc_sh.at[dst_all.at[c - 1]],
                             ssem_q, add=True)

    def pair(kk, carry):
        do_chunk(2 * kk, 0)
        do_chunk(2 * kk + 1, 1)
        return carry
    lax.fori_loop(0, NCHP // 2, pair, 0)

    drain_gather(rows1, ga1)
    pltpu.async_copy(rows1, acc_sh.at[dst_all.at[NCHP - 1]], ssem1,
                     add=True)
    drain_scatter(rows0, ssem0)
    drain_scatter(rows1, ssem1)


def _make_agg_wide():
    scratch = [
        pltpu.VMEM((NCHP, CH), jnp.int32),
        pltpu.VMEM((NCHP, CH), jnp.int32),
        pltpu.VMEM((CH, HALF), jnp.float32),
        pltpu.VMEM((CH, HALF), jnp.float32),
        pltpu.VMEM_SHARED((NPAD, HALF), jnp.float32),
        pltpu.SemaphoreType.DMA,
        pltpu.SemaphoreType.DMA,
        pltpu.SemaphoreType.DMA,
        pltpu.SemaphoreType.DMA,
    ]

    def body(srcp2, dstp2, g2, agg, src_all, dst_all, rows0, rows1,
             acc_sh, ga0, ga1, ssem0, ssem1):
        c = lax.axis_index("c")
        s = lax.axis_index("s")
        gref = g2.at[c]

        _stage_blocks(lambda j: gref.at[pl.ds(j * STG, STG)],
                      lambda j: acc_sh.at[pl.ds(j * STG, STG)], s, rows0)
        plsc.subcore_barrier()

        def phase(ph, carry):
            base = s * (2 * NCHP) + ph * NCHP
            pltpu.sync_copy(srcp2.at[pl.ds(base, NCHP)], src_all)
            pltpu.sync_copy(dstp2.at[pl.ds(base, NCHP)], dst_all)
            _edge_pipeline(gref, acc_sh, src_all, dst_all, rows0, rows1,
                           ga0, ga1, ssem0, ssem1)
            return carry
        lax.fori_loop(0, 2, phase, 0)

        plsc.subcore_barrier()
        _stage_blocks(lambda j: acc_sh.at[pl.ds(j * STG, STG)],
                      lambda j: agg.at[c].at[pl.ds(j * STG, STG)], s, rows0)

    return pl.kernel(
        body,
        out_type=jax.ShapeDtypeStruct((NCORE, NPAD, HALF), jnp.float32),
        mesh=_MESH, scratch_types=scratch)


def _make_agg3():
    scratch = [
        pltpu.VMEM((NCHP, CH), jnp.int32),
        pltpu.VMEM((NCHP, CH), jnp.int32),
        pltpu.VMEM((CH, HALF), jnp.float32),
        pltpu.VMEM((CH, HALF), jnp.float32),
        pltpu.VMEM_SHARED((NPAD, HALF), jnp.float32),
        pltpu.SemaphoreType.DMA,
        pltpu.SemaphoreType.DMA,
        pltpu.SemaphoreType.DMA,
        pltpu.SemaphoreType.DMA,
    ]

    def body(srcp2, dstp2, g3, acc, src_all, dst_all, rows0, rows1,
             acc_sh, ga0, ga1, ssem0, ssem1):
        c = lax.axis_index("c")
        s = lax.axis_index("s")

        _stage_blocks(lambda j: g3.at[pl.ds(j * STG, STG)],
                      lambda j: acc_sh.at[pl.ds(j * STG, STG)], s, rows0)
        plsc.subcore_barrier()

        base = (c * NTILE + s) * NCHP
        pltpu.sync_copy(srcp2.at[pl.ds(base, NCHP)], src_all)
        pltpu.sync_copy(dstp2.at[pl.ds(base, NCHP)], dst_all)
        _edge_pipeline(g3, acc_sh, src_all, dst_all, rows0, rows1,
                       ga0, ga1, ssem0, ssem1)

        plsc.subcore_barrier()
        _stage_blocks(lambda j: acc_sh.at[pl.ds(j * STG, STG)],
                      lambda j: acc.at[c].at[pl.ds(j * STG, STG)], s, rows0)

    return pl.kernel(
        body,
        out_type=jax.ShapeDtypeStruct((NCORE, NPAD, HALF), jnp.float32),
        mesh=_MESH, scratch_types=scratch)


def _make_deg():
    scratch = [
        pltpu.VMEM((NCHP, CH), jnp.int32),
        pltpu.VMEM((CH, HALF), jnp.float32),
        pltpu.VMEM((STG, HALF), jnp.float32),
        pltpu.VMEM_SHARED((NPAD, HALF), jnp.float32),
        pltpu.SemaphoreType.DMA,
        pltpu.SemaphoreType.DMA,
    ]

    def body(dstp2, deg, dst_all, ones, zb, deg_sh, dsem0, dsem1):
        c = lax.axis_index("c")
        s = lax.axis_index("s")

        def fill(buf, val, n):
            def row(i, carry):
                for j in range(HALF // C16):
                    buf[i, pl.ds(j * C16, C16)] = jnp.full(
                        (C16,), val, jnp.float32)
                return carry
            lax.fori_loop(0, n, row, 0)

        fill(ones, 1.0, CH)
        fill(zb, 0.0, STG)

        def init_blk(k, carry):
            j = s + k * NTILE
            @pl.when(j < NBLK)
            def _():
                pltpu.sync_copy(zb, deg_sh.at[pl.ds(j * STG, STG)])
            return carry
        lax.fori_loop(0, (NBLK + NTILE - 1) // NTILE, init_blk, 0)
        plsc.subcore_barrier()

        base = (c * NTILE + s) * NCHP
        pltpu.sync_copy(dstp2.at[pl.ds(base, NCHP)], dst_all)

        def drain_ones(sem):
            pltpu.make_async_copy(ones, deg_sh.at[pl.ds(0, CH)], sem).wait()

        def chunk2(kk, carry):
            k = 2 * kk
            @pl.when(k >= 2)
            def _():
                drain_ones(dsem0)
            pltpu.async_copy(ones, deg_sh.at[dst_all.at[k]], dsem0,
                             add=True)
            @pl.when(k >= 1)
            def _():
                drain_ones(dsem1)
            pltpu.async_copy(ones, deg_sh.at[dst_all.at[k + 1]], dsem1,
                             add=True)
            return carry
        lax.fori_loop(0, NCHP // 2, chunk2, 0)
        drain_ones(dsem0)
        drain_ones(dsem1)

        plsc.subcore_barrier()

        def out_blk(k, carry):
            j = s + k * NTILE
            @pl.when(j < NBLK)
            def _():
                pltpu.sync_copy(deg_sh.at[pl.ds(j * STG, STG)], zb)
                pltpu.sync_copy(zb, deg.at[c].at[pl.ds(j * STG, STG)])
            return carry
        lax.fori_loop(0, (NBLK + NTILE - 1) // NTILE, out_blk, 0)

    return pl.kernel(
        body,
        out_type=jax.ShapeDtypeStruct((NCORE, NPAD, HALF), jnp.float32),
        mesh=_MESH, scratch_types=scratch)


def _mm0(x, w):
    def body(x_ref, w_ref, o_ref):
        g = jnp.dot(x_ref[...], w_ref[...],
                    preferred_element_type=jnp.float32)
        o_ref[0] = g[:, :HALF]
        o_ref[1] = g[:, HALF:]
    return pl.pallas_call(
        body,
        grid=(NPAD // BM,),
        in_specs=[pl.BlockSpec((BM, D), lambda i: (i, 0)),
                  pl.BlockSpec((D, D), lambda i: (0, 0))],
        out_specs=pl.BlockSpec((NCORE, BM, HALF), lambda i: (0, i, 0)),
        out_shape=jax.ShapeDtypeStruct((NCORE, NPAD, HALF), jnp.float32),
    )(x, w)


def _norm_relu_mm(agg, deg2, b_prev, w, outw):
    def body(a_ref, d_ref, b_ref, w_ref, o_ref):
        a = jnp.concatenate([a_ref[0], a_ref[1]], axis=1)
        d = d_ref[0, :, 0:1] + d_ref[1, :, 0:1]
        dinv = 1.0 / jnp.maximum(d, 1.0)
        h = jnp.maximum(a * dinv + b_ref[...], 0.0)
        g = jnp.dot(h, w_ref[...], preferred_element_type=jnp.float32)
        if outw == D:
            o_ref[0] = g[:, :HALF]
            o_ref[1] = g[:, HALF:]
        else:
            o_ref[...] = g
    if outw == D:
        out_spec = pl.BlockSpec((NCORE, BM, HALF), lambda i: (0, i, 0))
        out_shape = jax.ShapeDtypeStruct((NCORE, NPAD, HALF), jnp.float32)
    else:
        out_spec = pl.BlockSpec((BM, outw), lambda i: (i, 0))
        out_shape = jax.ShapeDtypeStruct((NPAD, outw), jnp.float32)
    return pl.pallas_call(
        body,
        grid=(NPAD // BM,),
        in_specs=[pl.BlockSpec((NCORE, BM, HALF), lambda i: (0, i, 0)),
                  pl.BlockSpec((NCORE, BM, HALF), lambda i: (0, i, 0)),
                  pl.BlockSpec((1, D), lambda i: (0, 0)),
                  pl.BlockSpec((D, outw), lambda i: (0, 0))],
        out_specs=out_spec,
        out_shape=out_shape,
    )(agg, deg2, b_prev, w)


def _final(acc, g3, deg2, b2):
    def body(a_ref, g_ref, d_ref, b_ref, o_ref):
        t = (a_ref[0, :, :C16] + a_ref[1, :, :C16]) - g_ref[:, :C16]
        d = d_ref[0, :, 0:1] + d_ref[1, :, 0:1]
        dinv = 1.0 / jnp.maximum(d, 1.0)
        o_ref[...] = t * dinv + b_ref[...]
    return pl.pallas_call(
        body,
        grid=(NPAD // BM,),
        in_specs=[pl.BlockSpec((NCORE, BM, HALF), lambda i: (0, i, 0)),
                  pl.BlockSpec((BM, HALF), lambda i: (i, 0)),
                  pl.BlockSpec((NCORE, BM, HALF), lambda i: (0, i, 0)),
                  pl.BlockSpec((1, C16), lambda i: (0, 0))],
        out_specs=pl.BlockSpec((BM, C16), lambda i: (i, 0)),
        out_shape=jax.ShapeDtypeStruct((NPAD, C16), jnp.float32),
    )(acc, g3, deg2, b2)


_agg_wide = _make_agg_wide()
_deg_count = _make_deg()
_agg3 = _make_agg3()


def kernel(x, edge_index, W0, b0, W1, b1, W2, b2):
    src = edge_index[0]
    dst = edge_index[1]
    pad = EPAD - E
    pk = jnp.arange(pad, dtype=jnp.int32)
    srcp2 = jnp.concatenate([src, pk % N]).reshape(ECH, CH)
    dstp2 = jnp.concatenate([dst, N + (pk % NSINK)]).reshape(ECH, CH)

    xp = jnp.pad(x, ((0, NPAD - N), (0, 0)))
    deg2 = _deg_count(dstp2)
    g1 = _mm0(xp, W0)
    agg1 = _agg_wide(srcp2, dstp2, g1)
    g2 = _norm_relu_mm(agg1, deg2, b0.reshape(1, D), W1, D)
    agg2 = _agg_wide(srcp2, dstp2, g2)
    W2p = jnp.pad(W2, ((0, 0), (0, HALF - C16)))
    g3 = _norm_relu_mm(agg2, deg2, b1.reshape(1, D), W2p, HALF)
    acc = _agg3(srcp2, dstp2, g3)
    return _final(acc, g3, deg2, b2.reshape(1, C16))[:N]

# --- scband reference (transcript-rebuilt; emitter-appended) ---
"""Pipeline reference for scband-gnn-71236327572210 (READ-ONLY COPY).

The authoritative reference and input builder live on the scoring server;
editing this copy changes nothing except your own understanding.
"""

import jax, jax.numpy as jnp
import numpy as np

N = 10000
E = 160000
D = 256
H = 256
C = 16


def _xavier_uniform(key, fan_in, fan_out, gain):
    limit = gain * np.sqrt(6.0 / (fan_in + fan_out))
    return jax.random.uniform(key, (fan_in, fan_out), dtype=jnp.float32, minval=-limit, maxval=limit)


def setup_inputs(seed: int = 0) -> dict:
    key = jax.random.key(seed)
    ks = jax.random.split(key, 8)
    gain = np.sqrt(2.0)  # calculate_gain('relu')
    x = jax.random.normal(ks[0], (N, D), dtype=jnp.float32)
    edge_index = jax.random.randint(ks[1], (2, E), 0, N, dtype=jnp.int32)
    W0 = _xavier_uniform(ks[2], D, H, gain)
    b0 = jnp.zeros((H,), dtype=jnp.float32)
    W1 = _xavier_uniform(ks[3], H, H, gain)
    b1 = jnp.zeros((H,), dtype=jnp.float32)
    W2 = _xavier_uniform(ks[4], H, C, gain)
    b2 = jnp.zeros((C,), dtype=jnp.float32)
    return {"x": x, "edge_index": edge_index, "W0": W0, "b0": b0, "W1": W1, "b1": b1, "W2": W2, "b2": b2}


def reference(x, edge_index, W0, b0, W1, b1, W2, b2):
    # GNN with MeanAggregator (DGL update_all with copy_src + mean-style reduce):
    # per layer: h_i <- act( W @ ((sum_{j in N(i)} h_j + h_i) / in_deg(i)) + b )
    src = edge_index[0]
    dst = edge_index[1]
    deg = jnp.zeros((N,), dtype=jnp.float32).at[dst].add(1.0)
    deg = jnp.maximum(deg, 1.0)  # guard isolated nodes (norm inf -> 0 in original)

    def layer(h, W, b, act):
        msg = h[src]  # copy_src gather
        agg = jnp.zeros((N, h.shape[1]), dtype=h.dtype).at[dst].add(msg)  # mailbox sum
        h2 = (agg + h) / deg[:, None]  # concat(nei, self) then sum / in_deg
        h2 = h2 @ W + b
        if act:
            h2 = jax.nn.relu(h2)
        return h2

    h = layer(x, W0, b0, True)   # in_feats -> n_hidden
    h = layer(h, W1, b1, True)   # n_hidden -> n_hidden (n_layers-1 = 1 extra)
    h = layer(h, W2, b2, False)  # n_hidden -> n_classes, no activation
    return h

if __name__ == "__main__":
    import jax
    _d = setup_inputs()
    print(jax.jit(kernel)(*tuple(_d.values())))

</pallas_src>

<mosaic_0001>
#map = affine_map<(d0, d1) -> (0, 0)>
#map1 = affine_map<(d0, d1) -> (0, 0, 0)>
module attributes {stable_mosaic.version = 14 : i64} {
  func.func @body(%arg0: i32, %arg1: i32, %arg2: memref<1280x128xi32, #tpu.memory_space<hbm>>, %arg3: memref<2x10112x128xf32, #tpu.memory_space<hbm>>, %arg4: memref<40x128xi32, #tpu.memory_space<vmem>>, %arg5: memref<128x128xf32, #tpu.memory_space<vmem>>, %arg6: memref<128x128xf32, #tpu.memory_space<vmem>>, %arg7: memref<10112x128xf32, #tpu.memory_space<vmem_shared>>, %arg8: memref<!tpu.dma_semaphore, #tpu.memory_space<semaphore_mem>>, %arg9: memref<!tpu.dma_semaphore, #tpu.memory_space<semaphore_mem>>) attributes {dimension_semantics = [#tpu.dimension_semantics<core_parallel>, #tpu.dimension_semantics<subcore_parallel>], iteration_bounds = array<i64: 2, 16>, scalar_prefetch = 0 : i64, scratch_operands = 6 : i64, tpu.core_type = #tpu.core_type<sc_vector_subcore>, window_params = [{transform_indices = #map}, {transform_indices = #map1}]} {
    %scan3A = arith.constant 0 : i32
    %scan3A_0 = arith.constant 0 : i32
    %scan3A_1 = arith.constant 128 : i32
    %scan3A_2 = arith.addi %scan3A_0, %scan3A_1 : i32
    %scan3A_3 = arith.constant 1 : i32
    scf.for %scan3A_44 = %scan3A_0 to %scan3A_2 step %scan3A_3  : i32 {
      %broadcast_in_dim3A = arith.constant 1.000000e+00 : f32
      %broadcast_in_dim3A_45 = vector.broadcast %broadcast_in_dim3A : f32 to vector<16xf32>
      %swap3A = arith.index_cast %scan3A_44 : i32 to index
      %swap3A_46 = arith.constant 0 : index
      %swap3A_47 = tpu.vector_load %arg5[%swap3A, %swap3A_46] {strides = array<i32>} : memref<128x128xf32, #tpu.memory_space<vmem>>, vector<1x16xf32>,
      %swap3A_48 = vector.shape_cast %swap3A_47 : vector<1x16xf32> to vector<16xf32>
      %swap3A_49 = vector.shape_cast %broadcast_in_dim3A_45 : vector<16xf32> to vector<1x16xf32>
      tpu.vector_store %arg5[%swap3A, %swap3A_46], %swap3A_49 {strides = array<i32>} : memref<128x128xf32, #tpu.memory_space<vmem>>, vector<1x16xf32>,
      %broadcast_in_dim3A_50 = arith.constant 1.000000e+00 : f32
      %broadcast_in_dim3A_51 = vector.broadcast %broadcast_in_dim3A_50 : f32 to vector<16xf32>
      %swap3A_52 = arith.index_cast %scan3A_44 : i32 to index
      %swap3A_53 = arith.constant 16 : index
      %swap3A_54 = tpu.vector_load %arg5[%swap3A_52, %swap3A_53] {strides = array<i32>} : memref<128x128xf32, #tpu.memory_space<vmem>>, vector<1x16xf32>,
      %swap3A_55 = vector.shape_cast %swap3A_54 : vector<1x16xf32> to vector<16xf32>
      %swap3A_56 = vector.shape_cast %broadcast_in_dim3A_51 : vector<16xf32> to vector<1x16xf32>
      tpu.vector_store %arg5[%swap3A_52, %swap3A_53], %swap3A_56 {strides = array<i32>} : memref<128x128xf32, #tpu.memory_space<vmem>>, vector<1x16xf32>,
      %broadcast_in_dim3A_57 = arith.constant 1.000000e+00 : f32
      %broadcast_in_dim3A_58 = vector.broadcast %broadcast_in_dim3A_57 : f32 to vector<16xf32>
      %swap3A_59 = arith.index_cast %scan3A_44 : i32 to index
      %swap3A_60 = arith.constant 32 : index
      %swap3A_61 = tpu.vector_load %arg5[%swap3A_59, %swap3A_60] {strides = array<i32>} : memref<128x128xf32, #tpu.memory_space<vmem>>, vector<1x16xf32>,
      %swap3A_62 = vector.shape_cast %swap3A_61 : vector<1x16xf32> to vector<16xf32>
      %swap3A_63 = vector.shape_cast %broadcast_in_dim3A_58 : vector<16xf32> to vector<1x16xf32>
      tpu.vector_store %arg5[%swap3A_59, %swap3A_60], %swap3A_63 {strides = array<i32>} : memref<128x128xf32, #tpu.memory_space<vmem>>, vector<1x16xf32>,
      %broadcast_in_dim3A_64 = arith.constant 1.000000e+00 : f32
      %broadcast_in_dim3A_65 = vector.broadcast %broadcast_in_dim3A_64 : f32 to vector<16xf32>
      %swap3A_66 = arith.index_cast %scan3A_44 : i32 to index
      %swap3A_67 = arith.constant 48 : index
      %swap3A_68 = tpu.vector_load %arg5[%swap3A_66, %swap3A_67] {strides = array<i32>} : memref<128x128xf32, #tpu.memory_space<vmem>>, vector<1x16xf32>,
      %swap3A_69 = vector.shape_cast %swap3A_68 : vector<1x16xf32> to vector<16xf32>
      %swap3A_70 = vector.shape_cast %broadcast_in_dim3A_65 : vector<16xf32> to vector<1x16xf32>
      tpu.vector_store %arg5[%swap3A_66, %swap3A_67], %swap3A_70 {strides = array<i32>} : memref<128x128xf32, #tpu.memory_space<vmem>>, vector<1x16xf32>,
      %broadcast_in_dim3A_71 = arith.constant 1.000000e+00 : f32
      %broadcast_in_dim3A_72 = vector.broadcast %broadcast_in_dim3A_71 : f32 to vector<16xf32>
      %swap3A_73 = arith.index_cast %scan3A_44 : i32 to index
      %swap3A_74 = arith.constant 64 : index
      %swap3A_75 = tpu.vector_load %arg5[%swap3A_73, %swap3A_74] {strides = array<i32>} : memref<128x128xf32, #tpu.memory_space<vmem>>, vector<1x16xf32>,
      %swap3A_76 = vector.shape_cast %swap3A_75 : vector<1x16xf32> to vector<16xf32>
      %swap3A_77 = vector.shape_cast %broadcast_in_dim3A_72 : vector<16xf32> to vector<1x16xf32>
      tpu.vector_store %arg5[%swap3A_73, %swap3A_74], %swap3A_77 {strides = array<i32>} : memref<128x128xf32, #tpu.memory_space<vmem>>, vector<1x16xf32>,
      %broadcast_in_dim3A_78 = arith.constant 1.000000e+00 : f32
      %broadcast_in_dim3A_79 = vector.broadcast %broadcast_in_dim3A_78 : f32 to vector<16xf32>
      %swap3A_80 = arith.index_cast %scan3A_44 : i32 to index
      %swap3A_81 = arith.constant 80 : index
      %swap3A_82 = tpu.vector_load %arg5[%swap3A_80, %swap3A_81] {strides = array<i32>} : memref<128x128xf32, #tpu.memory_space<vmem>>, vector<1x16xf32>,
      %swap3A_83 = vector.shape_cast %swap3A_82 : vector<1x16xf32> to vector<16xf32>
      %swap3A_84 = vector.shape_cast %broadcast_in_dim3A_79 : vector<16xf32> to vector<1x16xf32>
      tpu.vector_store %arg5[%swap3A_80, %swap3A_81], %swap3A_84 {strides = array<i32>} : memref<128x128xf32, #tpu.memory_space<vmem>>, vector<1x16xf32>,
      %broadcast_in_dim3A_85 = arith.constant 1.000000e+00 : f32
      %broadcast_in_dim3A_86 = vector.broadcast %broadcast_in_dim3A_85 : f32 to vector<16xf32>
      %swap3A_87 = arith.index_cast %scan3A_44 : i32 to index
      %swap3A_88 = arith.constant 96 : index
      %swap3A_89 = tpu.vector_load %arg5[%swap3A_87, %swap3A_88] {strides = array<i32>} : memref<128x128xf32, #tpu.memory_space<vmem>>, vector<1x16xf32>,
      %swap3A_90 = vector.shape_cast %swap3A_89 : vector<1x16xf32> to vector<16xf32>
      %swap3A_91 = vector.shape_cast %broadcast_in_dim3A_86 : vector<16xf32> to vector<1x16xf32>
      tpu.vector_store %arg5[%swap3A_87, %swap3A_88], %swap3A_91 {strides = array<i32>} : memref<128x128xf32, #tpu.memory_space<vmem>>, vector<1x16xf32>,
      %broadcast_in_dim3A_92 = arith.constant 1.000000e+00 : f32
      %broadcast_in_dim3A_93 = vector.broadcast %broadcast_in_dim3A_92 : f32 to vector<16xf32>
      %swap3A_94 = arith.index_cast %scan3A_44 : i32 to index
      %swap3A_95 = arith.constant 112 : index
      %swap3A_96 = tpu.vector_load %arg5[%swap3A_94, %swap3A_95] {strides = array<i32>} : memref<128x128xf32, #tpu.memory_space<vmem>>, vector<1x16xf32>,
      %swap3A_97 = vector.shape_cast %swap3A_96 : vector<1x16xf32> to vector<16xf32>
      %swap3A_98 = vector.shape_cast %broadcast_in_dim3A_93 : vector<16xf32> to vector<1x16xf32>
      tpu.vector_store %arg5[%swap3A_94, %swap3A_95], %swap3A_98 {strides = array<i32>} : memref<128x128xf32, #tpu.memory_space<vmem>>, vector<1x16xf32>,
    }
    %scan3A_4 = arith.constant 128 : i32
    %scan3A_5 = arith.constant 0 : i32
    %scan3A_6 = arith.constant 0 : i32
    %scan3A_7 = arith.constant 128 : i32
    %scan3A_8 = arith.addi %scan3A_6, %scan3A_7 : i32
    %scan3A_9 = arith.constant 1 : i32
    scf.for %scan3A_44 = %scan3A_6 to %scan3A_8 step %scan3A_9  : i32 {
      %broadcast_in_dim3A = arith.constant 0.000000e+00 : f32
      %broadcast_in_dim3A_45 = vector.broadcast %broadcast_in_dim3A : f32 to vector<16xf32>
      %swap3A = arith.index_cast %scan3A_44 : i32 to index
      %swap3A_46 = arith.constant 0 : index
      %swap3A_47 = tpu.vector_load %arg6[%swap3A, %swap3A_46] {strides = array<i32>} : memref<128x128xf32, #tpu.memory_space<vmem>>, vector<1x16xf32>,
      %swap3A_48 = vector.shape_cast %swap3A_47 : vector<1x16xf32> to vector<16xf32>
      %swap3A_49 = vector.shape_cast %broadcast_in_dim3A_45 : vector<16xf32> to vector<1x16xf32>
      tpu.vector_store %arg6[%swap3A, %swap3A_46], %swap3A_49 {strides = array<i32>} : memref<128x128xf32, #tpu.memory_space<vmem>>, vector<1x16xf32>,
      %broadcast_in_dim3A_50 = arith.constant 0.000000e+00 : f32
      %broadcast_in_dim3A_51 = vector.broadcast %broadcast_in_dim3A_50 : f32 to vector<16xf32>
      %swap3A_52 = arith.index_cast %scan3A_44 : i32 to index
      %swap3A_53 = arith.constant 16 : index
      %swap3A_54 = tpu.vector_load %arg6[%swap3A_52, %swap3A_53] {strides = array<i32>} : memref<128x128xf32, #tpu.memory_space<vmem>>, vector<1x16xf32>,
      %swap3A_55 = vector.shape_cast %swap3A_54 : vector<1x16xf32> to vector<16xf32>
      %swap3A_56 = vector.shape_cast %broadcast_in_dim3A_51 : vector<16xf32> to vector<1x16xf32>
      tpu.vector_store %arg6[%swap3A_52, %swap3A_53], %swap3A_56 {strides = array<i32>} : memref<128x128xf32, #tpu.memory_space<vmem>>, vector<1x16xf32>,
      %broadcast_in_dim3A_57 = arith.constant 0.000000e+00 : f32
      %broadcast_in_dim3A_58 = vector.broadcast %broadcast_in_dim3A_57 : f32 to vector<16xf32>
      %swap3A_59 = arith.index_cast %scan3A_44 : i32 to index
      %swap3A_60 = arith.constant 32 : index
      %swap3A_61 = tpu.vector_load %arg6[%swap3A_59, %swap3A_60] {strides = array<i32>} : memref<128x128xf32, #tpu.memory_space<vmem>>, vector<1x16xf32>,
      %swap3A_62 = vector.shape_cast %swap3A_61 : vector<1x16xf32> to vector<16xf32>
      %swap3A_63 = vector.shape_cast %broadcast_in_dim3A_58 : vector<16xf32> to vector<1x16xf32>
      tpu.vector_store %arg6[%swap3A_59, %swap3A_60], %swap3A_63 {strides = array<i32>} : memref<128x128xf32, #tpu.memory_space<vmem>>, vector<1x16xf32>,
      %broadcast_in_dim3A_64 = arith.constant 0.000000e+00 : f32
      %broadcast_in_dim3A_65 = vector.broadcast %broadcast_in_dim3A_64 : f32 to vector<16xf32>
      %swap3A_66 = arith.index_cast %scan3A_44 : i32 to index
      %swap3A_67 = arith.constant 48 : index
      %swap3A_68 = tpu.vector_load %arg6[%swap3A_66, %swap3A_67] {strides = array<i32>} : memref<128x128xf32, #tpu.memory_space<vmem>>, vector<1x16xf32>,
      %swap3A_69 = vector.shape_cast %swap3A_68 : vector<1x16xf32> to vector<16xf32>
      %swap3A_70 = vector.shape_cast %broadcast_in_dim3A_65 : vector<16xf32> to vector<1x16xf32>
      tpu.vector_store %arg6[%swap3A_66, %swap3A_67], %swap3A_70 {strides = array<i32>} : memref<128x128xf32, #tpu.memory_space<vmem>>, vector<1x16xf32>,
      %broadcast_in_dim3A_71 = arith.constant 0.000000e+00 : f32
      %broadcast_in_dim3A_72 = vector.broadcast %broadcast_in_dim3A_71 : f32 to vector<16xf32>
      %swap3A_73 = arith.index_cast %scan3A_44 : i32 to index
      %swap3A_74 = arith.constant 64 : index
      %swap3A_75 = tpu.vector_load %arg6[%swap3A_73, %swap3A_74] {strides = array<i32>} : memref<128x128xf32, #tpu.memory_space<vmem>>, vector<1x16xf32>,
      %swap3A_76 = vector.shape_cast %swap3A_75 : vector<1x16xf32> to vector<16xf32>
      %swap3A_77 = vector.shape_cast %broadcast_in_dim3A_72 : vector<16xf32> to vector<1x16xf32>
      tpu.vector_store %arg6[%swap3A_73, %swap3A_74], %swap3A_77 {strides = array<i32>} : memref<128x128xf32, #tpu.memory_space<vmem>>, vector<1x16xf32>,
      %broadcast_in_dim3A_78 = arith.constant 0.000000e+00 : f32
      %broadcast_in_dim3A_79 = vector.broadcast %broadcast_in_dim3A_78 : f32 to vector<16xf32>
      %swap3A_80 = arith.index_cast %scan3A_44 : i32 to index
      %swap3A_81 = arith.constant 80 : index
      %swap3A_82 = tpu.vector_load %arg6[%swap3A_80, %swap3A_81] {strides = array<i32>} : memref<128x128xf32, #tpu.memory_space<vmem>>, vector<1x16xf32>,
      %swap3A_83 = vector.shape_cast %swap3A_82 : vector<1x16xf32> to vector<16xf32>
      %swap3A_84 = vector.shape_cast %broadcast_in_dim3A_79 : vector<16xf32> to vector<1x16xf32>
      tpu.vector_store %arg6[%swap3A_80, %swap3A_81], %swap3A_84 {strides = array<i32>} : memref<128x128xf32, #tpu.memory_space<vmem>>, vector<1x16xf32>,
      %broadcast_in_dim3A_85 = arith.constant 0.000000e+00 : f32
      %broadcast_in_dim3A_86 = vector.broadcast %broadcast_in_dim3A_85 : f32 to vector<16xf32>
      %swap3A_87 = arith.index_cast %scan3A_44 : i32 to index
      %swap3A_88 = arith.constant 96 : index
      %swap3A_89 = tpu.vector_load %arg6[%swap3A_87, %swap3A_88] {strides = array<i32>} : memref<128x128xf32, #tpu.memory_space<vmem>>, vector<1x16xf32>,
      %swap3A_90 = vector.shape_cast %swap3A_89 : vector<1x16xf32> to vector<16xf32>
      %swap3A_91 = vector.shape_cast %broadcast_in_dim3A_86 : vector<16xf32> to vector<1x16xf32>
      tpu.vector_store %arg6[%swap3A_87, %swap3A_88], %swap3A_91 {strides = array<i32>} : memref<128x128xf32, #tpu.memory_space<vmem>>, vector<1x16xf32>,
      %broadcast_in_dim3A_92 = arith.constant 0.000000e+00 : f32
      %broadcast_in_dim3A_93 = vector.broadcast %broadcast_in_dim3A_92 : f32 to vector<16xf32>
      %swap3A_94 = arith.index_cast %scan3A_44 : i32 to index
      %swap3A_95 = arith.constant 112 : index
      %swap3A_96 = tpu.vector_load %arg6[%swap3A_94, %swap3A_95] {strides = array<i32>} : memref<128x128xf32, #tpu.memory_space<vmem>>, vector<1x16xf32>,
      %swap3A_97 = vector.shape_cast %swap3A_96 : vector<1x16xf32> to vector<16xf32>
      %swap3A_98 = vector.shape_cast %broadcast_in_dim3A_93 : vector<16xf32> to vector<1x16xf32>
      tpu.vector_store %arg6[%swap3A_94, %swap3A_95], %swap3A_98 {strides = array<i32>} : memref<128x128xf32, #tpu.memory_space<vmem>>, vector<1x16xf32>,
    }
    %scan3A_10 = arith.constant 128 : i32
    %scan3A_11 = arith.constant 0 : i32
    %scan3A_12 = arith.constant 0 : i32
    %scan3A_13 = arith.constant 5 : i32
    %scan3A_14 = arith.addi %scan3A_12, %scan3A_13 : i32
    %scan3A_15 = arith.constant 1 : i32
    scf.for %scan3A_44 = %scan3A_12 to %scan3A_14 step %scan3A_15  : i32 {
      %mul3A_45 = arith.constant 16 : i32
      %mul3A_46 = arith.muli %scan3A_44, %mul3A_45 : i32
      %add3A_47 = arith.addi %arg1, %mul3A_46 : i32
      %lt3A = arith.constant 79 : i32
      %lt3A_48 = arith.cmpi slt, %add3A_47, %lt3A : i32
      %convert_element_type3A = arith.extui %lt3A_48 : i1 to i32
      %cond3A = arith.constant 0 : i32
      %cond3A_49 = arith.cmpi ne, %convert_element_type3A, %cond3A : i32
      scf.if %cond3A_49 {
        %mul3A_50 = arith.constant 128 : i32
        %mul3A_51 = arith.muli %add3A_47, %mul3A_50 : i32
        "tpu.region"() ({
          %run_scoped3A = tpu.sem_alloc : memref<!tpu.dma_semaphore, #tpu.memory_space<semaphore_mem>>
          %dma_start3A = arith.constant 0 : i32
          %dma_start3A_52 = tpu.memref_slice %arg7[%mul3A_51, %dma_start3A] : memref<10112x128xf32, #tpu.memory_space<vmem_shared>> -> memref<128x128xf32, #tpu.memory_space<vmem_shared>>
          %dma_start3A_53 = arith.constant 0 : i32
          %dma_start3A_54 = tpu.memref_slice %arg7[%mul3A_51, %dma_start3A_53] : memref<10112x128xf32, #tpu.memory_space<vmem_shared>> -> memref<128x128xf32, #tpu.memory_space<vmem_shared>>
          tpu.enqueue_dma source(%arg6 : memref<128x128xf32, #tpu.memory_space<vmem>>) target(%dma_start3A_54 : memref<128x128xf32, #tpu.memory_space<vmem_shared>>) target_semaphore(%run_scoped3A : memref<!tpu.dma_semaphore, #tpu.memory_space<semaphore_mem>>)
          %dma_wait3A_55 = arith.constant 0 : i32
          %dma_wait3A_56 = tpu.memref_slice %arg7[%mul3A_51, %dma_wait3A_55] : memref<10112x128xf32, #tpu.memory_space<vmem_shared>> -> memref<128x128xf32, #tpu.memory_space<vmem_shared>>
          %dma_wait3A_57 = arith.constant 0 : i32
          %dma_wait3A_58 = tpu.memref_slice %arg7[%mul3A_51, %dma_wait3A_57] : memref<10112x128xf32, #tpu.memory_space<vmem_shared>> -> memref<128x128xf32, #tpu.memory_space<vmem_shared>>
          tpu.wait_dma2 semaphore(%run_scoped3A : memref<!tpu.dma_semaphore, #tpu.memory_space<semaphore_mem>>) src(%arg6 : memref<128x128xf32, #tpu.memory_space<vmem>>) dst(%dma_wait3A_58 : memref<128x128xf32, #tpu.memory_space<vmem_shared>>)
          tpu.yield
        }) : () -> ()
      } else {
      }
    }
    %scan3A_16 = arith.constant 5 : i32
    %barrier3A = arith.constant 0 : index
    tpu.barrier barrier_id(%barrier3A)
    %mul3A = arith.constant 16 : i32
    %mul3A_17 = arith.muli %arg0, %mul3A : i32
    %add3A = arith.addi %mul3A_17, %arg1 : i32
    %mul3A_18 = arith.constant 40 : i32
    %mul3A_19 = arith.muli %add3A, %mul3A_18 : i32
    "tpu.region"() ({
      %run_scoped3A = tpu.sem_alloc : memref<!tpu.dma_semaphore, #tpu.memory_space<semaphore_mem>>
      %dma_start3A = arith.constant 0 : i32
      %dma_start3A_44 = tpu.memref_slice %arg2[%mul3A_19, %dma_start3A] : memref<1280x128xi32, #tpu.memory_space<hbm>> -> memref<40x128xi32, #tpu.memory_space<hbm>>
      %dma_start3A_45 = arith.constant 0 : i32
      %dma_start3A_46 = tpu.memref_slice %arg2[%mul3A_19, %dma_start3A_45] : memref<1280x128xi32, #tpu.memory_space<hbm>> -> memref<40x128xi32, #tpu.memory_space<hbm>>
      tpu.enqueue_dma source(%dma_start3A_46 : memref<40x128xi32, #tpu.memory_space<hbm>>) target(%arg4 : memref<40x128xi32, #tpu.memory_space<vmem>>) target_semaphore(%run_scoped3A : memref<!tpu.dma_semaphore, #tpu.memory_space<semaphore_mem>>)
      %dma_wait3A_47 = arith.constant 0 : i32
      %dma_wait3A_48 = tpu.memref_slice %arg2[%mul3A_19, %dma_wait3A_47] : memref<1280x128xi32, #tpu.memory_space<hbm>> -> memref<40x128xi32, #tpu.memory_space<hbm>>
      %dma_wait3A_49 = arith.constant 0 : i32
      %dma_wait3A_50 = tpu.memref_slice %arg2[%mul3A_19, %dma_wait3A_49] : memref<1280x128xi32, #tpu.memory_space<hbm>> -> memref<40x128xi32, #tpu.memory_space<hbm>>
      tpu.wait_dma2 semaphore(%run_scoped3A : memref<!tpu.dma_semaphore, #tpu.memory_space<semaphore_mem>>) src(%dma_wait3A_50 : memref<40x128xi32, #tpu.memory_space<hbm>>) dst(%arg4 : memref<40x128xi32, #tpu.memory_space<vmem>>)
      tpu.yield
    }) : () -> ()
    %scan3A_20 = arith.constant 0 : i32
    %scan3A_21 = arith.constant 0 : i32
    %scan3A_22 = arith.constant 20 : i32
    %scan3A_23 = arith.addi %scan3A_21, %scan3A_22 : i32
    %scan3A_24 = arith.constant 1 : i32
    scf.for %scan3A_44 = %scan3A_21 to %scan3A_23 step %scan3A_24  : i32 {
      %mul3A_45 = arith.constant 2 : i32
      %mul3A_46 = arith.muli %mul3A_45, %scan3A_44 : i32
      %ge3A = arith.constant 2 : i32
      %ge3A_47 = arith.cmpi sge, %mul3A_46, %ge3A : i32
      %convert_element_type3A = arith.extui %ge3A_47 : i1 to i32
      %cond3A = arith.constant 0 : i32
      %cond3A_48 = arith.cmpi ne, %convert_element_type3A, %cond3A : i32
      scf.if %cond3A_48 {
        %dma_wait3A_67 = arith.constant 0 : i32
        %dma_wait3A_68 = arith.constant 0 : i32
        %dma_wait3A_69 = tpu.memref_slice %arg7[%dma_wait3A_67, %dma_wait3A_68] : memref<10112x128xf32, #tpu.memory_space<vmem_shared>> -> memref<128x128xf32, #tpu.memory_space<vmem_shared>>
        %dma_wait3A_70 = arith.constant 0 : i32
        %dma_wait3A_71 = arith.constant 0 : i32
        %dma_wait3A_72 = tpu.memref_slice %arg7[%dma_wait3A_70, %dma_wait3A_71] : memref<10112x128xf32, #tpu.memory_space<vmem_shared>> -> memref<128x128xf32, #tpu.memory_space<vmem_shared>>
        tpu.wait_dma2 semaphore(%arg8 : memref<!tpu.dma_semaphore, #tpu.memory_space<semaphore_mem>>) src(%arg5 : memref<128x128xf32, #tpu.memory_space<vmem>>) dst(%dma_wait3A_72 : memref<128x128xf32, #tpu.memory_space<vmem_shared>>)
      } else {
      }
      %dma_start3A = arith.constant 0 : i32
      %dma_start3A_49 = tpu.memref_slice %arg4[%mul3A_46, %dma_start3A] : memref<40x128xi32, #tpu.memory_space<vmem>> -> memref<1x128xi32, #tpu.memory_space<vmem>>
      %dma_start3A_50 = tpu.memref_squeeze %dma_start3A_49 : memref<1x128xi32, #tpu.memory_space<vmem>> -> memref<128xi32, #tpu.memory_space<vmem>>
      %dma_start3A_51 = arith.constant 0 : i32
      %dma_start3A_52 = arith.constant 0 : i32
      %dma_start3A_53 = tpu.memref_slice %arg7[%dma_start3A_51, %dma_start3A_52] : memref<10112x128xf32, #tpu.memory_space<vmem_shared>> -> memref<10112x128xf32, #tpu.memory_space<vmem_shared>>
      tpu.enqueue_indirect_dma source(%arg5 : memref<128x128xf32, #tpu.memory_space<vmem>>) target(%dma_start3A_53 : memref<10112x128xf32, #tpu.memory_space<vmem_shared>>) offsets(%dma_start3A_50 : memref<128xi32, #tpu.memory_space<vmem>>) semaphore(%arg8 : memref<!tpu.dma_semaphore, #tpu.memory_space<semaphore_mem>>) {add = true}
      %ge3A_54 = arith.constant 1 : i32
      %ge3A_55 = arith.cmpi sge, %mul3A_46, %ge3A_54 : i32
      %convert_element_type3A_56 = arith.extui %ge3A_55 : i1 to i32
      %cond3A_57 = arith.constant 0 : i32
      %cond3A_58 = arith.cmpi ne, %convert_element_type3A_56, %cond3A_57 : i32
      scf.if %cond3A_58 {
        %dma_wait3A_67 = arith.constant 0 : i32
        %dma_wait3A_68 = arith.constant 0 : i32
        %dma_wait3A_69 = tpu.memref_slice %arg7[%dma_wait3A_67, %dma_wait3A_68] : memref<10112x128xf32, #tpu.memory_space<vmem_shared>> -> memref<128x128xf32, #tpu.memory_space<vmem_shared>>
        %dma_wait3A_70 = arith.constant 0 : i32
        %dma_wait3A_71 = arith.constant 0 : i32
        %dma_wait3A_72 = tpu.memref_slice %arg7[%dma_wait3A_70, %dma_wait3A_71] : memref<10112x128xf32, #tpu.memory_space<vmem_shared>> -> memref<128x128xf32, #tpu.memory_space<vmem_shared>>
        tpu.wait_dma2 semaphore(%arg9 : memref<!tpu.dma_semaphore, #tpu.memory_space<semaphore_mem>>) src(%arg5 : memref<128x128xf32, #tpu.memory_space<vmem>>) dst(%dma_wait3A_72 : memref<128x128xf32, #tpu.memory_space<vmem_shared>>)
      } else {
      }
      %add3A_59 = arith.constant 1 : i32
      %add3A_60 = arith.addi %mul3A_46, %add3A_59 : i32
      %dma_start3A_61 = arith.constant 0 : i32
      %dma_start3A_62 = tpu.memref_slice %arg4[%add3A_60, %dma_start3A_61] : memref<40x128xi32, #tpu.memory_space<vmem>> -> memref<1x128xi32, #tpu.memory_space<vmem>>
      %dma_start3A_63 = tpu.memref_squeeze %dma_start3A_62 : memref<1x128xi32, #tpu.memory_space<vmem>> -> memref<128xi32, #tpu.memory_space<vmem>>
      %dma_start3A_64 = arith.constant 0 : i32
      %dma_start3A_65 = arith.constant 0 : i32
      %dma_start3A_66 = tpu.memref_slice %arg7[%dma_start3A_64, %dma_start3A_65] : memref<10112x128xf32, #tpu.memory_space<vmem_shared>> -> memref<10112x128xf32, #tpu.memory_space<vmem_shared>>
      tpu.enqueue_indirect_dma source(%arg5 : memref<128x128xf32, #tpu.memory_space<vmem>>) target(%dma_start3A_66 : memref<10112x128xf32, #tpu.memory_space<vmem_shared>>) offsets(%dma_start3A_63 : memref<128xi32, #tpu.memory_space<vmem>>) semaphore(%arg9 : memref<!tpu.dma_semaphore, #tpu.memory_space<semaphore_mem>>) {add = true}
    }
    %scan3A_25 = arith.constant 20 : i32
    %dma_wait3A = arith.constant 0 : i32
    %dma_wait3A_26 = arith.constant 0 : i32
    %dma_wait3A_27 = tpu.memref_slice %arg7[%dma_wait3A, %dma_wait3A_26] : memref<10112x128xf32, #tpu.memory_space<vmem_shared>> -> memref<128x128xf32, #tpu.memory_space<vmem_shared>>
    %dma_wait3A_28 = arith.constant 0 : i32
    %dma_wait3A_29 = arith.constant 0 : i32
    %dma_wait3A_30 = tpu.memref_slice %arg7[%dma_wait3A_28, %dma_wait3A_29] : memref<10112x128xf32, #tpu.memory_space<vmem_shared>> -> memref<128x128xf32, #tpu.memory_space<vmem_shared>>
    tpu.wait_dma2 semaphore(%arg8 : memref<!tpu.dma_semaphore, #tpu.memory_space<semaphore_mem>>) src(%arg5 : memref<128x128xf32, #tpu.memory_space<vmem>>) dst(%dma_wait3A_30 : memref<128x128xf32, #tpu.memory_space<vmem_shared>>)
    %dma_wait3A_31 = arith.constant 0 : i32
    %dma_wait3A_32 = arith.constant 0 : i32
    %dma_wait3A_33 = tpu.memref_slice %arg7[%dma_wait3A_31, %dma_wait3A_32] : memref<10112x128xf32, #tpu.memory_space<vmem_shared>> -> memref<128x128xf32, #tpu.memory_space<vmem_shared>>
    %dma_wait3A_34 = arith.constant 0 : i32
    %dma_wait3A_35 = arith.constant 0 : i32
    %dma_wait3A_36 = tpu.memref_slice %arg7[%dma_wait3A_34, %dma_wait3A_35] : memref<10112x128xf32, #tpu.memory_space<vmem_shared>> -> memref<128x128xf32, #tpu.memory_space<vmem_shared>>
    tpu.wait_dma2 semaphore(%arg9 : memref<!tpu.dma_semaphore, #tpu.memory_space<semaphore_mem>>) src(%arg5 : memref<128x128xf32, #tpu.memory_space<vmem>>) dst(%dma_wait3A_36 : memref<128x128xf32, #tpu.memory_space<vmem_shared>>)
    %barrier3A_37 = arith.constant 0 : index
    tpu.barrier barrier_id(%barrier3A_37)
    %scan3A_38 = arith.constant 0 : i32
    %scan3A_39 = arith.constant 0 : i32
    %scan3A_40 = arith.constant 5 : i32
    %scan3A_41 = arith.addi %scan3A_39, %scan3A_40 : i32
    %scan3A_42 = arith.constant 1 : i32
    scf.for %scan3A_44 = %scan3A_39 to %scan3A_41 step %scan3A_42  : i32 {
      %mul3A_45 = arith.constant 16 : i32
      %mul3A_46 = arith.muli %scan3A_44, %mul3A_45 : i32
      %add3A_47 = arith.addi %arg1, %mul3A_46 : i32
      %lt3A = arith.constant 79 : i32
      %lt3A_48 = arith.cmpi slt, %add3A_47, %lt3A : i32
      %convert_element_type3A = arith.extui %lt3A_48 : i1 to i32
      %cond3A = arith.constant 0 : i32
      %cond3A_49 = arith.cmpi ne, %convert_element_type3A, %cond3A : i32
      scf.if %cond3A_49 {
        %mul3A_50 = arith.constant 128 : i32
        %mul3A_51 = arith.muli %add3A_47, %mul3A_50 : i32
        "tpu.region"() ({
          %run_scoped3A = tpu.sem_alloc : memref<!tpu.dma_semaphore, #tpu.memory_space<semaphore_mem>>
          %dma_start3A = arith.constant 0 : i32
          %dma_start3A_54 = tpu.memref_slice %arg7[%mul3A_51, %dma_start3A] : memref<10112x128xf32, #tpu.memory_space<vmem_shared>> -> memref<128x128xf32, #tpu.memory_space<vmem_shared>>
          %dma_start3A_55 = arith.constant 0 : i32
          %dma_start3A_56 = tpu.memref_slice %arg7[%mul3A_51, %dma_start3A_55] : memref<10112x128xf32, #tpu.memory_space<vmem_shared>> -> memref<128x128xf32, #tpu.memory_space<vmem_shared>>
          tpu.enqueue_dma source(%dma_start3A_56 : memref<128x128xf32, #tpu.memory_space<vmem_shared>>) target(%arg6 : memref<128x128xf32, #tpu.memory_space<vmem>>) target_semaphore(%run_scoped3A : memref<!tpu.dma_semaphore, #tpu.memory_space<semaphore_mem>>)
          %dma_wait3A_57 = arith.constant 0 : i32
          %dma_wait3A_58 = tpu.memref_slice %arg7[%mul3A_51, %dma_wait3A_57] : memref<10112x128xf32, #tpu.memory_space<vmem_shared>> -> memref<128x128xf32, #tpu.memory_space<vmem_shared>>
          %dma_wait3A_59 = arith.constant 0 : i32
          %dma_wait3A_60 = tpu.memref_slice %arg7[%mul3A_51, %dma_wait3A_59] : memref<10112x128xf32, #tpu.memory_space<vmem_shared>> -> memref<128x128xf32, #tpu.memory_space<vmem_shared>>
          tpu.wait_dma2 semaphore(%run_scoped3A : memref<!tpu.dma_semaphore, #tpu.memory_space<semaphore_mem>>) src(%dma_wait3A_60 : memref<128x128xf32, #tpu.memory_space<vmem_shared>>) dst(%arg6 : memref<128x128xf32, #tpu.memory_space<vmem>>)
          tpu.yield
        }) : () -> ()
        %mul3A_52 = arith.constant 128 : i32
        %mul3A_53 = arith.muli %add3A_47, %mul3A_52 : i32
        "tpu.region"() ({
          %run_scoped3A = tpu.sem_alloc : memref<!tpu.dma_semaphore, #tpu.memory_space<semaphore_mem>>
          %dma_start3A = arith.constant 0 : i32
          %dma_start3A_54 = arith.constant 0 : i32
          %dma_start3A_55 = tpu.memref_slice %arg3[%arg0, %dma_start3A, %dma_start3A_54] : memref<2x10112x128xf32, #tpu.memory_space<hbm>> -> memref<1x10112x128xf32, #tpu.memory_space<hbm>>
          %dma_start3A_56 = tpu.memref_squeeze %dma_start3A_55 : memref<1x10112x128xf32, #tpu.memory_space<hbm>> -> memref<10112x128xf32, #tpu.memory_space<hbm>>
          %dma_start3A_57 = arith.constant 0 : i32
          %dma_start3A_58 = tpu.memref_slice %dma_start3A_56[%mul3A_53, %dma_start3A_57] : memref<10112x128xf32, #tpu.memory_space<hbm>> -> memref<128x128xf32, #tpu.memory_space<hbm>>
          %dma_start3A_59 = arith.constant 0 : i32
          %dma_start3A_60 = arith.constant 0 : i32
          %dma_start3A_61 = tpu.memref_slice %arg3[%arg0, %dma_start3A_59, %dma_start3A_60] : memref<2x10112x128xf32, #tpu.memory_space<hbm>> -> memref<1x10112x128xf32, #tpu.memory_space<hbm>>
          %dma_start3A_62 = tpu.memref_squeeze %dma_start3A_61 : memref<1x10112x128xf32, #tpu.memory_space<hbm>> -> memref<10112x128xf32, #tpu.memory_space<hbm>>
          %dma_start3A_63 = arith.constant 0 : i32
          %dma_start3A_64 = tpu.memref_slice %dma_start3A_62[%mul3A_53, %dma_start3A_63] : memref<10112x128xf32, #tpu.memory_space<hbm>> -> memref<128x128xf32, #tpu.memory_space<hbm>>
          tpu.enqueue_dma source(%arg6 : memref<128x128xf32, #tpu.memory_space<vmem>>) target(%dma_start3A_64 : memref<128x128xf32, #tpu.memory_space<hbm>>) target_semaphore(%run_scoped3A : memref<!tpu.dma_semaphore, #tpu.memory_space<semaphore_mem>>)
          %dma_wait3A_65 = arith.constant 0 : i32
          %dma_wait3A_66 = arith.constant 0 : i32
          %dma_wait3A_67 = tpu.memref_slice %arg3[%arg0, %dma_wait3A_65, %dma_wait3A_66] : memref<2x10112x128xf32, #tpu.memory_space<hbm>> -> memref<1x10112x128xf32, #tpu.memory_space<hbm>>
          %dma_wait3A_68 = tpu.memref_squeeze %dma_wait3A_67 : memref<1x10112x128xf32, #tpu.memory_space<hbm>> -> memref<10112x128xf32, #tpu.memory_space<hbm>>
          %dma_wait3A_69 = arith.constant 0 : i32
          %dma_wait3A_70 = tpu.memref_slice %dma_wait3A_68[%mul3A_53, %dma_wait3A_69] : memref<10112x128xf32, #tpu.memory_space<hbm>> -> memref<128x128xf32, #tpu.memory_space<hbm>>
          %dma_wait3A_71 = arith.constant 0 : i32
          %dma_wait3A_72 = arith.constant 0 : i32
          %dma_wait3A_73 = tpu.memref_slice %arg3[%arg0, %dma_wait3A_71, %dma_wait3A_72] : memref<2x10112x128xf32, #tpu.memory_space<hbm>> -> memref<1x10112x128xf32, #tpu.memory_space<hbm>>
          %dma_wait3A_74 = tpu.memref_squeeze %dma_wait3A_73 : memref<1x10112x128xf32, #tpu.memory_space<hbm>> -> memref<10112x128xf32, #tpu.memory_space<hbm>>
          %dma_wait3A_75 = arith.constant 0 : i32
          %dma_wait3A_76 = tpu.memref_slice %dma_wait3A_74[%mul3A_53, %dma_wait3A_75] : memref<10112x128xf32, #tpu.memory_space<hbm>> -> memref<128x128xf32, #tpu.memory_space<hbm>>
          tpu.wait_dma2 semaphore(%run_scoped3A : memref<!tpu.dma_semaphore, #tpu.memory_space<semaphore_mem>>) src(%arg6 : memref<128x128xf32, #tpu.memory_space<vmem>>) dst(%dma_wait3A_76 : memref<128x128xf32, #tpu.memory_space<hbm>>)
          tpu.yield
        }) : () -> ()
      } else {
      }
    }
    %scan3A_43 = arith.constant 5 : i32
    return
  }
}

#map = affine_map<(d0, d1) -> (0, 0)>
#map1 = affine_map<(d0, d1) -> (0, 0, 0)>
module attributes {stable_mosaic.version = 14 : i64} {
  func.func @body(%arg0: i32, %arg1: i32, %arg2: memref<1280x128xi32, #tpu.memory_space<hbm>>, %arg3: memref<1280x128xi32, #tpu.memory_space<hbm>>, %arg4: memref<2x10112x128xf32, #tpu.memory_space<hbm>>, %arg5: memref<2x10112x128xf32, #tpu.memory_space<hbm>>, %arg6: memref<40x128xi32, #tpu.memory_space<vmem>>, %arg7: memref<40x128xi32, #tpu.memory_space<vmem>>, %arg8: memref<128x128xf32, #tpu.memory_space<vmem>>, %arg9: memref<128x128xf32, #tpu.memory_space<vmem>>, %arg10: memref<10112x128xf32, #tpu.memory_space<vmem_shared>>, %arg11: memref<!tpu.dma_semaphore, #tpu.memory_space<semaphore_mem>>, %arg12: memref<!tpu.dma_semaphore, #tpu.memory_space<semaphore_mem>>, %arg13: memref<!tpu.dma_semaphore, #tpu.memory_space<semaphore_mem>>, %arg14: memref<!tpu.dma_semaphore, #tpu.memory_space<semaphore_mem>>) attributes {dimension_semantics = [#tpu.dimension_semantics<core_parallel>, #tpu.dimension_semantics<subcore_parallel>], iteration_bounds = array<i64: 2, 16>, scalar_prefetch = 0 : i64, scratch_operands = 9 : i64, tpu.core_type = #tpu.core_type<sc_vector_subcore>, window_params = [{transform_indices = #map}, {transform_indices = #map}, {transform_indices = #map1}, {transform_indices = #map1}]} {
    %scan3A = arith.constant 0 : i32
    %scan3A_0 = arith.constant 0 : i32
    %scan3A_1 = arith.constant 5 : i32
    %scan3A_2 = arith.addi %scan3A_0, %scan3A_1 : i32
    %scan3A_3 = arith.constant 1 : i32
    scf.for %scan3A_18 = %scan3A_0 to %scan3A_2 step %scan3A_3  : i32 {
      %mul3A = arith.constant 16 : i32
      %mul3A_19 = arith.muli %scan3A_18, %mul3A : i32
      %add3A = arith.addi %arg1, %mul3A_19 : i32
      %lt3A = arith.constant 79 : i32
      %lt3A_20 = arith.cmpi slt, %add3A, %lt3A : i32
      %convert_element_type3A = arith.extui %lt3A_20 : i1 to i32
      %cond3A = arith.constant 0 : i32
      %cond3A_21 = arith.cmpi ne, %convert_element_type3A, %cond3A : i32
      scf.if %cond3A_21 {
        %mul3A_22 = arith.constant 128 : i32
        %mul3A_23 = arith.muli %add3A, %mul3A_22 : i32
        "tpu.region"() ({
          %run_scoped3A = tpu.sem_alloc : memref<!tpu.dma_semaphore, #tpu.memory_space<semaphore_mem>>
          %dma_start3A = arith.constant 0 : i32
          %dma_start3A_26 = arith.constant 0 : i32
          %dma_start3A_27 = tpu.memref_slice %arg4[%arg0, %dma_start3A, %dma_start3A_26] : memref<2x10112x128xf32, #tpu.memory_space<hbm>> -> memref<1x10112x128xf32, #tpu.memory_space<hbm>>
          %dma_start3A_28 = tpu.memref_squeeze %dma_start3A_27 : memref<1x10112x128xf32, #tpu.memory_space<hbm>> -> memref<10112x128xf32, #tpu.memory_space<hbm>>
          %dma_start3A_29 = arith.constant 0 : i32
          %dma_start3A_30 = tpu.memref_slice %dma_start3A_28[%mul3A_23, %dma_start3A_29] : memref<10112x128xf32, #tpu.memory_space<hbm>> -> memref<128x128xf32, #tpu.memory_space<hbm>>
          %dma_start3A_31 = arith.constant 0 : i32
          %dma_start3A_32 = arith.constant 0 : i32
          %dma_start3A_33 = tpu.memref_slice %arg4[%arg0, %dma_start3A_31, %dma_start3A_32] : memref<2x10112x128xf32, #tpu.memory_space<hbm>> -> memref<1x10112x128xf32, #tpu.memory_space<hbm>>
          %dma_start3A_34 = tpu.memref_squeeze %dma_start3A_33 : memref<1x10112x128xf32, #tpu.memory_space<hbm>> -> memref<10112x128xf32, #tpu.memory_space<hbm>>
          %dma_start3A_35 = arith.constant 0 : i32
          %dma_start3A_36 = tpu.memref_slice %dma_start3A_34[%mul3A_23, %dma_start3A_35] : memref<10112x128xf32, #tpu.memory_space<hbm>> -> memref<128x128xf32, #tpu.memory_space<hbm>>
          tpu.enqueue_dma source(%dma_start3A_36 : memref<128x128xf32, #tpu.memory_space<hbm>>) target(%arg8 : memref<128x128xf32, #tpu.memory_space<vmem>>) target_semaphore(%run_scoped3A : memref<!tpu.dma_semaphore, #tpu.memory_space<semaphore_mem>>)
          %dma_wait3A = arith.constant 0 : i32
          %dma_wait3A_37 = arith.constant 0 : i32
          %dma_wait3A_38 = tpu.memref_slice %arg4[%arg0, %dma_wait3A, %dma_wait3A_37] : memref<2x10112x128xf32, #tpu.memory_space<hbm>> -> memref<1x10112x128xf32, #tpu.memory_space<hbm>>
          %dma_wait3A_39 = tpu.memref_squeeze %dma_wait3A_38 : memref<1x10112x128xf32, #tpu.memory_space<hbm>> -> memref<10112x128xf32, #tpu.memory_space<hbm>>
          %dma_wait3A_40 = arith.constant 0 : i32
          %dma_wait3A_41 = tpu.memref_slice %dma_wait3A_39[%mul3A_23, %dma_wait3A_40] : memref<10112x128xf32, #tpu.memory_space<hbm>> -> memref<128x128xf32, #tpu.memory_space<hbm>>
          %dma_wait3A_42 = arith.constant 0 : i32
          %dma_wait3A_43 = arith.constant 0 : i32
          %dma_wait3A_44 = tpu.memref_slice %arg4[%arg0, %dma_wait3A_42, %dma_wait3A_43] : memref<2x10112x128xf32, #tpu.memory_space<hbm>> -> memref<1x10112x128xf32, #tpu.memory_space<hbm>>
          %dma_wait3A_45 = tpu.memref_squeeze %dma_wait3A_44 : memref<1x10112x128xf32, #tpu.memory_space<hbm>> -> memref<10112x128xf32, #tpu.memory_space<hbm>>
          %dma_wait3A_46 = arith.constant 0 : i32
          %dma_wait3A_47 = tpu.memref_slice %dma_wait3A_45[%mul3A_23, %dma_wait3A_46] : memref<10112x128xf32, #tpu.memory_space<hbm>> -> memref<128x128xf32, #tpu.memory_space<hbm>>
          tpu.wait_dma2 semaphore(%run_scoped3A : memref<!tpu.dma_semaphore, #tpu.memory_space<semaphore_mem>>) src(%dma_wait3A_47 : memref<128x128xf32, #tpu.memory_space<hbm>>) dst(%arg8 : memref<128x128xf32, #tpu.memory_space<vmem>>)
          tpu.yield
        }) : () -> ()
        %mul3A_24 = arith.constant 128 : i32
        %mul3A_25 = arith.muli %add3A, %mul3A_24 : i32
        "tpu.region"() ({
          %run_scoped3A = tpu.sem_alloc : memref<!tpu.dma_semaphore, #tpu.memory_space<semaphore_mem>>
          %dma_start3A = arith.constant 0 : i32
          %dma_start3A_26 = tpu.memref_slice %arg10[%mul3A_25, %dma_start3A] : memref<10112x128xf32, #tpu.memory_space<vmem_shared>> -> memref<128x128xf32, #tpu.memory_space<vmem_shared>>
          %dma_start3A_27 = arith.constant 0 : i32
          %dma_start3A_28 = tpu.memref_slice %arg10[%mul3A_25, %dma_start3A_27] : memref<10112x128xf32, #tpu.memory_space<vmem_shared>> -> memref<128x128xf32, #tpu.memory_space<vmem_shared>>
          tpu.enqueue_dma source(%arg8 : memref<128x128xf32, #tpu.memory_space<vmem>>) target(%dma_start3A_28 : memref<128x128xf32, #tpu.memory_space<vmem_shared>>) target_semaphore(%run_scoped3A : memref<!tpu.dma_semaphore, #tpu.memory_space<semaphore_mem>>)
          %dma_wait3A = arith.constant 0 : i32
          %dma_wait3A_29 = tpu.memref_slice %arg10[%mul3A_25, %dma_wait3A] : memref<10112x128xf32, #tpu.memory_space<vmem_shared>> -> memref<128x128xf32, #tpu.memory_space<vmem_shared>>
          %dma_wait3A_30 = arith.constant 0 : i32
          %dma_wait3A_31 = tpu.memref_slice %arg10[%mul3A_25, %dma_wait3A_30] : memref<10112x128xf32, #tpu.memory_space<vmem_shared>> -> memref<128x128xf32, #tpu.memory_space<vmem_shared>>
          tpu.wait_dma2 semaphore(%run_scoped3A : memref<!tpu.dma_semaphore, #tpu.memory_space<semaphore_mem>>) src(%arg8 : memref<128x128xf32, #tpu.memory_space<vmem>>) dst(%dma_wait3A_31 : memref<128x128xf32, #tpu.memory_space<vmem_shared>>)
          tpu.yield
        }) : () -> ()
      } else {
      }
    }
    %scan3A_4 = arith.constant 5 : i32
    %barrier3A = arith.constant 0 : index
    tpu.barrier barrier_id(%barrier3A)
    %scan3A_5 = arith.constant 0 : i32
    %scan3A_6 = arith.constant 0 : i32
    %scan3A_7 = arith.constant 2 : i32
    %scan3A_8 = arith.addi %scan3A_6, %scan3A_7 : i32
    %scan3A_9 = arith.constant 1 : i32
    scf.for %scan3A_18 = %scan3A_6 to %scan3A_8 step %scan3A_9  : i32 {
      %mul3A = arith.constant 80 : i32
      %mul3A_19 = arith.muli %arg1, %mul3A : i32
      %mul3A_20 = arith.constant 40 : i32
      %mul3A_21 = arith.muli %scan3A_18, %mul3A_20 : i32
      %add3A = arith.addi %mul3A_19, %mul3A_21 : i32
      "tpu.region"() ({
        %run_scoped3A = tpu.sem_alloc : memref<!tpu.dma_semaphore, #tpu.memory_space<semaphore_mem>>
        %dma_start3A_59 = arith.constant 0 : i32
        %dma_start3A_60 = tpu.memref_slice %arg2[%add3A, %dma_start3A_59] : memref<1280x128xi32, #tpu.memory_space<hbm>> -> memref<40x128xi32, #tpu.memory_space<hbm>>
        %dma_start3A_61 = arith.constant 0 : i32
        %dma_start3A_62 = tpu.memref_slice %arg2[%add3A, %dma_start3A_61] : memref<1280x128xi32, #tpu.memory_space<hbm>> -> memref<40x128xi32, #tpu.memory_space<hbm>>
        tpu.enqueue_dma source(%dma_start3A_62 : memref<40x128xi32, #tpu.memory_space<hbm>>) target(%arg6 : memref<40x128xi32, #tpu.memory_space<vmem>>) target_semaphore(%run_scoped3A : memref<!tpu.dma_semaphore, #tpu.memory_space<semaphore_mem>>)
        %dma_wait3A_63 = arith.constant 0 : i32
        %dma_wait3A_64 = tpu.memref_slice %arg2[%add3A, %dma_wait3A_63] : memref<1280x128xi32, #tpu.memory_space<hbm>> -> memref<40x128xi32, #tpu.memory_space<hbm>>
        %dma_wait3A_65 = arith.constant 0 : i32
        %dma_wait3A_66 = tpu.memref_slice %arg2[%add3A, %dma_wait3A_65] : memref<1280x128xi32, #tpu.memory_space<hbm>> -> memref<40x128xi32, #tpu.memory_space<hbm>>
        tpu.wait_dma2 semaphore(%run_scoped3A : memref<!tpu.dma_semaphore, #tpu.memory_space<semaphore_mem>>) src(%dma_wait3A_66 : memref<40x128xi32, #tpu.memory_space<hbm>>) dst(%arg6 : memref<40x128xi32, #tpu.memory_space<vmem>>)
        tpu.yield
      }) : () -> ()
      "tpu.region"() ({
        %run_scoped3A = tpu.sem_alloc : memref<!tpu.dma_semaphore, #tpu.memory_space<semaphore_mem>>
        %dma_start3A_59 = arith.constant 0 : i32
        %dma_start3A_60 = tpu.memref_slice %arg3[%add3A, %dma_start3A_59] : memref<1280x128xi32, #tpu.memory_space<hbm>> -> memref<40x128xi32, #tpu.memory_space<hbm>>
        %dma_start3A_61 = arith.constant 0 : i32
        %dma_start3A_62 = tpu.memref_slice %arg3[%add3A, %dma_start3A_61] : memref<1280x128xi32, #tpu.memory_space<hbm>> -> memref<40x128xi32, #tpu.memory_space<hbm>>
        tpu.enqueue_dma source(%dma_start3A_62 : memref<40x128xi32, #tpu.memory_space<hbm>>) target(%arg7 : memref<40x128xi32, #tpu.memory_space<vmem>>) target_semaphore(%run_scoped3A : memref<!tpu.dma_semaphore, #tpu.memory_space<semaphore_mem>>)
        %dma_wait3A_63 = arith.constant 0 : i32
        %dma_wait3A_64 = tpu.memref_slice %arg3[%add3A, %dma_wait3A_63] : memref<1280x128xi32, #tpu.memory_space<hbm>> -> memref<40x128xi32, #tpu.memory_space<hbm>>
        %dma_wait3A_65 = arith.constant 0 : i32
        %dma_wait3A_66 = tpu.memref_slice %arg3[%add3A, %dma_wait3A_65] : memref<1280x128xi32, #tpu.memory_space<hbm>> -> memref<40x128xi32, #tpu.memory_space<hbm>>
        tpu.wait_dma2 semaphore(%run_scoped3A : memref<!tpu.dma_semaphore, #tpu.memory_space<semaphore_mem>>) src(%dma_wait3A_66 : memref<40x128xi32, #tpu.memory_space<hbm>>) dst(%arg7 : memref<40x128xi32, #tpu.memory_space<vmem>>)
        tpu.yield
      }) : () -> ()
      %scan3A_22 = arith.constant 0 : i32
      %scan3A_23 = arith.constant 0 : i32
      %scan3A_24 = arith.constant 20 : i32
      %scan3A_25 = arith.addi %scan3A_23, %scan3A_24 : i32
      %scan3A_26 = arith.constant 1 : i32
      scf.for %scan3A_59 = %scan3A_23 to %scan3A_25 step %scan3A_26  : i32 {
        %mul3A_60 = arith.constant 2 : i32
        %mul3A_61 = arith.muli %mul3A_60, %scan3A_59 : i32
        %ge3A = arith.constant 2 : i32
        %ge3A_62 = arith.cmpi sge, %mul3A_61, %ge3A : i32
        %convert_element_type3A = arith.extui %ge3A_62 : i1 to i32
        %cond3A = arith.constant 0 : i32
        %cond3A_63 = arith.cmpi ne, %convert_element_type3A, %cond3A : i32
        scf.if %cond3A_63 {
          %dma_wait3A_103 = arith.constant 0 : i32
          %dma_wait3A_104 = arith.constant 0 : i32
          %dma_wait3A_105 = tpu.memref_slice %arg10[%dma_wait3A_103, %dma_wait3A_104] : memref<10112x128xf32, #tpu.memory_space<vmem_shared>> -> memref<128x128xf32, #tpu.memory_space<vmem_shared>>
          %dma_wait3A_106 = arith.constant 0 : i32
          %dma_wait3A_107 = arith.constant 0 : i32
          %dma_wait3A_108 = tpu.memref_slice %arg10[%dma_wait3A_106, %dma_wait3A_107] : memref<10112x128xf32, #tpu.memory_space<vmem_shared>> -> memref<128x128xf32, #tpu.memory_space<vmem_shared>>
          tpu.wait_dma2 semaphore(%arg13 : memref<!tpu.dma_semaphore, #tpu.memory_space<semaphore_mem>>) src(%arg8 : memref<128x128xf32, #tpu.memory_space<vmem>>) dst(%dma_wait3A_108 : memref<128x128xf32, #tpu.memory_space<vmem_shared>>)
        } else {
        }
        %dma_start3A_64 = arith.constant 0 : i32
        %dma_start3A_65 = tpu.memref_slice %arg6[%mul3A_61, %dma_start3A_64] : memref<40x128xi32, #tpu.memory_space<vmem>> -> memref<1x128xi32, #tpu.memory_space<vmem>>
        %dma_start3A_66 = tpu.memref_squeeze %dma_start3A_65 : memref<1x128xi32, #tpu.memory_space<vmem>> -> memref<128xi32, #tpu.memory_space<vmem>>
        %dma_start3A_67 = arith.constant 0 : i32
        %dma_start3A_68 = arith.constant 0 : i32
        %dma_start3A_69 = tpu.memref_slice %arg4[%arg0, %dma_start3A_67, %dma_start3A_68] : memref<2x10112x128xf32, #tpu.memory_space<hbm>> -> memref<1x10112x128xf32, #tpu.memory_space<hbm>>
        %dma_start3A_70 = tpu.memref_squeeze %dma_start3A_69 : memref<1x10112x128xf32, #tpu.memory_space<hbm>> -> memref<10112x128xf32, #tpu.memory_space<hbm>>
        %dma_start3A_71 = arith.constant 0 : i32
        %dma_start3A_72 = arith.constant 0 : i32
        %dma_start3A_73 = tpu.memref_slice %dma_start3A_70[%dma_start3A_71, %dma_start3A_72] : memref<10112x128xf32, #tpu.memory_space<hbm>> -> memref<10112x128xf32, #tpu.memory_space<hbm>>
        tpu.enqueue_indirect_dma source(%dma_start3A_73 : memref<10112x128xf32, #tpu.memory_space<hbm>>) target(%arg8 : memref<128x128xf32, #tpu.memory_space<vmem>>) offsets(%dma_start3A_66 : memref<128xi32, #tpu.memory_space<vmem>>) semaphore(%arg11 : memref<!tpu.dma_semaphore, #tpu.memory_space<semaphore_mem>>)
        %ge3A_74 = arith.constant 1 : i32
        %ge3A_75 = arith.cmpi sge, %mul3A_61, %ge3A_74 : i32
        %convert_element_type3A_76 = arith.extui %ge3A_75 : i1 to i32
        %cond3A_77 = arith.constant 0 : i32
        %cond3A_78 = arith.cmpi ne, %convert_element_type3A_76, %cond3A_77 : i32
        scf.if %cond3A_78 {
          %dma_wait3A_103 = arith.constant 0 : i32
          %dma_wait3A_104 = arith.constant 0 : i32
          %dma_wait3A_105 = tpu.memref_slice %arg4[%arg0, %dma_wait3A_103, %dma_wait3A_104] : memref<2x10112x128xf32, #tpu.memory_space<hbm>> -> memref<1x10112x128xf32, #tpu.memory_space<hbm>>
          %dma_wait3A_106 = tpu.memref_squeeze %dma_wait3A_105 : memref<1x10112x128xf32, #tpu.memory_space<hbm>> -> memref<10112x128xf32, #tpu.memory_space<hbm>>
          %dma_wait3A_107 = arith.constant 0 : i32
          %dma_wait3A_108 = arith.constant 0 : i32
          %dma_wait3A_109 = tpu.memref_slice %dma_wait3A_106[%dma_wait3A_107, %dma_wait3A_108] : memref<10112x128xf32, #tpu.memory_space<hbm>> -> memref<128x128xf32, #tpu.memory_space<hbm>>
          %dma_wait3A_110 = arith.constant 0 : i32
          %dma_wait3A_111 = arith.constant 0 : i32
          %dma_wait3A_112 = tpu.memref_slice %arg4[%arg0, %dma_wait3A_110, %dma_wait3A_111] : memref<2x10112x128xf32, #tpu.memory_space<hbm>> -> memref<1x10112x128xf32, #tpu.memory_space<hbm>>
          %dma_wait3A_113 = tpu.memref_squeeze %dma_wait3A_112 : memref<1x10112x128xf32, #tpu.memory_space<hbm>> -> memref<10112x128xf32, #tpu.memory_space<hbm>>
          %dma_wait3A_114 = arith.constant 0 : i32
          %dma_wait3A_115 = arith.constant 0 : i32
          %dma_wait3A_116 = tpu.memref_slice %dma_wait3A_113[%dma_wait3A_114, %dma_wait3A_115] : memref<10112x128xf32, #tpu.memory_space<hbm>> -> memref<128x128xf32, #tpu.memory_space<hbm>>
          tpu.wait_dma2 semaphore(%arg12 : memref<!tpu.dma_semaphore, #tpu.memory_space<semaphore_mem>>) src(%dma_wait3A_116 : memref<128x128xf32, #tpu.memory_space<hbm>>) dst(%arg9 : memref<128x128xf32, #tpu.memory_space<vmem>>)
          %sub3A = arith.constant 1 : i32
          %sub3A_117 = arith.subi %mul3A_61, %sub3A : i32
          %dma_start3A_118 = arith.constant 0 : i32
          %dma_start3A_119 = tpu.memref_slice %arg7[%sub3A_117, %dma_start3A_118] : memref<40x128xi32, #tpu.memory_space<vmem>> -> memref<1x128xi32, #tpu.memory_space<vmem>>
          %dma_start3A_120 = tpu.memref_squeeze %dma_start3A_119 : memref<1x128xi32, #tpu.memory_space<vmem>> -> memref<128xi32, #tpu.memory_space<vmem>>
          %dma_start3A_121 = arith.constant 0 : i32
          %dma_start3A_122 = arith.constant 0 : i32
          %dma_start3A_123 = tpu.memref_slice %arg10[%dma_start3A_121, %dma_start3A_122] : memref<10112x128xf32, #tpu.memory_space<vmem_shared>> -> memref<10112x128xf32, #tpu.memory_space<vmem_shared>>
          tpu.enqueue_indirect_dma source(%arg9 : memref<128x128xf32, #tpu.memory_space<vmem>>) target(%dma_start3A_123 : memref<10112x128xf32, #tpu.memory_space<vmem_shared>>) offsets(%dma_start3A_120 : memref<128xi32, #tpu.memory_space<vmem>>) semaphore(%arg14 : memref<!tpu.dma_semaphore, #tpu.memory_space<semaphore_mem>>) {add = true}
        } else {
        }
        %mul3A_79 = arith.constant 2 : i32
        %mul3A_80 = arith.muli %mul3A_79, %scan3A_59 : i32
        %add3A_81 = arith.constant 1 : i32
        %add3A_82 = arith.addi %mul3A_80, %add3A_81 : i32
        %ge3A_83 = arith.constant 2 : i32
        %ge3A_84 = arith.cmpi sge, %add3A_82, %ge3A_83 : i32
        %convert_element_type3A_85 = arith.extui %ge3A_84 : i1 to i32
        %cond3A_86 = arith.constant 0 : i32
        %cond3A_87 = arith.cmpi ne, %convert_element_type3A_85, %cond3A_86 : i32
        scf.if %cond3A_87 {
          %dma_wait3A_103 = arith.constant 0 : i32
          %dma_wait3A_104 = arith.constant 0 : i32
          %dma_wait3A_105 = tpu.memref_slice %arg10[%dma_wait3A_103, %dma_wait3A_104] : memref<10112x128xf32, #tpu.memory_space<vmem_shared>> -> memref<128x128xf32, #tpu.memory_space<vmem_shared>>
          %dma_wait3A_106 = arith.constant 0 : i32
          %dma_wait3A_107 = arith.constant 0 : i32
          %dma_wait3A_108 = tpu.memref_slice %arg10[%dma_wait3A_106, %dma_wait3A_107] : memref<10112x128xf32, #tpu.memory_space<vmem_shared>> -> memref<128x128xf32, #tpu.memory_space<vmem_shared>>
          tpu.wait_dma2 semaphore(%arg14 : memref<!tpu.dma_semaphore, #tpu.memory_space<semaphore_mem>>) src(%arg9 : memref<128x128xf32, #tpu.memory_space<vmem>>) dst(%dma_wait3A_108 : memref<128x128xf32, #tpu.memory_space<vmem_shared>>)
        } else {
        }
        %dma_start3A_88 = arith.constant 0 : i32
        %dma_start3A_89 = tpu.memref_slice %arg6[%add3A_82, %dma_start3A_88] : memref<40x128xi32, #tpu.memory_space<vmem>> -> memref<1x128xi32, #tpu.memory_space<vmem>>
        %dma_start3A_90 = tpu.memref_squeeze %dma_start3A_89 : memref<1x128xi32, #tpu.memory_space<vmem>> -> memref<128xi32, #tpu.memory_space<vmem>>
        %dma_start3A_91 = arith.constant 0 : i32
        %dma_start3A_92 = arith.constant 0 : i32
        %dma_start3A_93 = tpu.memref_slice %arg4[%arg0, %dma_start3A_91, %dma_start3A_92] : memref<2x10112x128xf32, #tpu.memory_space<hbm>> -> memref<1x10112x128xf32, #tpu.memory_space<hbm>>
        %dma_start3A_94 = tpu.memref_squeeze %dma_start3A_93 : memref<1x10112x128xf32, #tpu.memory_space<hbm>> -> memref<10112x128xf32, #tpu.memory_space<hbm>>
        %dma_start3A_95 = arith.constant 0 : i32
        %dma_start3A_96 = arith.constant 0 : i32
        %dma_start3A_97 = tpu.memref_slice %dma_start3A_94[%dma_start3A_95, %dma_start3A_96] : memref<10112x128xf32, #tpu.memory_space<hbm>> -> memref<10112x128xf32, #tpu.memory_space<hbm>>
        tpu.enqueue_indirect_dma source(%dma_start3A_97 : memref<10112x128xf32, #tpu.memory_space<hbm>>) target(%arg9 : memref<128x128xf32, #tpu.memory_space<vmem>>) offsets(%dma_start3A_90 : memref<128xi32, #tpu.memory_space<vmem>>) semaphore(%arg12 : memref<!tpu.dma_semaphore, #tpu.memory_space<semaphore_mem>>)
        %ge3A_98 = arith.constant 1 : i32
        %ge3A_99 = arith.cmpi sge, %add3A_82, %ge3A_98 : i32
        %convert_element_type3A_100 = arith.extui %ge3A_99 : i1 to i32
        %cond3A_101 = arith.constant 0 : i32
        %cond3A_102 = arith.cmpi ne, %convert_element_type3A_100, %cond3A_101 : i32
        scf.if %cond3A_102 {
          %dma_wait3A_103 = arith.constant 0 : i32
          %dma_wait3A_104 = arith.constant 0 : i32
          %dma_wait3A_105 = tpu.memref_slice %arg4[%arg0, %dma_wait3A_103, %dma_wait3A_104] : memref<2x10112x128xf32, #tpu.memory_space<hbm>> -> memref<1x10112x128xf32, #tpu.memory_space<hbm>>
          %dma_wait3A_106 = tpu.memref_squeeze %dma_wait3A_105 : memref<1x10112x128xf32, #tpu.memory_space<hbm>> -> memref<10112x128xf32, #tpu.memory_space<hbm>>
          %dma_wait3A_107 = arith.constant 0 : i32
          %dma_wait3A_108 = arith.constant 0 : i32
          %dma_wait3A_109 = tpu.memref_slice %dma_wait3A_106[%dma_wait3A_107, %dma_wait3A_108] : memref<10112x128xf32, #tpu.memory_space<hbm>> -> memref<128x128xf32, #tpu.memory_space<hbm>>
          %dma_wait3A_110 = arith.constant 0 : i32
          %dma_wait3A_111 = arith.constant 0 : i32
          %dma_wait3A_112 = tpu.memref_slice %arg4[%arg0, %dma_wait3A_110, %dma_wait3A_111] : memref<2x10112x128xf32, #tpu.memory_space<hbm>> -> memref<1x10112x128xf32, #tpu.memory_space<hbm>>
          %dma_wait3A_113 = tpu.memref_squeeze %dma_wait3A_112 : memref<1x10112x128xf32, #tpu.memory_space<hbm>> -> memref<10112x128xf32, #tpu.memory_space<hbm>>
          %dma_wait3A_114 = arith.constant 0 : i32
          %dma_wait3A_115 = arith.constant 0 : i32
          %dma_wait3A_116 = tpu.memref_slice %dma_wait3A_113[%dma_wait3A_114, %dma_wait3A_115] : memref<10112x128xf32, #tpu.memory_space<hbm>> -> memref<128x128xf32, #tpu.memory_space<hbm>>
          tpu.wait_dma2 semaphore(%arg11 : memref<!tpu.dma_semaphore, #tpu.memory_space<semaphore_mem>>) src(%dma_wait3A_116 : memref<128x128xf32, #tpu.memory_space<hbm>>) dst(%arg8 : memref<128x128xf32, #tpu.memory_space<vmem>>)
          %sub3A = arith.constant 1 : i32
          %sub3A_117 = arith.subi %add3A_82, %sub3A : i32
          %dma_start3A_118 = arith.constant 0 : i32
          %dma_start3A_119 = tpu.memref_slice %arg7[%sub3A_117, %dma_start3A_118] : memref<40x128xi32, #tpu.memory_space<vmem>> -> memref<1x128xi32, #tpu.memory_space<vmem>>
          %dma_start3A_120 = tpu.memref_squeeze %dma_start3A_119 : memref<1x128xi32, #tpu.memory_space<vmem>> -> memref<128xi32, #tpu.memory_space<vmem>>
          %dma_start3A_121 = arith.constant 0 : i32
          %dma_start3A_122 = arith.constant 0 : i32
          %dma_start3A_123 = tpu.memref_slice %arg10[%dma_start3A_121, %dma_start3A_122] : memref<10112x128xf32, #tpu.memory_space<vmem_shared>> -> memref<10112x128xf32, #tpu.memory_space<vmem_shared>>
          tpu.enqueue_indirect_dma source(%arg8 : memref<128x128xf32, #tpu.memory_space<vmem>>) target(%dma_start3A_123 : memref<10112x128xf32, #tpu.memory_space<vmem_shared>>) offsets(%dma_start3A_120 : memref<128xi32, #tpu.memory_space<vmem>>) semaphore(%arg13 : memref<!tpu.dma_semaphore, #tpu.memory_space<semaphore_mem>>) {add = true}
        } else {
        }
      }
      %scan3A_27 = arith.constant 20 : i32
      %dma_wait3A = arith.constant 0 : i32
      %dma_wait3A_28 = arith.constant 0 : i32
      %dma_wait3A_29 = tpu.memref_slice %arg4[%arg0, %dma_wait3A, %dma_wait3A_28] : memref<2x10112x128xf32, #tpu.memory_space<hbm>> -> memref<1x10112x128xf32, #tpu.memory_space<hbm>>
      %dma_wait3A_30 = tpu.memref_squeeze %dma_wait3A_29 : memref<1x10112x128xf32, #tpu.memory_space<hbm>> -> memref<10112x128xf32, #tpu.memory_space<hbm>>
      %dma_wait3A_31 = arith.constant 0 : i32
      %dma_wait3A_32 = arith.constant 0 : i32
      %dma_wait3A_33 = tpu.memref_slice %dma_wait3A_30[%dma_wait3A_31, %dma_wait3A_32] : memref<10112x128xf32, #tpu.memory_space<hbm>> -> memref<128x128xf32, #tpu.memory_space<hbm>>
      %dma_wait3A_34 = arith.constant 0 : i32
      %dma_wait3A_35 = arith.constant 0 : i32
      %dma_wait3A_36 = tpu.memref_slice %arg4[%arg0, %dma_wait3A_34, %dma_wait3A_35] : memref<2x10112x128xf32, #tpu.memory_space<hbm>> -> memref<1x10112x128xf32, #tpu.memory_space<hbm>>
      %dma_wait3A_37 = tpu.memref_squeeze %dma_wait3A_36 : memref<1x10112x128xf32, #tpu.memory_space<hbm>> -> memref<10112x128xf32, #tpu.memory_space<hbm>>
      %dma_wait3A_38 = arith.constant 0 : i32
      %dma_wait3A_39 = arith.constant 0 : i32
      %dma_wait3A_40 = tpu.memref_slice %dma_wait3A_37[%dma_wait3A_38, %dma_wait3A_39] : memref<10112x128xf32, #tpu.memory_space<hbm>> -> memref<128x128xf32, #tpu.memory_space<hbm>>
      tpu.wait_dma2 semaphore(%arg12 : memref<!tpu.dma_semaphore, #tpu.memory_space<semaphore_mem>>) src(%dma_wait3A_40 : memref<128x128xf32, #tpu.memory_space<hbm>>) dst(%arg9 : memref<128x128xf32, #tpu.memory_space<vmem>>)
      %dma_start3A = arith.constant 39 : i32
      %dma_start3A_41 = arith.constant 0 : i32
      %dma_start3A_42 = tpu.memref_slice %arg7[%dma_start3A, %dma_start3A_41] : memref<40x128xi32, #tpu.memory_space<vmem>> -> memref<1x128xi32, #tpu.memory_space<vmem>>
      %dma_start3A_43 = tpu.memref_squeeze %dma_start3A_42 : memref<1x128xi32, #tpu.memory_space<vmem>> -> memref<128xi32, #tpu.memory_space<vmem>>
      %dma_start3A_44 = arith.constant 0 : i32
      %dma_start3A_45 = arith.constant 0 : i32
      %dma_start3A_46 = tpu.memref_slice %arg10[%dma_start3A_44, %dma_start3A_45] : memref<10112x128xf32, #tpu.memory_space<vmem_shared>> -> memref<10112x128xf32, #tpu.memory_space<vmem_shared>>
      tpu.enqueue_indirect_dma source(%arg9 : memref<128x128xf32, #tpu.memory_space<vmem>>) target(%dma_start3A_46 : memref<10112x128xf32, #tpu.memory_space<vmem_shared>>) offsets(%dma_start3A_43 : memref<128xi32, #tpu.memory_space<vmem>>) semaphore(%arg14 : memref<!tpu.dma_semaphore, #tpu.memory_space<semaphore_mem>>) {add = true}
      %dma_wait3A_47 = arith.constant 0 : i32
      %dma_wait3A_48 = arith.constant 0 : i32
      %dma_wait3A_49 = tpu.memref_slice %arg10[%dma_wait3A_47, %dma_wait3A_48] : memref<10112x128xf32, #tpu.memory_space<vmem_shared>> -> memref<128x128xf32, #tpu.memory_space<vmem_shared>>
      %dma_wait3A_50 = arith.constant 0 : i32
      %dma_wait3A_51 = arith.constant 0 : i32
      %dma_wait3A_52 = tpu.memref_slice %arg10[%dma_wait3A_50, %dma_wait3A_51] : memref<10112x128xf32, #tpu.memory_space<vmem_shared>> -> memref<128x128xf32, #tpu.memory_space<vmem_shared>>
      tpu.wait_dma2 semaphore(%arg13 : memref<!tpu.dma_semaphore, #tpu.memory_space<semaphore_mem>>) src(%arg8 : memref<128x128xf32, #tpu.memory_space<vmem>>) dst(%dma_wait3A_52 : memref<128x128xf32, #tpu.memory_space<vmem_shared>>)
      %dma_wait3A_53 = arith.constant 0 : i32
      %dma_wait3A_54 = arith.constant 0 : i32
      %dma_wait3A_55 = tpu.memref_slice %arg10[%dma_wait3A_53, %dma_wait3A_54] : memref<10112x128xf32, #tpu.memory_space<vmem_shared>> -> memref<128x128xf32, #tpu.memory_space<vmem_shared>>
      %dma_wait3A_56 = arith.constant 0 : i32
      %dma_wait3A_57 = arith.constant 0 : i32
      %dma_wait3A_58 = tpu.memref_slice %arg10[%dma_wait3A_56, %dma_wait3A_57] : memref<10112x128xf32, #tpu.memory_space<vmem_shared>> -> memref<128x128xf32, #tpu.memory_space<vmem_shared>>
      tpu.wait_dma2 semaphore(%arg14 : memref<!tpu.dma_semaphore, #tpu.memory_space<semaphore_mem>>) src(%arg9 : memref<128x128xf32, #tpu.memory_space<vmem>>) dst(%dma_wait3A_58 : memref<128x128xf32, #tpu.memory_space<vmem_shared>>)
    }
    %scan3A_10 = arith.constant 2 : i32
    %barrier3A_11 = arith.constant 0 : index
    tpu.barrier barrier_id(%barrier3A_11)
    %scan3A_12 = arith.constant 0 : i32
    %scan3A_13 = arith.constant 0 : i32
    %scan3A_14 = arith.constant 5 : i32
    %scan3A_15 = arith.addi %scan3A_13, %scan3A_14 : i32
    %scan3A_16 = arith.constant 1 : i32
    scf.for %scan3A_18 = %scan3A_13 to %scan3A_15 step %scan3A_16  : i32 {
      %mul3A = arith.constant 16 : i32
      %mul3A_19 = arith.muli %scan3A_18, %mul3A : i32
      %add3A = arith.addi %arg1, %mul3A_19 : i32
      %lt3A = arith.constant 79 : i32
      %lt3A_20 = arith.cmpi slt, %add3A, %lt3A : i32
      %convert_element_type3A = arith.extui %lt3A_20 : i1 to i32
      %cond3A = arith.constant 0 : i32
      %cond3A_21 = arith.cmpi ne, %convert_element_type3A, %cond3A : i32
      scf.if %cond3A_21 {
        %mul3A_22 = arith.constant 128 : i32
        %mul3A_23 = arith.muli %add3A, %mul3A_22 : i32
        "tpu.region"() ({
          %run_scoped3A = tpu.sem_alloc : memref<!tpu.dma_semaphore, #tpu.memory_space<semaphore_mem>>
          %dma_start3A = arith.constant 0 : i32
          %dma_start3A_26 = tpu.memref_slice %arg10[%mul3A_23, %dma_start3A] : memref<10112x128xf32, #tpu.memory_space<vmem_shared>> -> memref<128x128xf32, #tpu.memory_space<vmem_shared>>
          %dma_start3A_27 = arith.constant 0 : i32
          %dma_start3A_28 = tpu.memref_slice %arg10[%mul3A_23, %dma_start3A_27] : memref<10112x128xf32, #tpu.memory_space<vmem_shared>> -> memref<128x128xf32, #tpu.memory_space<vmem_shared>>
          tpu.enqueue_dma source(%dma_start3A_28 : memref<128x128xf32, #tpu.memory_space<vmem_shared>>) target(%arg8 : memref<128x128xf32, #tpu.memory_space<vmem>>) target_semaphore(%run_scoped3A : memref<!tpu.dma_semaphore, #tpu.memory_space<semaphore_mem>>)
          %dma_wait3A = arith.constant 0 : i32
          %dma_wait3A_29 = tpu.memref_slice %arg10[%mul3A_23, %dma_wait3A] : memref<10112x128xf32, #tpu.memory_space<vmem_shared>> -> memref<128x128xf32, #tpu.memory_space<vmem_shared>>
          %dma_wait3A_30 = arith.constant 0 : i32
          %dma_wait3A_31 = tpu.memref_slice %arg10[%mul3A_23, %dma_wait3A_30] : memref<10112x128xf32, #tpu.memory_space<vmem_shared>> -> memref<128x128xf32, #tpu.memory_space<vmem_shared>>
          tpu.wait_dma2 semaphore(%run_scoped3A : memref<!tpu.dma_semaphore, #tpu.memory_space<semaphore_mem>>) src(%dma_wait3A_31 : memref<128x128xf32, #tpu.memory_space<vmem_shared>>) dst(%arg8 : memref<128x128xf32, #tpu.memory_space<vmem>>)
          tpu.yield
        }) : () -> ()
        %mul3A_24 = arith.constant 128 : i32
        %mul3A_25 = arith.muli %add3A, %mul3A_24 : i32
        "tpu.region"() ({
          %run_scoped3A = tpu.sem_alloc : memref<!tpu.dma_semaphore, #tpu.memory_space<semaphore_mem>>
          %dma_start3A = arith.constant 0 : i32
          %dma_start3A_26 = arith.constant 0 : i32
          %dma_start3A_27 = tpu.memref_slice %arg5[%arg0, %dma_start3A, %dma_start3A_26] : memref<2x10112x128xf32, #tpu.memory_space<hbm>> -> memref<1x10112x128xf32, #tpu.memory_space<hbm>>
          %dma_start3A_28 = tpu.memref_squeeze %dma_start3A_27 : memref<1x10112x128xf32, #tpu.memory_space<hbm>> -> memref<10112x128xf32, #tpu.memory_space<hbm>>
          %dma_start3A_29 = arith.constant 0 : i32
          %dma_start3A_30 = tpu.memref_slice %dma_start3A_28[%mul3A_25, %dma_start3A_29] : memref<10112x128xf32, #tpu.memory_space<hbm>> -> memref<128x128xf32, #tpu.memory_space<hbm>>
          %dma_start3A_31 = arith.constant 0 : i32
          %dma_start3A_32 = arith.constant 0 : i32
          %dma_start3A_33 = tpu.memref_slice %arg5[%arg0, %dma_start3A_31, %dma_start3A_32] : memref<2x10112x128xf32, #tpu.memory_space<hbm>> -> memref<1x10112x128xf32, #tpu.memory_space<hbm>>
          %dma_start3A_34 = tpu.memref_squeeze %dma_start3A_33 : memref<1x10112x128xf32, #tpu.memory_space<hbm>> -> memref<10112x128xf32, #tpu.memory_space<hbm>>
          %dma_start3A_35 = arith.constant 0 : i32
          %dma_start3A_36 = tpu.memref_slice %dma_start3A_34[%mul3A_25, %dma_start3A_35] : memref<10112x128xf32, #tpu.memory_space<hbm>> -> memref<128x128xf32, #tpu.memory_space<hbm>>
          tpu.enqueue_dma source(%arg8 : memref<128x128xf32, #tpu.memory_space<vmem>>) target(%dma_start3A_36 : memref<128x128xf32, #tpu.memory_space<hbm>>) target_semaphore(%run_scoped3A : memref<!tpu.dma_semaphore, #tpu.memory_space<semaphore_mem>>)
          %dma_wait3A = arith.constant 0 : i32
          %dma_wait3A_37 = arith.constant 0 : i32
          %dma_wait3A_38 = tpu.memref_slice %arg5[%arg0, %dma_wait3A, %dma_wait3A_37] : memref<2x10112x128xf32, #tpu.memory_space<hbm>> -> memref<1x10112x128xf32, #tpu.memory_space<hbm>>
          %dma_wait3A_39 = tpu.memref_squeeze %dma_wait3A_38 : memref<1x10112x128xf32, #tpu.memory_space<hbm>> -> memref<10112x128xf32, #tpu.memory_space<hbm>>
          %dma_wait3A_40 = arith.constant 0 : i32
          %dma_wait3A_41 = tpu.memref_slice %dma_wait3A_39[%mul3A_25, %dma_wait3A_40] : memref<10112x128xf32, #tpu.memory_space<hbm>> -> memref<128x128xf32, #tpu.memory_space<hbm>>
          %dma_wait3A_42 = arith.constant 0 : i32
          %dma_wait3A_43 = arith.constant 0 : i32
          %dma_wait3A_44 = tpu.memref_slice %arg5[%arg0, %dma_wait3A_42, %dma_wait3A_43] : memref<2x10112x128xf32, #tpu.memory_space<hbm>> -> memref<1x10112x128xf32, #tpu.memory_space<hbm>>
          %dma_wait3A_45 = tpu.memref_squeeze %dma_wait3A_44 : memref<1x10112x128xf32, #tpu.memory_space<hbm>> -> memref<10112x128xf32, #tpu.memory_space<hbm>>
          %dma_wait3A_46 = arith.constant 0 : i32
          %dma_wait3A_47 = tpu.memref_slice %dma_wait3A_45[%mul3A_25, %dma_wait3A_46] : memref<10112x128xf32, #tpu.memory_space<hbm>> -> memref<128x128xf32, #tpu.memory_space<hbm>>
          tpu.wait_dma2 semaphore(%run_scoped3A : memref<!tpu.dma_semaphore, #tpu.memory_space<semaphore_mem>>) src(%arg8 : memref<128x128xf32, #tpu.memory_space<vmem>>) dst(%dma_wait3A_47 : memref<128x128xf32, #tpu.memory_space<hbm>>)
          tpu.yield
        }) : () -> ()
      } else {
      }
    }
    %scan3A_17 = arith.constant 5 : i32
    return
  }
}

#map = affine_map<(d0, d1) -> (0, 0)>
#map1 = affine_map<(d0, d1) -> (0, 0, 0)>
module attributes {stable_mosaic.version = 14 : i64} {
  func.func @body(%arg0: i32, %arg1: i32, %arg2: memref<1280x128xi32, #tpu.memory_space<hbm>>, %arg3: memref<1280x128xi32, #tpu.memory_space<hbm>>, %arg4: memref<2x10112x128xf32, #tpu.memory_space<hbm>>, %arg5: memref<2x10112x128xf32, #tpu.memory_space<hbm>>, %arg6: memref<40x128xi32, #tpu.memory_space<vmem>>, %arg7: memref<40x128xi32, #tpu.memory_space<vmem>>, %arg8: memref<128x128xf32, #tpu.memory_space<vmem>>, %arg9: memref<128x128xf32, #tpu.memory_space<vmem>>, %arg10: memref<10112x128xf32, #tpu.memory_space<vmem_shared>>, %arg11: memref<!tpu.dma_semaphore, #tpu.memory_space<semaphore_mem>>, %arg12: memref<!tpu.dma_semaphore, #tpu.memory_space<semaphore_mem>>, %arg13: memref<!tpu.dma_semaphore, #tpu.memory_space<semaphore_mem>>, %arg14: memref<!tpu.dma_semaphore, #tpu.memory_space<semaphore_mem>>) attributes {dimension_semantics = [#tpu.dimension_semantics<core_parallel>, #tpu.dimension_semantics<subcore_parallel>], iteration_bounds = array<i64: 2, 16>, scalar_prefetch = 0 : i64, scratch_operands = 9 : i64, tpu.core_type = #tpu.core_type<sc_vector_subcore>, window_params = [{transform_indices = #map}, {transform_indices = #map}, {transform_indices = #map1}, {transform_indices = #map1}]} {
    %scan3A = arith.constant 0 : i32
    %scan3A_0 = arith.constant 0 : i32
    %scan3A_1 = arith.constant 5 : i32
    %scan3A_2 = arith.addi %scan3A_0, %scan3A_1 : i32
    %scan3A_3 = arith.constant 1 : i32
    scf.for %scan3A_18 = %scan3A_0 to %scan3A_2 step %scan3A_3  : i32 {
      %mul3A = arith.constant 16 : i32
      %mul3A_19 = arith.muli %scan3A_18, %mul3A : i32
      %add3A = arith.addi %arg1, %mul3A_19 : i32
      %lt3A = arith.constant 79 : i32
      %lt3A_20 = arith.cmpi slt, %add3A, %lt3A : i32
      %convert_element_type3A = arith.extui %lt3A_20 : i1 to i32
      %cond3A = arith.constant 0 : i32
      %cond3A_21 = arith.cmpi ne, %convert_element_type3A, %cond3A : i32
      scf.if %cond3A_21 {
        %mul3A_22 = arith.constant 128 : i32
        %mul3A_23 = arith.muli %add3A, %mul3A_22 : i32
        "tpu.region"() ({
          %run_scoped3A = tpu.sem_alloc : memref<!tpu.dma_semaphore, #tpu.memory_space<semaphore_mem>>
          %dma_start3A = arith.constant 0 : i32
          %dma_start3A_26 = arith.constant 0 : i32
          %dma_start3A_27 = tpu.memref_slice %arg4[%arg0, %dma_start3A, %dma_start3A_26] : memref<2x10112x128xf32, #tpu.memory_space<hbm>> -> memref<1x10112x128xf32, #tpu.memory_space<hbm>>
          %dma_start3A_28 = tpu.memref_squeeze %dma_start3A_27 : memref<1x10112x128xf32, #tpu.memory_space<hbm>> -> memref<10112x128xf32, #tpu.memory_space<hbm>>
          %dma_start3A_29 = arith.constant 0 : i32
          %dma_start3A_30 = tpu.memref_slice %dma_start3A_28[%mul3A_23, %dma_start3A_29] : memref<10112x128xf32, #tpu.memory_space<hbm>> -> memref<128x128xf32, #tpu.memory_space<hbm>>
          %dma_start3A_31 = arith.constant 0 : i32
          %dma_start3A_32 = arith.constant 0 : i32
          %dma_start3A_33 = tpu.memref_slice %arg4[%arg0, %dma_start3A_31, %dma_start3A_32] : memref<2x10112x128xf32, #tpu.memory_space<hbm>> -> memref<1x10112x128xf32, #tpu.memory_space<hbm>>
          %dma_start3A_34 = tpu.memref_squeeze %dma_start3A_33 : memref<1x10112x128xf32, #tpu.memory_space<hbm>> -> memref<10112x128xf32, #tpu.memory_space<hbm>>
          %dma_start3A_35 = arith.constant 0 : i32
          %dma_start3A_36 = tpu.memref_slice %dma_start3A_34[%mul3A_23, %dma_start3A_35] : memref<10112x128xf32, #tpu.memory_space<hbm>> -> memref<128x128xf32, #tpu.memory_space<hbm>>
          tpu.enqueue_dma source(%dma_start3A_36 : memref<128x128xf32, #tpu.memory_space<hbm>>) target(%arg8 : memref<128x128xf32, #tpu.memory_space<vmem>>) target_semaphore(%run_scoped3A : memref<!tpu.dma_semaphore, #tpu.memory_space<semaphore_mem>>)
          %dma_wait3A = arith.constant 0 : i32
          %dma_wait3A_37 = arith.constant 0 : i32
          %dma_wait3A_38 = tpu.memref_slice %arg4[%arg0, %dma_wait3A, %dma_wait3A_37] : memref<2x10112x128xf32, #tpu.memory_space<hbm>> -> memref<1x10112x128xf32, #tpu.memory_space<hbm>>
          %dma_wait3A_39 = tpu.memref_squeeze %dma_wait3A_38 : memref<1x10112x128xf32, #tpu.memory_space<hbm>> -> memref<10112x128xf32, #tpu.memory_space<hbm>>
          %dma_wait3A_40 = arith.constant 0 : i32
          %dma_wait3A_41 = tpu.memref_slice %dma_wait3A_39[%mul3A_23, %dma_wait3A_40] : memref<10112x128xf32, #tpu.memory_space<hbm>> -> memref<128x128xf32, #tpu.memory_space<hbm>>
          %dma_wait3A_42 = arith.constant 0 : i32
          %dma_wait3A_43 = arith.constant 0 : i32
          %dma_wait3A_44 = tpu.memref_slice %arg4[%arg0, %dma_wait3A_42, %dma_wait3A_43] : memref<2x10112x128xf32, #tpu.memory_space<hbm>> -> memref<1x10112x128xf32, #tpu.memory_space<hbm>>
          %dma_wait3A_45 = tpu.memref_squeeze %dma_wait3A_44 : memref<1x10112x128xf32, #tpu.memory_space<hbm>> -> memref<10112x128xf32, #tpu.memory_space<hbm>>
          %dma_wait3A_46 = arith.constant 0 : i32
          %dma_wait3A_47 = tpu.memref_slice %dma_wait3A_45[%mul3A_23, %dma_wait3A_46] : memref<10112x128xf32, #tpu.memory_space<hbm>> -> memref<128x128xf32, #tpu.memory_space<hbm>>
          tpu.wait_dma2 semaphore(%run_scoped3A : memref<!tpu.dma_semaphore, #tpu.memory_space<semaphore_mem>>) src(%dma_wait3A_47 : memref<128x128xf32, #tpu.memory_space<hbm>>) dst(%arg8 : memref<128x128xf32, #tpu.memory_space<vmem>>)
          tpu.yield
        }) : () -> ()
        %mul3A_24 = arith.constant 128 : i32
        %mul3A_25 = arith.muli %add3A, %mul3A_24 : i32
        "tpu.region"() ({
          %run_scoped3A = tpu.sem_alloc : memref<!tpu.dma_semaphore, #tpu.memory_space<semaphore_mem>>
          %dma_start3A = arith.constant 0 : i32
          %dma_start3A_26 = tpu.memref_slice %arg10[%mul3A_25, %dma_start3A] : memref<10112x128xf32, #tpu.memory_space<vmem_shared>> -> memref<128x128xf32, #tpu.memory_space<vmem_shared>>
          %dma_start3A_27 = arith.constant 0 : i32
          %dma_start3A_28 = tpu.memref_slice %arg10[%mul3A_25, %dma_start3A_27] : memref<10112x128xf32, #tpu.memory_space<vmem_shared>> -> memref<128x128xf32, #tpu.memory_space<vmem_shared>>
          tpu.enqueue_dma source(%arg8 : memref<128x128xf32, #tpu.memory_space<vmem>>) target(%dma_start3A_28 : memref<128x128xf32, #tpu.memory_space<vmem_shared>>) target_semaphore(%run_scoped3A : memref<!tpu.dma_semaphore, #tpu.memory_space<semaphore_mem>>)
          %dma_wait3A = arith.constant 0 : i32
          %dma_wait3A_29 = tpu.memref_slice %arg10[%mul3A_25, %dma_wait3A] : memref<10112x128xf32, #tpu.memory_space<vmem_shared>> -> memref<128x128xf32, #tpu.memory_space<vmem_shared>>
          %dma_wait3A_30 = arith.constant 0 : i32
          %dma_wait3A_31 = tpu.memref_slice %arg10[%mul3A_25, %dma_wait3A_30] : memref<10112x128xf32, #tpu.memory_space<vmem_shared>> -> memref<128x128xf32, #tpu.memory_space<vmem_shared>>
          tpu.wait_dma2 semaphore(%run_scoped3A : memref<!tpu.dma_semaphore, #tpu.memory_space<semaphore_mem>>) src(%arg8 : memref<128x128xf32, #tpu.memory_space<vmem>>) dst(%dma_wait3A_31 : memref<128x128xf32, #tpu.memory_space<vmem_shared>>)
          tpu.yield
        }) : () -> ()
      } else {
      }
    }
    %scan3A_4 = arith.constant 5 : i32
    %barrier3A = arith.constant 0 : index
    tpu.barrier barrier_id(%barrier3A)
    %scan3A_5 = arith.constant 0 : i32
    %scan3A_6 = arith.constant 0 : i32
    %scan3A_7 = arith.constant 2 : i32
    %scan3A_8 = arith.addi %scan3A_6, %scan3A_7 : i32
    %scan3A_9 = arith.constant 1 : i32
    scf.for %scan3A_18 = %scan3A_6 to %scan3A_8 step %scan3A_9  : i32 {
      %mul3A = arith.constant 80 : i32
      %mul3A_19 = arith.muli %arg1, %mul3A : i32
      %mul3A_20 = arith.constant 40 : i32
      %mul3A_21 = arith.muli %scan3A_18, %mul3A_20 : i32
      %add3A = arith.addi %mul3A_19, %mul3A_21 : i32
      "tpu.region"() ({
        %run_scoped3A = tpu.sem_alloc : memref<!tpu.dma_semaphore, #tpu.memory_space<semaphore_mem>>
        %dma_start3A_59 = arith.constant 0 : i32
        %dma_start3A_60 = tpu.memref_slice %arg2[%add3A, %dma_start3A_59] : memref<1280x128xi32, #tpu.memory_space<hbm>> -> memref<40x128xi32, #tpu.memory_space<hbm>>
        %dma_start3A_61 = arith.constant 0 : i32
        %dma_start3A_62 = tpu.memref_slice %arg2[%add3A, %dma_start3A_61] : memref<1280x128xi32, #tpu.memory_space<hbm>> -> memref<40x128xi32, #tpu.memory_space<hbm>>
        tpu.enqueue_dma source(%dma_start3A_62 : memref<40x128xi32, #tpu.memory_space<hbm>>) target(%arg6 : memref<40x128xi32, #tpu.memory_space<vmem>>) target_semaphore(%run_scoped3A : memref<!tpu.dma_semaphore, #tpu.memory_space<semaphore_mem>>)
        %dma_wait3A_63 = arith.constant 0 : i32
        %dma_wait3A_64 = tpu.memref_slice %arg2[%add3A, %dma_wait3A_63] : memref<1280x128xi32, #tpu.memory_space<hbm>> -> memref<40x128xi32, #tpu.memory_space<hbm>>
        %dma_wait3A_65 = arith.constant 0 : i32
        %dma_wait3A_66 = tpu.memref_slice %arg2[%add3A, %dma_wait3A_65] : memref<1280x128xi32, #tpu.memory_space<hbm>> -> memref<40x128xi32, #tpu.memory_space<hbm>>
        tpu.wait_dma2 semaphore(%run_scoped3A : memref<!tpu.dma_semaphore, #tpu.memory_space<semaphore_mem>>) src(%dma_wait3A_66 : memref<40x128xi32, #tpu.memory_space<hbm>>) dst(%arg6 : memref<40x128xi32, #tpu.memory_space<vmem>>)
        tpu.yield
      }) : () -> ()
      "tpu.region"() ({
        %run_scoped3A = tpu.sem_alloc : memref<!tpu.dma_semaphore, #tpu.memory_space<semaphore_mem>>
        %dma_start3A_59 = arith.constant 0 : i32
        %dma_start3A_60 = tpu.memref_slice %arg3[%add3A, %dma_start3A_59] : memref<1280x128xi32, #tpu.memory_space<hbm>> -> memref<40x128xi32, #tpu.memory_space<hbm>>
        %dma_start3A_61 = arith.constant 0 : i32
        %dma_start3A_62 = tpu.memref_slice %arg3[%add3A, %dma_start3A_61] : memref<1280x128xi32, #tpu.memory_space<hbm>> -> memref<40x128xi32, #tpu.memory_space<hbm>>
        tpu.enqueue_dma source(%dma_start3A_62 : memref<40x128xi32, #tpu.memory_space<hbm>>) target(%arg7 : memref<40x128xi32, #tpu.memory_space<vmem>>) target_semaphore(%run_scoped3A : memref<!tpu.dma_semaphore, #tpu.memory_space<semaphore_mem>>)
        %dma_wait3A_63 = arith.constant 0 : i32
        %dma_wait3A_64 = tpu.memref_slice %arg3[%add3A, %dma_wait3A_63] : memref<1280x128xi32, #tpu.memory_space<hbm>> -> memref<40x128xi32, #tpu.memory_space<hbm>>
        %dma_wait3A_65 = arith.constant 0 : i32
        %dma_wait3A_66 = tpu.memref_slice %arg3[%add3A, %dma_wait3A_65] : memref<1280x128xi32, #tpu.memory_space<hbm>> -> memref<40x128xi32, #tpu.memory_space<hbm>>
        tpu.wait_dma2 semaphore(%run_scoped3A : memref<!tpu.dma_semaphore, #tpu.memory_space<semaphore_mem>>) src(%dma_wait3A_66 : memref<40x128xi32, #tpu.memory_space<hbm>>) dst(%arg7 : memref<40x128xi32, #tpu.memory_space<vmem>>)
        tpu.yield
      }) : () -> ()
      %scan3A_22 = arith.constant 0 : i32
      %scan3A_23 = arith.constant 0 : i32
      %scan3A_24 = arith.constant 20 : i32
      %scan3A_25 = arith.addi %scan3A_23, %scan3A_24 : i32
      %scan3A_26 = arith.constant 1 : i32
      scf.for %scan3A_59 = %scan3A_23 to %scan3A_25 step %scan3A_26  : i32 {
        %mul3A_60 = arith.constant 2 : i32
        %mul3A_61 = arith.muli %mul3A_60, %scan3A_59 : i32
        %ge3A = arith.constant 2 : i32
        %ge3A_62 = arith.cmpi sge, %mul3A_61, %ge3A : i32
        %convert_element_type3A = arith.extui %ge3A_62 : i1 to i32
        %cond3A = arith.constant 0 : i32
        %cond3A_63 = arith.cmpi ne, %convert_element_type3A, %cond3A : i32
        scf.if %cond3A_63 {
          %dma_wait3A_103 = arith.constant 0 : i32
          %dma_wait3A_104 = arith.constant 0 : i32
          %dma_wait3A_105 = tpu.memref_slice %arg10[%dma_wait3A_103, %dma_wait3A_104] : memref<10112x128xf32, #tpu.memory_space<vmem_shared>> -> memref<128x128xf32, #tpu.memory_space<vmem_shared>>
          %dma_wait3A_106 = arith.constant 0 : i32
          %dma_wait3A_107 = arith.constant 0 : i32
          %dma_wait3A_108 = tpu.memref_slice %arg10[%dma_wait3A_106, %dma_wait3A_107] : memref<10112x128xf32, #tpu.memory_space<vmem_shared>> -> memref<128x128xf32, #tpu.memory_space<vmem_shared>>
          tpu.wait_dma2 semaphore(%arg13 : memref<!tpu.dma_semaphore, #tpu.memory_space<semaphore_mem>>) src(%arg8 : memref<128x128xf32, #tpu.memory_space<vmem>>) dst(%dma_wait3A_108 : memref<128x128xf32, #tpu.memory_space<vmem_shared>>)
        } else {
        }
        %dma_start3A_64 = arith.constant 0 : i32
        %dma_start3A_65 = tpu.memref_slice %arg6[%mul3A_61, %dma_start3A_64] : memref<40x128xi32, #tpu.memory_space<vmem>> -> memref<1x128xi32, #tpu.memory_space<vmem>>
        %dma_start3A_66 = tpu.memref_squeeze %dma_start3A_65 : memref<1x128xi32, #tpu.memory_space<vmem>> -> memref<128xi32, #tpu.memory_space<vmem>>
        %dma_start3A_67 = arith.constant 0 : i32
        %dma_start3A_68 = arith.constant 0 : i32
        %dma_start3A_69 = tpu.memref_slice %arg4[%arg0, %dma_start3A_67, %dma_start3A_68] : memref<2x10112x128xf32, #tpu.memory_space<hbm>> -> memref<1x10112x128xf32, #tpu.memory_space<hbm>>
        %dma_start3A_70 = tpu.memref_squeeze %dma_start3A_69 : memref<1x10112x128xf32, #tpu.memory_space<hbm>> -> memref<10112x128xf32, #tpu.memory_space<hbm>>
        %dma_start3A_71 = arith.constant 0 : i32
        %dma_start3A_72 = arith.constant 0 : i32
        %dma_start3A_73 = tpu.memref_slice %dma_start3A_70[%dma_start3A_71, %dma_start3A_72] : memref<10112x128xf32, #tpu.memory_space<hbm>> -> memref<10112x128xf32, #tpu.memory_space<hbm>>
        tpu.enqueue_indirect_dma source(%dma_start3A_73 : memref<10112x128xf32, #tpu.memory_space<hbm>>) target(%arg8 : memref<128x128xf32, #tpu.memory_space<vmem>>) offsets(%dma_start3A_66 : memref<128xi32, #tpu.memory_space<vmem>>) semaphore(%arg11 : memref<!tpu.dma_semaphore, #tpu.memory_space<semaphore_mem>>)
        %ge3A_74 = arith.constant 1 : i32
        %ge3A_75 = arith.cmpi sge, %mul3A_61, %ge3A_74 : i32
        %convert_element_type3A_76 = arith.extui %ge3A_75 : i1 to i32
        %cond3A_77 = arith.constant 0 : i32
        %cond3A_78 = arith.cmpi ne, %convert_element_type3A_76, %cond3A_77 : i32
        scf.if %cond3A_78 {
          %dma_wait3A_103 = arith.constant 0 : i32
          %dma_wait3A_104 = arith.constant 0 : i32
          %dma_wait3A_105 = tpu.memref_slice %arg4[%arg0, %dma_wait3A_103, %dma_wait3A_104] : memref<2x10112x128xf32, #tpu.memory_space<hbm>> -> memref<1x10112x128xf32, #tpu.memory_space<hbm>>
          %dma_wait3A_106 = tpu.memref_squeeze %dma_wait3A_105 : memref<1x10112x128xf32, #tpu.memory_space<hbm>> -> memref<10112x128xf32, #tpu.memory_space<hbm>>
          %dma_wait3A_107 = arith.constant 0 : i32
          %dma_wait3A_108 = arith.constant 0 : i32
          %dma_wait3A_109 = tpu.memref_slice %dma_wait3A_106[%dma_wait3A_107, %dma_wait3A_108] : memref<10112x128xf32, #tpu.memory_space<hbm>> -> memref<128x128xf32, #tpu.memory_space<hbm>>
          %dma_wait3A_110 = arith.constant 0 : i32
          %dma_wait3A_111 = arith.constant 0 : i32
          %dma_wait3A_112 = tpu.memref_slice %arg4[%arg0, %dma_wait3A_110, %dma_wait3A_111] : memref<2x10112x128xf32, #tpu.memory_space<hbm>> -> memref<1x10112x128xf32, #tpu.memory_space<hbm>>
          %dma_wait3A_113 = tpu.memref_squeeze %dma_wait3A_112 : memref<1x10112x128xf32, #tpu.memory_space<hbm>> -> memref<10112x128xf32, #tpu.memory_space<hbm>>
          %dma_wait3A_114 = arith.constant 0 : i32
          %dma_wait3A_115 = arith.constant 0 : i32
          %dma_wait3A_116 = tpu.memref_slice %dma_wait3A_113[%dma_wait3A_114, %dma_wait3A_115] : memref<10112x128xf32, #tpu.memory_space<hbm>> -> memref<128x128xf32, #tpu.memory_space<hbm>>
          tpu.wait_dma2 semaphore(%arg12 : memref<!tpu.dma_semaphore, #tpu.memory_space<semaphore_mem>>) src(%dma_wait3A_116 : memref<128x128xf32, #tpu.memory_space<hbm>>) dst(%arg9 : memref<128x128xf32, #tpu.memory_space<vmem>>)
          %sub3A = arith.constant 1 : i32
          %sub3A_117 = arith.subi %mul3A_61, %sub3A : i32
          %dma_start3A_118 = arith.constant 0 : i32
          %dma_start3A_119 = tpu.memref_slice %arg7[%sub3A_117, %dma_start3A_118] : memref<40x128xi32, #tpu.memory_space<vmem>> -> memref<1x128xi32, #tpu.memory_space<vmem>>
          %dma_start3A_120 = tpu.memref_squeeze %dma_start3A_119 : memref<1x128xi32, #tpu.memory_space<vmem>> -> memref<128xi32, #tpu.memory_space<vmem>>
          %dma_start3A_121 = arith.constant 0 : i32
          %dma_start3A_122 = arith.constant 0 : i32
          %dma_start3A_123 = tpu.memref_slice %arg10[%dma_start3A_121, %dma_start3A_122] : memref<10112x128xf32, #tpu.memory_space<vmem_shared>> -> memref<10112x128xf32, #tpu.memory_space<vmem_shared>>
          tpu.enqueue_indirect_dma source(%arg9 : memref<128x128xf32, #tpu.memory_space<vmem>>) target(%dma_start3A_123 : memref<10112x128xf32, #tpu.memory_space<vmem_shared>>) offsets(%dma_start3A_120 : memref<128xi32, #tpu.memory_space<vmem>>) semaphore(%arg14 : memref<!tpu.dma_semaphore, #tpu.memory_space<semaphore_mem>>) {add = true}
        } else {
        }
        %mul3A_79 = arith.constant 2 : i32
        %mul3A_80 = arith.muli %mul3A_79, %scan3A_59 : i32
        %add3A_81 = arith.constant 1 : i32
        %add3A_82 = arith.addi %mul3A_80, %add3A_81 : i32
        %ge3A_83 = arith.constant 2 : i32
        %ge3A_84 = arith.cmpi sge, %add3A_82, %ge3A_83 : i32
        %convert_element_type3A_85 = arith.extui %ge3A_84 : i1 to i32
        %cond3A_86 = arith.constant 0 : i32
        %cond3A_87 = arith.cmpi ne, %convert_element_type3A_85, %cond3A_86 : i32
        scf.if %cond3A_87 {
          %dma_wait3A_103 = arith.constant 0 : i32
          %dma_wait3A_104 = arith.constant 0 : i32
          %dma_wait3A_105 = tpu.memref_slice %arg10[%dma_wait3A_103, %dma_wait3A_104] : memref<10112x128xf32, #tpu.memory_space<vmem_shared>> -> memref<128x128xf32, #tpu.memory_space<vmem_shared>>
          %dma_wait3A_106 = arith.constant 0 : i32
          %dma_wait3A_107 = arith.constant 0 : i32
          %dma_wait3A_108 = tpu.memref_slice %arg10[%dma_wait3A_106, %dma_wait3A_107] : memref<10112x128xf32, #tpu.memory_space<vmem_shared>> -> memref<128x128xf32, #tpu.memory_space<vmem_shared>>
          tpu.wait_dma2 semaphore(%arg14 : memref<!tpu.dma_semaphore, #tpu.memory_space<semaphore_mem>>) src(%arg9 : memref<128x128xf32, #tpu.memory_space<vmem>>) dst(%dma_wait3A_108 : memref<128x128xf32, #tpu.memory_space<vmem_shared>>)
        } else {
        }
        %dma_start3A_88 = arith.constant 0 : i32
        %dma_start3A_89 = tpu.memref_slice %arg6[%add3A_82, %dma_start3A_88] : memref<40x128xi32, #tpu.memory_space<vmem>> -> memref<1x128xi32, #tpu.memory_space<vmem>>
        %dma_start3A_90 = tpu.memref_squeeze %dma_start3A_89 : memref<1x128xi32, #tpu.memory_space<vmem>> -> memref<128xi32, #tpu.memory_space<vmem>>
        %dma_start3A_91 = arith.constant 0 : i32
        %dma_start3A_92 = arith.constant 0 : i32
        %dma_start3A_93 = tpu.memref_slice %arg4[%arg0, %dma_start3A_91, %dma_start3A_92] : memref<2x10112x128xf32, #tpu.memory_space<hbm>> -> memref<1x10112x128xf32, #tpu.memory_space<hbm>>
        %dma_start3A_94 = tpu.memref_squeeze %dma_start3A_93 : memref<1x10112x128xf32, #tpu.memory_space<hbm>> -> memref<10112x128xf32, #tpu.memory_space<hbm>>
        %dma_start3A_95 = arith.constant 0 : i32
        %dma_start3A_96 = arith.constant 0 : i32
        %dma_start3A_97 = tpu.memref_slice %dma_start3A_94[%dma_start3A_95, %dma_start3A_96] : memref<10112x128xf32, #tpu.memory_space<hbm>> -> memref<10112x128xf32, #tpu.memory_space<hbm>>
        tpu.enqueue_indirect_dma source(%dma_start3A_97 : memref<10112x128xf32, #tpu.memory_space<hbm>>) target(%arg9 : memref<128x128xf32, #tpu.memory_space<vmem>>) offsets(%dma_start3A_90 : memref<128xi32, #tpu.memory_space<vmem>>) semaphore(%arg12 : memref<!tpu.dma_semaphore, #tpu.memory_space<semaphore_mem>>)
        %ge3A_98 = arith.constant 1 : i32
        %ge3A_99 = arith.cmpi sge, %add3A_82, %ge3A_98 : i32
        %convert_element_type3A_100 = arith.extui %ge3A_99 : i1 to i32
        %cond3A_101 = arith.constant 0 : i32
        %cond3A_102 = arith.cmpi ne, %convert_element_type3A_100, %cond3A_101 : i32
        scf.if %cond3A_102 {
          %dma_wait3A_103 = arith.constant 0 : i32
          %dma_wait3A_104 = arith.constant 0 : i32
          %dma_wait3A_105 = tpu.memref_slice %arg4[%arg0, %dma_wait3A_103, %dma_wait3A_104] : memref<2x10112x128xf32, #tpu.memory_space<hbm>> -> memref<1x10112x128xf32, #tpu.memory_space<hbm>>
          %dma_wait3A_106 = tpu.memref_squeeze %dma_wait3A_105 : memref<1x10112x128xf32, #tpu.memory_space<hbm>> -> memref<10112x128xf32, #tpu.memory_space<hbm>>
          %dma_wait3A_107 = arith.constant 0 : i32
          %dma_wait3A_108 = arith.constant 0 : i32
          %dma_wait3A_109 = tpu.memref_slice %dma_wait3A_106[%dma_wait3A_107, %dma_wait3A_108] : memref<10112x128xf32, #tpu.memory_space<hbm>> -> memref<128x128xf32, #tpu.memory_space<hbm>>
          %dma_wait3A_110 = arith.constant 0 : i32
          %dma_wait3A_111 = arith.constant 0 : i32
          %dma_wait3A_112 = tpu.memref_slice %arg4[%arg0, %dma_wait3A_110, %dma_wait3A_111] : memref<2x10112x128xf32, #tpu.memory_space<hbm>> -> memref<1x10112x128xf32, #tpu.memory_space<hbm>>
          %dma_wait3A_113 = tpu.memref_squeeze %dma_wait3A_112 : memref<1x10112x128xf32, #tpu.memory_space<hbm>> -> memref<10112x128xf32, #tpu.memory_space<hbm>>
          %dma_wait3A_114 = arith.constant 0 : i32
          %dma_wait3A_115 = arith.constant 0 : i32
          %dma_wait3A_116 = tpu.memref_slice %dma_wait3A_113[%dma_wait3A_114, %dma_wait3A_115] : memref<10112x128xf32, #tpu.memory_space<hbm>> -> memref<128x128xf32, #tpu.memory_space<hbm>>
          tpu.wait_dma2 semaphore(%arg11 : memref<!tpu.dma_semaphore, #tpu.memory_space<semaphore_mem>>) src(%dma_wait3A_116 : memref<128x128xf32, #tpu.memory_space<hbm>>) dst(%arg8 : memref<128x128xf32, #tpu.memory_space<vmem>>)
          %sub3A = arith.constant 1 : i32
          %sub3A_117 = arith.subi %add3A_82, %sub3A : i32
          %dma_start3A_118 = arith.constant 0 : i32
          %dma_start3A_119 = tpu.memref_slice %arg7[%sub3A_117, %dma_start3A_118] : memref<40x128xi32, #tpu.memory_space<vmem>> -> memref<1x128xi32, #tpu.memory_space<vmem>>
          %dma_start3A_120 = tpu.memref_squeeze %dma_start3A_119 : memref<1x128xi32, #tpu.memory_space<vmem>> -> memref<128xi32, #tpu.memory_space<vmem>>
          %dma_start3A_121 = arith.constant 0 : i32
          %dma_start3A_122 = arith.constant 0 : i32
          %dma_start3A_123 = tpu.memref_slice %arg10[%dma_start3A_121, %dma_start3A_122] : memref<10112x128xf32, #tpu.memory_space<vmem_shared>> -> memref<10112x128xf32, #tpu.memory_space<vmem_shared>>
          tpu.enqueue_indirect_dma source(%arg8 : memref<128x128xf32, #tpu.memory_space<vmem>>) target(%dma_start3A_123 : memref<10112x128xf32, #tpu.memory_space<vmem_shared>>) offsets(%dma_start3A_120 : memref<128xi32, #tpu.memory_space<vmem>>) semaphore(%arg13 : memref<!tpu.dma_semaphore, #tpu.memory_space<semaphore_mem>>) {add = true}
        } else {
        }
      }
      %scan3A_27 = arith.constant 20 : i32
      %dma_wait3A = arith.constant 0 : i32
      %dma_wait3A_28 = arith.constant 0 : i32
      %dma_wait3A_29 = tpu.memref_slice %arg4[%arg0, %dma_wait3A, %dma_wait3A_28] : memref<2x10112x128xf32, #tpu.memory_space<hbm>> -> memref<1x10112x128xf32, #tpu.memory_space<hbm>>
      %dma_wait3A_30 = tpu.memref_squeeze %dma_wait3A_29 : memref<1x10112x128xf32, #tpu.memory_space<hbm>> -> memref<10112x128xf32, #tpu.memory_space<hbm>>
      %dma_wait3A_31 = arith.constant 0 : i32
      %dma_wait3A_32 = arith.constant 0 : i32
      %dma_wait3A_33 = tpu.memref_slice %dma_wait3A_30[%dma_wait3A_31, %dma_wait3A_32] : memref<10112x128xf32, #tpu.memory_space<hbm>> -> memref<128x128xf32, #tpu.memory_space<hbm>>
      %dma_wait3A_34 = arith.constant 0 : i32
      %dma_wait3A_35 = arith.constant 0 : i32
      %dma_wait3A_36 = tpu.memref_slice %arg4[%arg0, %dma_wait3A_34, %dma_wait3A_35] : memref<2x10112x128xf32, #tpu.memory_space<hbm>> -> memref<1x10112x128xf32, #tpu.memory_space<hbm>>
      %dma_wait3A_37 = tpu.memref_squeeze %dma_wait3A_36 : memref<1x10112x128xf32, #tpu.memory_space<hbm>> -> memref<10112x128xf32, #tpu.memory_space<hbm>>
      %dma_wait3A_38 = arith.constant 0 : i32
      %dma_wait3A_39 = arith.constant 0 : i32
      %dma_wait3A_40 = tpu.memref_slice %dma_wait3A_37[%dma_wait3A_38, %dma_wait3A_39] : memref<10112x128xf32, #tpu.memory_space<hbm>> -> memref<128x128xf32, #tpu.memory_space<hbm>>
      tpu.wait_dma2 semaphore(%arg12 : memref<!tpu.dma_semaphore, #tpu.memory_space<semaphore_mem>>) src(%dma_wait3A_40 : memref<128x128xf32, #tpu.memory_space<hbm>>) dst(%arg9 : memref<128x128xf32, #tpu.memory_space<vmem>>)
      %dma_start3A = arith.constant 39 : i32
      %dma_start3A_41 = arith.constant 0 : i32
      %dma_start3A_42 = tpu.memref_slice %arg7[%dma_start3A, %dma_start3A_41] : memref<40x128xi32, #tpu.memory_space<vmem>> -> memref<1x128xi32, #tpu.memory_space<vmem>>
      %dma_start3A_43 = tpu.memref_squeeze %dma_start3A_42 : memref<1x128xi32, #tpu.memory_space<vmem>> -> memref<128xi32, #tpu.memory_space<vmem>>
      %dma_start3A_44 = arith.constant 0 : i32
      %dma_start3A_45 = arith.constant 0 : i32
      %dma_start3A_46 = tpu.memref_slice %arg10[%dma_start3A_44, %dma_start3A_45] : memref<10112x128xf32, #tpu.memory_space<vmem_shared>> -> memref<10112x128xf32, #tpu.memory_space<vmem_shared>>
      tpu.enqueue_indirect_dma source(%arg9 : memref<128x128xf32, #tpu.memory_space<vmem>>) target(%dma_start3A_46 : memref<10112x128xf32, #tpu.memory_space<vmem_shared>>) offsets(%dma_start3A_43 : memref<128xi32, #tpu.memory_space<vmem>>) semaphore(%arg14 : memref<!tpu.dma_semaphore, #tpu.memory_space<semaphore_mem>>) {add = true}
      %dma_wait3A_47 = arith.constant 0 : i32
      %dma_wait3A_48 = arith.constant 0 : i32
      %dma_wait3A_49 = tpu.memref_slice %arg10[%dma_wait3A_47, %dma_wait3A_48] : memref<10112x128xf32, #tpu.memory_space<vmem_shared>> -> memref<128x128xf32, #tpu.memory_space<vmem_shared>>
      %dma_wait3A_50 = arith.constant 0 : i32
      %dma_wait3A_51 = arith.constant 0 : i32
      %dma_wait3A_52 = tpu.memref_slice %arg10[%dma_wait3A_50, %dma_wait3A_51] : memref<10112x128xf32, #tpu.memory_space<vmem_shared>> -> memref<128x128xf32, #tpu.memory_space<vmem_shared>>
      tpu.wait_dma2 semaphore(%arg13 : memref<!tpu.dma_semaphore, #tpu.memory_space<semaphore_mem>>) src(%arg8 : memref<128x128xf32, #tpu.memory_space<vmem>>) dst(%dma_wait3A_52 : memref<128x128xf32, #tpu.memory_space<vmem_shared>>)
      %dma_wait3A_53 = arith.constant 0 : i32
      %dma_wait3A_54 = arith.constant 0 : i32
      %dma_wait3A_55 = tpu.memref_slice %arg10[%dma_wait3A_53, %dma_wait3A_54] : memref<10112x128xf32, #tpu.memory_space<vmem_shared>> -> memref<128x128xf32, #tpu.memory_space<vmem_shared>>
      %dma_wait3A_56 = arith.constant 0 : i32
      %dma_wait3A_57 = arith.constant 0 : i32
      %dma_wait3A_58 = tpu.memref_slice %arg10[%dma_wait3A_56, %dma_wait3A_57] : memref<10112x128xf32, #tpu.memory_space<vmem_shared>> -> memref<128x128xf32, #tpu.memory_space<vmem_shared>>
      tpu.wait_dma2 semaphore(%arg14 : memref<!tpu.dma_semaphore, #tpu.memory_space<semaphore_mem>>) src(%arg9 : memref<128x128xf32, #tpu.memory_space<vmem>>) dst(%dma_wait3A_58 : memref<128x128xf32, #tpu.memory_space<vmem_shared>>)
    }
    %scan3A_10 = arith.constant 2 : i32
    %barrier3A_11 = arith.constant 0 : index
    tpu.barrier barrier_id(%barrier3A_11)
    %scan3A_12 = arith.constant 0 : i32
    %scan3A_13 = arith.constant 0 : i32
    %scan3A_14 = arith.constant 5 : i32
    %scan3A_15 = arith.addi %scan3A_13, %scan3A_14 : i32
    %scan3A_16 = arith.constant 1 : i32
    scf.for %scan3A_18 = %scan3A_13 to %scan3A_15 step %scan3A_16  : i32 {
      %mul3A = arith.constant 16 : i32
      %mul3A_19 = arith.muli %scan3A_18, %mul3A : i32
      %add3A = arith.addi %arg1, %mul3A_19 : i32
      %lt3A = arith.constant 79 : i32
      %lt3A_20 = arith.cmpi slt, %add3A, %lt3A : i32
      %convert_element_type3A = arith.extui %lt3A_20 : i1 to i32
      %cond3A = arith.constant 0 : i32
      %cond3A_21 = arith.cmpi ne, %convert_element_type3A, %cond3A : i32
      scf.if %cond3A_21 {
        %mul3A_22 = arith.constant 128 : i32
        %mul3A_23 = arith.muli %add3A, %mul3A_22 : i32
        "tpu.region"() ({
          %run_scoped3A = tpu.sem_alloc : memref<!tpu.dma_semaphore, #tpu.memory_space<semaphore_mem>>
          %dma_start3A = arith.constant 0 : i32
          %dma_start3A_26 = tpu.memref_slice %arg10[%mul3A_23, %dma_start3A] : memref<10112x128xf32, #tpu.memory_space<vmem_shared>> -> memref<128x128xf32, #tpu.memory_space<vmem_shared>>
          %dma_start3A_27 = arith.constant 0 : i32
          %dma_start3A_28 = tpu.memref_slice %arg10[%mul3A_23, %dma_start3A_27] : memref<10112x128xf32, #tpu.memory_space<vmem_shared>> -> memref<128x128xf32, #tpu.memory_space<vmem_shared>>
          tpu.enqueue_dma source(%dma_start3A_28 : memref<128x128xf32, #tpu.memory_space<vmem_shared>>) target(%arg8 : memref<128x128xf32, #tpu.memory_space<vmem>>) target_semaphore(%run_scoped3A : memref<!tpu.dma_semaphore, #tpu.memory_space<semaphore_mem>>)
          %dma_wait3A = arith.constant 0 : i32
          %dma_wait3A_29 = tpu.memref_slice %arg10[%mul3A_23, %dma_wait3A] : memref<10112x128xf32, #tpu.memory_space<vmem_shared>> -> memref<128x128xf32, #tpu.memory_space<vmem_shared>>
          %dma_wait3A_30 = arith.constant 0 : i32
          %dma_wait3A_31 = tpu.memref_slice %arg10[%mul3A_23, %dma_wait3A_30] : memref<10112x128xf32, #tpu.memory_space<vmem_shared>> -> memref<128x128xf32, #tpu.memory_space<vmem_shared>>
          tpu.wait_dma2 semaphore(%run_scoped3A : memref<!tpu.dma_semaphore, #tpu.memory_space<semaphore_mem>>) src(%dma_wait3A_31 : memref<128x128xf32, #tpu.memory_space<vmem_shared>>) dst(%arg8 : memref<128x128xf32, #tpu.memory_space<vmem>>)
          tpu.yield
        }) : () -> ()
        %mul3A_24 = arith.constant 128 : i32
        %mul3A_25 = arith.muli %add3A, %mul3A_24 : i32
        "tpu.region"() ({
          %run_scoped3A = tpu.sem_alloc : memref<!tpu.dma_semaphore, #tpu.memory_space<semaphore_mem>>
          %dma_start3A = arith.constant 0 : i32
          %dma_start3A_26 = arith.constant 0 : i32
          %dma_start3A_27 = tpu.memref_slice %arg5[%arg0, %dma_start3A, %dma_start3A_26] : memref<2x10112x128xf32, #tpu.memory_space<hbm>> -> memref<1x10112x128xf32, #tpu.memory_space<hbm>>
          %dma_start3A_28 = tpu.memref_squeeze %dma_start3A_27 : memref<1x10112x128xf32, #tpu.memory_space<hbm>> -> memref<10112x128xf32, #tpu.memory_space<hbm>>
          %dma_start3A_29 = arith.constant 0 : i32
          %dma_start3A_30 = tpu.memref_slice %dma_start3A_28[%mul3A_25, %dma_start3A_29] : memref<10112x128xf32, #tpu.memory_space<hbm>> -> memref<128x128xf32, #tpu.memory_space<hbm>>
          %dma_start3A_31 = arith.constant 0 : i32
          %dma_start3A_32 = arith.constant 0 : i32
          %dma_start3A_33 = tpu.memref_slice %arg5[%arg0, %dma_start3A_31, %dma_start3A_32] : memref<2x10112x128xf32, #tpu.memory_space<hbm>> -> memref<1x10112x128xf32, #tpu.memory_space<hbm>>
          %dma_start3A_34 = tpu.memref_squeeze %dma_start3A_33 : memref<1x10112x128xf32, #tpu.memory_space<hbm>> -> memref<10112x128xf32, #tpu.memory_space<hbm>>
          %dma_start3A_35 = arith.constant 0 : i32
          %dma_start3A_36 = tpu.memref_slice %dma_start3A_34[%mul3A_25, %dma_start3A_35] : memref<10112x128xf32, #tpu.memory_space<hbm>> -> memref<128x128xf32, #tpu.memory_space<hbm>>
          tpu.enqueue_dma source(%arg8 : memref<128x128xf32, #tpu.memory_space<vmem>>) target(%dma_start3A_36 : memref<128x128xf32, #tpu.memory_space<hbm>>) target_semaphore(%run_scoped3A : memref<!tpu.dma_semaphore, #tpu.memory_space<semaphore_mem>>)
          %dma_wait3A = arith.constant 0 : i32
          %dma_wait3A_37 = arith.constant 0 : i32
          %dma_wait3A_38 = tpu.memref_slice %arg5[%arg0, %dma_wait3A, %dma_wait3A_37] : memref<2x10112x128xf32, #tpu.memory_space<hbm>> -> memref<1x10112x128xf32, #tpu.memory_space<hbm>>
          %dma_wait3A_39 = tpu.memref_squeeze %dma_wait3A_38 : memref<1x10112x128xf32, #tpu.memory_space<hbm>> -> memref<10112x128xf32, #tpu.memory_space<hbm>>
          %dma_wait3A_40 = arith.constant 0 : i32
          %dma_wait3A_41 = tpu.memref_slice %dma_wait3A_39[%mul3A_25, %dma_wait3A_40] : memref<10112x128xf32, #tpu.memory_space<hbm>> -> memref<128x128xf32, #tpu.memory_space<hbm>>
          %dma_wait3A_42 = arith.constant 0 : i32
          %dma_wait3A_43 = arith.constant 0 : i32
          %dma_wait3A_44 = tpu.memref_slice %arg5[%arg0, %dma_wait3A_42, %dma_wait3A_43] : memref<2x10112x128xf32, #tpu.memory_space<hbm>> -> memref<1x10112x128xf32, #tpu.memory_space<hbm>>
          %dma_wait3A_45 = tpu.memref_squeeze %dma_wait3A_44 : memref<1x10112x128xf32, #tpu.memory_space<hbm>> -> memref<10112x128xf32, #tpu.memory_space<hbm>>
          %dma_wait3A_46 = arith.constant 0 : i32
          %dma_wait3A_47 = tpu.memref_slice %dma_wait3A_45[%mul3A_25, %dma_wait3A_46] : memref<10112x128xf32, #tpu.memory_space<hbm>> -> memref<128x128xf32, #tpu.memory_space<hbm>>
          tpu.wait_dma2 semaphore(%run_scoped3A : memref<!tpu.dma_semaphore, #tpu.memory_space<semaphore_mem>>) src(%arg8 : memref<128x128xf32, #tpu.memory_space<vmem>>) dst(%dma_wait3A_47 : memref<128x128xf32, #tpu.memory_space<hbm>>)
          tpu.yield
        }) : () -> ()
      } else {
      }
    }
    %scan3A_17 = arith.constant 5 : i32
    return
  }
}

#map = affine_map<(d0, d1) -> (0, 0)>
#map1 = affine_map<(d0, d1) -> (0, 0, 0)>
module attributes {stable_mosaic.version = 14 : i64} {
  func.func @body(%arg0: i32, %arg1: i32, %arg2: memref<1280x128xi32, #tpu.memory_space<hbm>>, %arg3: memref<1280x128xi32, #tpu.memory_space<hbm>>, %arg4: memref<10112x128xf32, #tpu.memory_space<hbm>>, %arg5: memref<2x10112x128xf32, #tpu.memory_space<hbm>>, %arg6: memref<40x128xi32, #tpu.memory_space<vmem>>, %arg7: memref<40x128xi32, #tpu.memory_space<vmem>>, %arg8: memref<128x128xf32, #tpu.memory_space<vmem>>, %arg9: memref<128x128xf32, #tpu.memory_space<vmem>>, %arg10: memref<10112x128xf32, #tpu.memory_space<vmem_shared>>, %arg11: memref<!tpu.dma_semaphore, #tpu.memory_space<semaphore_mem>>, %arg12: memref<!tpu.dma_semaphore, #tpu.memory_space<semaphore_mem>>, %arg13: memref<!tpu.dma_semaphore, #tpu.memory_space<semaphore_mem>>, %arg14: memref<!tpu.dma_semaphore, #tpu.memory_space<semaphore_mem>>) attributes {dimension_semantics = [#tpu.dimension_semantics<core_parallel>, #tpu.dimension_semantics<subcore_parallel>], iteration_bounds = array<i64: 2, 16>, scalar_prefetch = 0 : i64, scratch_operands = 9 : i64, tpu.core_type = #tpu.core_type<sc_vector_subcore>, window_params = [{transform_indices = #map}, {transform_indices = #map}, {transform_indices = #map}, {transform_indices = #map1}]} {
    %scan3A = arith.constant 0 : i32
    %scan3A_0 = arith.constant 0 : i32
    %scan3A_1 = arith.constant 5 : i32
    %scan3A_2 = arith.addi %scan3A_0, %scan3A_1 : i32
    %scan3A_3 = arith.constant 1 : i32
    scf.for %scan3A_44 = %scan3A_0 to %scan3A_2 step %scan3A_3  : i32 {
      %mul3A_45 = arith.constant 16 : i32
      %mul3A_46 = arith.muli %scan3A_44, %mul3A_45 : i32
      %add3A_47 = arith.addi %arg1, %mul3A_46 : i32
      %lt3A = arith.constant 79 : i32
      %lt3A_48 = arith.cmpi slt, %add3A_47, %lt3A : i32
      %convert_element_type3A = arith.extui %lt3A_48 : i1 to i32
      %cond3A = arith.constant 0 : i32
      %cond3A_49 = arith.cmpi ne, %convert_element_type3A, %cond3A : i32
      scf.if %cond3A_49 {
        %mul3A_50 = arith.constant 128 : i32
        %mul3A_51 = arith.muli %add3A_47, %mul3A_50 : i32
        "tpu.region"() ({
          %run_scoped3A = tpu.sem_alloc : memref<!tpu.dma_semaphore, #tpu.memory_space<semaphore_mem>>
          %dma_start3A_54 = arith.constant 0 : i32
          %dma_start3A_55 = tpu.memref_slice %arg4[%mul3A_51, %dma_start3A_54] : memref<10112x128xf32, #tpu.memory_space<hbm>> -> memref<128x128xf32, #tpu.memory_space<hbm>>
          %dma_start3A_56 = arith.constant 0 : i32
          %dma_start3A_57 = tpu.memref_slice %arg4[%mul3A_51, %dma_start3A_56] : memref<10112x128xf32, #tpu.memory_space<hbm>> -> memref<128x128xf32, #tpu.memory_space<hbm>>
          tpu.enqueue_dma source(%dma_start3A_57 : memref<128x128xf32, #tpu.memory_space<hbm>>) target(%arg8 : memref<128x128xf32, #tpu.memory_space<vmem>>) target_semaphore(%run_scoped3A : memref<!tpu.dma_semaphore, #tpu.memory_space<semaphore_mem>>)
          %dma_wait3A_58 = arith.constant 0 : i32
          %dma_wait3A_59 = tpu.memref_slice %arg4[%mul3A_51, %dma_wait3A_58] : memref<10112x128xf32, #tpu.memory_space<hbm>> -> memref<128x128xf32, #tpu.memory_space<hbm>>
          %dma_wait3A_60 = arith.constant 0 : i32
          %dma_wait3A_61 = tpu.memref_slice %arg4[%mul3A_51, %dma_wait3A_60] : memref<10112x128xf32, #tpu.memory_space<hbm>> -> memref<128x128xf32, #tpu.memory_space<hbm>>
          tpu.wait_dma2 semaphore(%run_scoped3A : memref<!tpu.dma_semaphore, #tpu.memory_space<semaphore_mem>>) src(%dma_wait3A_61 : memref<128x128xf32, #tpu.memory_space<hbm>>) dst(%arg8 : memref<128x128xf32, #tpu.memory_space<vmem>>)
          tpu.yield
        }) : () -> ()
        %mul3A_52 = arith.constant 128 : i32
        %mul3A_53 = arith.muli %add3A_47, %mul3A_52 : i32
        "tpu.region"() ({
          %run_scoped3A = tpu.sem_alloc : memref<!tpu.dma_semaphore, #tpu.memory_space<semaphore_mem>>
          %dma_start3A_54 = arith.constant 0 : i32
          %dma_start3A_55 = tpu.memref_slice %arg10[%mul3A_53, %dma_start3A_54] : memref<10112x128xf32, #tpu.memory_space<vmem_shared>> -> memref<128x128xf32, #tpu.memory_space<vmem_shared>>
          %dma_start3A_56 = arith.constant 0 : i32
          %dma_start3A_57 = tpu.memref_slice %arg10[%mul3A_53, %dma_start3A_56] : memref<10112x128xf32, #tpu.memory_space<vmem_shared>> -> memref<128x128xf32, #tpu.memory_space<vmem_shared>>
          tpu.enqueue_dma source(%arg8 : memref<128x128xf32, #tpu.memory_space<vmem>>) target(%dma_start3A_57 : memref<128x128xf32, #tpu.memory_space<vmem_shared>>) target_semaphore(%run_scoped3A : memref<!tpu.dma_semaphore, #tpu.memory_space<semaphore_mem>>)
          %dma_wait3A_58 = arith.constant 0 : i32
          %dma_wait3A_59 = tpu.memref_slice %arg10[%mul3A_53, %dma_wait3A_58] : memref<10112x128xf32, #tpu.memory_space<vmem_shared>> -> memref<128x128xf32, #tpu.memory_space<vmem_shared>>
          %dma_wait3A_60 = arith.constant 0 : i32
          %dma_wait3A_61 = tpu.memref_slice %arg10[%mul3A_53, %dma_wait3A_60] : memref<10112x128xf32, #tpu.memory_space<vmem_shared>> -> memref<128x128xf32, #tpu.memory_space<vmem_shared>>
          tpu.wait_dma2 semaphore(%run_scoped3A : memref<!tpu.dma_semaphore, #tpu.memory_space<semaphore_mem>>) src(%arg8 : memref<128x128xf32, #tpu.memory_space<vmem>>) dst(%dma_wait3A_61 : memref<128x128xf32, #tpu.memory_space<vmem_shared>>)
          tpu.yield
        }) : () -> ()
      } else {
      }
    }
    %scan3A_4 = arith.constant 5 : i32
    %barrier3A = arith.constant 0 : index
    tpu.barrier barrier_id(%barrier3A)
    %mul3A = arith.constant 16 : i32
    %mul3A_5 = arith.muli %arg0, %mul3A : i32
    %add3A = arith.addi %mul3A_5, %arg1 : i32
    %mul3A_6 = arith.constant 40 : i32
    %mul3A_7 = arith.muli %add3A, %mul3A_6 : i32
    "tpu.region"() ({
      %run_scoped3A = tpu.sem_alloc : memref<!tpu.dma_semaphore, #tpu.memory_space<semaphore_mem>>
      %dma_start3A_44 = arith.constant 0 : i32
      %dma_start3A_45 = tpu.memref_slice %arg2[%mul3A_7, %dma_start3A_44] : memref<1280x128xi32, #tpu.memory_space<hbm>> -> memref<40x128xi32, #tpu.memory_space<hbm>>
      %dma_start3A_46 = arith.constant 0 : i32
      %dma_start3A_47 = tpu.memref_slice %arg2[%mul3A_7, %dma_start3A_46] : memref<1280x128xi32, #tpu.memory_space<hbm>> -> memref<40x128xi32, #tpu.memory_space<hbm>>
      tpu.enqueue_dma source(%dma_start3A_47 : memref<40x128xi32, #tpu.memory_space<hbm>>) target(%arg6 : memref<40x128xi32, #tpu.memory_space<vmem>>) target_semaphore(%run_scoped3A : memref<!tpu.dma_semaphore, #tpu.memory_space<semaphore_mem>>)
      %dma_wait3A_48 = arith.constant 0 : i32
      %dma_wait3A_49 = tpu.memref_slice %arg2[%mul3A_7, %dma_wait3A_48] : memref<1280x128xi32, #tpu.memory_space<hbm>> -> memref<40x128xi32, #tpu.memory_space<hbm>>
      %dma_wait3A_50 = arith.constant 0 : i32
      %dma_wait3A_51 = tpu.memref_slice %arg2[%mul3A_7, %dma_wait3A_50] : memref<1280x128xi32, #tpu.memory_space<hbm>> -> memref<40x128xi32, #tpu.memory_space<hbm>>
      tpu.wait_dma2 semaphore(%run_scoped3A : memref<!tpu.dma_semaphore, #tpu.memory_space<semaphore_mem>>) src(%dma_wait3A_51 : memref<40x128xi32, #tpu.memory_space<hbm>>) dst(%arg6 : memref<40x128xi32, #tpu.memory_space<vmem>>)
      tpu.yield
    }) : () -> ()
    "tpu.region"() ({
      %run_scoped3A = tpu.sem_alloc : memref<!tpu.dma_semaphore, #tpu.memory_space<semaphore_mem>>
      %dma_start3A_44 = arith.constant 0 : i32
      %dma_start3A_45 = tpu.memref_slice %arg3[%mul3A_7, %dma_start3A_44] : memref<1280x128xi32, #tpu.memory_space<hbm>> -> memref<40x128xi32, #tpu.memory_space<hbm>>
      %dma_start3A_46 = arith.constant 0 : i32
      %dma_start3A_47 = tpu.memref_slice %arg3[%mul3A_7, %dma_start3A_46] : memref<1280x128xi32, #tpu.memory_space<hbm>> -> memref<40x128xi32, #tpu.memory_space<hbm>>
      tpu.enqueue_dma source(%dma_start3A_47 : memref<40x128xi32, #tpu.memory_space<hbm>>) target(%arg7 : memref<40x128xi32, #tpu.memory_space<vmem>>) target_semaphore(%run_scoped3A : memref<!tpu.dma_semaphore, #tpu.memory_space<semaphore_mem>>)
      %dma_wait3A_48 = arith.constant 0 : i32
      %dma_wait3A_49 = tpu.memref_slice %arg3[%mul3A_7, %dma_wait3A_48] : memref<1280x128xi32, #tpu.memory_space<hbm>> -> memref<40x128xi32, #tpu.memory_space<hbm>>
      %dma_wait3A_50 = arith.constant 0 : i32
      %dma_wait3A_51 = tpu.memref_slice %arg3[%mul3A_7, %dma_wait3A_50] : memref<1280x128xi32, #tpu.memory_space<hbm>> -> memref<40x128xi32, #tpu.memory_space<hbm>>
      tpu.wait_dma2 semaphore(%run_scoped3A : memref<!tpu.dma_semaphore, #tpu.memory_space<semaphore_mem>>) src(%dma_wait3A_51 : memref<40x128xi32, #tpu.memory_space<hbm>>) dst(%arg7 : memref<40x128xi32, #tpu.memory_space<vmem>>)
      tpu.yield
    }) : () -> ()
    %scan3A_8 = arith.constant 0 : i32
    %scan3A_9 = arith.constant 0 : i32
    %scan3A_10 = arith.constant 20 : i32
    %scan3A_11 = arith.addi %scan3A_9, %scan3A_10 : i32
    %scan3A_12 = arith.constant 1 : i32
    scf.for %scan3A_44 = %scan3A_9 to %scan3A_11 step %scan3A_12  : i32 {
      %mul3A_45 = arith.constant 2 : i32
      %mul3A_46 = arith.muli %mul3A_45, %scan3A_44 : i32
      %ge3A = arith.constant 2 : i32
      %ge3A_47 = arith.cmpi sge, %mul3A_46, %ge3A : i32
      %convert_element_type3A = arith.extui %ge3A_47 : i1 to i32
      %cond3A = arith.constant 0 : i32
      %cond3A_48 = arith.cmpi ne, %convert_element_type3A, %cond3A : i32
      scf.if %cond3A_48 {
        %dma_wait3A_80 = arith.constant 0 : i32
        %dma_wait3A_81 = arith.constant 0 : i32
        %dma_wait3A_82 = tpu.memref_slice %arg10[%dma_wait3A_80, %dma_wait3A_81] : memref<10112x128xf32, #tpu.memory_space<vmem_shared>> -> memref<128x128xf32, #tpu.memory_space<vmem_shared>>
        %dma_wait3A_83 = arith.constant 0 : i32
        %dma_wait3A_84 = arith.constant 0 : i32
        %dma_wait3A_85 = tpu.memref_slice %arg10[%dma_wait3A_83, %dma_wait3A_84] : memref<10112x128xf32, #tpu.memory_space<vmem_shared>> -> memref<128x128xf32, #tpu.memory_space<vmem_shared>>
        tpu.wait_dma2 semaphore(%arg13 : memref<!tpu.dma_semaphore, #tpu.memory_space<semaphore_mem>>) src(%arg8 : memref<128x128xf32, #tpu.memory_space<vmem>>) dst(%dma_wait3A_85 : memref<128x128xf32, #tpu.memory_space<vmem_shared>>)
      } else {
      }
      %dma_start3A_49 = arith.constant 0 : i32
      %dma_start3A_50 = tpu.memref_slice %arg6[%mul3A_46, %dma_start3A_49] : memref<40x128xi32, #tpu.memory_space<vmem>> -> memref<1x128xi32, #tpu.memory_space<vmem>>
      %dma_start3A_51 = tpu.memref_squeeze %dma_start3A_50 : memref<1x128xi32, #tpu.memory_space<vmem>> -> memref<128xi32, #tpu.memory_space<vmem>>
      %dma_start3A_52 = arith.constant 0 : i32
      %dma_start3A_53 = arith.constant 0 : i32
      %dma_start3A_54 = tpu.memref_slice %arg4[%dma_start3A_52, %dma_start3A_53] : memref<10112x128xf32, #tpu.memory_space<hbm>> -> memref<10112x128xf32, #tpu.memory_space<hbm>>
      tpu.enqueue_indirect_dma source(%dma_start3A_54 : memref<10112x128xf32, #tpu.memory_space<hbm>>) target(%arg8 : memref<128x128xf32, #tpu.memory_space<vmem>>) offsets(%dma_start3A_51 : memref<128xi32, #tpu.memory_space<vmem>>) semaphore(%arg11 : memref<!tpu.dma_semaphore, #tpu.memory_space<semaphore_mem>>)
      %ge3A_55 = arith.constant 1 : i32
      %ge3A_56 = arith.cmpi sge, %mul3A_46, %ge3A_55 : i32
      %convert_element_type3A_57 = arith.extui %ge3A_56 : i1 to i32
      %cond3A_58 = arith.constant 0 : i32
      %cond3A_59 = arith.cmpi ne, %convert_element_type3A_57, %cond3A_58 : i32
      scf.if %cond3A_59 {
        %dma_wait3A_80 = arith.constant 0 : i32
        %dma_wait3A_81 = arith.constant 0 : i32
        %dma_wait3A_82 = tpu.memref_slice %arg4[%dma_wait3A_80, %dma_wait3A_81] : memref<10112x128xf32, #tpu.memory_space<hbm>> -> memref<128x128xf32, #tpu.memory_space<hbm>>
        %dma_wait3A_83 = arith.constant 0 : i32
        %dma_wait3A_84 = arith.constant 0 : i32
        %dma_wait3A_85 = tpu.memref_slice %arg4[%dma_wait3A_83, %dma_wait3A_84] : memref<10112x128xf32, #tpu.memory_space<hbm>> -> memref<128x128xf32, #tpu.memory_space<hbm>>
        tpu.wait_dma2 semaphore(%arg12 : memref<!tpu.dma_semaphore, #tpu.memory_space<semaphore_mem>>) src(%dma_wait3A_85 : memref<128x128xf32, #tpu.memory_space<hbm>>) dst(%arg9 : memref<128x128xf32, #tpu.memory_space<vmem>>)
        %sub3A = arith.constant 1 : i32
        %sub3A_86 = arith.subi %mul3A_46, %sub3A : i32
        %dma_start3A_87 = arith.constant 0 : i32
        %dma_start3A_88 = tpu.memref_slice %arg7[%sub3A_86, %dma_start3A_87] : memref<40x128xi32, #tpu.memory_space<vmem>> -> memref<1x128xi32, #tpu.memory_space<vmem>>
        %dma_start3A_89 = tpu.memref_squeeze %dma_start3A_88 : memref<1x128xi32, #tpu.memory_space<vmem>> -> memref<128xi32, #tpu.memory_space<vmem>>
        %dma_start3A_90 = arith.constant 0 : i32
        %dma_start3A_91 = arith.constant 0 : i32
        %dma_start3A_92 = tpu.memref_slice %arg10[%dma_start3A_90, %dma_start3A_91] : memref<10112x128xf32, #tpu.memory_space<vmem_shared>> -> memref<10112x128xf32, #tpu.memory_space<vmem_shared>>
        tpu.enqueue_indirect_dma source(%arg9 : memref<128x128xf32, #tpu.memory_space<vmem>>) target(%dma_start3A_92 : memref<10112x128xf32, #tpu.memory_space<vmem_shared>>) offsets(%dma_start3A_89 : memref<128xi32, #tpu.memory_space<vmem>>) semaphore(%arg14 : memref<!tpu.dma_semaphore, #tpu.memory_space<semaphore_mem>>) {add = true}
      } else {
      }
      %mul3A_60 = arith.constant 2 : i32
      %mul3A_61 = arith.muli %mul3A_60, %scan3A_44 : i32
      %add3A_62 = arith.constant 1 : i32
      %add3A_63 = arith.addi %mul3A_61, %add3A_62 : i32
      %ge3A_64 = arith.constant 2 : i32
      %ge3A_65 = arith.cmpi sge, %add3A_63, %ge3A_64 : i32
      %convert_element_type3A_66 = arith.extui %ge3A_65 : i1 to i32
      %cond3A_67 = arith.constant 0 : i32
      %cond3A_68 = arith.cmpi ne, %convert_element_type3A_66, %cond3A_67 : i32
      scf.if %cond3A_68 {
        %dma_wait3A_80 = arith.constant 0 : i32
        %dma_wait3A_81 = arith.constant 0 : i32
        %dma_wait3A_82 = tpu.memref_slice %arg10[%dma_wait3A_80, %dma_wait3A_81] : memref<10112x128xf32, #tpu.memory_space<vmem_shared>> -> memref<128x128xf32, #tpu.memory_space<vmem_shared>>
        %dma_wait3A_83 = arith.constant 0 : i32
        %dma_wait3A_84 = arith.constant 0 : i32
        %dma_wait3A_85 = tpu.memref_slice %arg10[%dma_wait3A_83, %dma_wait3A_84] : memref<10112x128xf32, #tpu.memory_space<vmem_shared>> -> memref<128x128xf32, #tpu.memory_space<vmem_shared>>
        tpu.wait_dma2 semaphore(%arg14 : memref<!tpu.dma_semaphore, #tpu.memory_space<semaphore_mem>>) src(%arg9 : memref<128x128xf32, #tpu.memory_space<vmem>>) dst(%dma_wait3A_85 : memref<128x128xf32, #tpu.memory_space<vmem_shared>>)
      } else {
      }
      %dma_start3A_69 = arith.constant 0 : i32
      %dma_start3A_70 = tpu.memref_slice %arg6[%add3A_63, %dma_start3A_69] : memref<40x128xi32, #tpu.memory_space<vmem>> -> memref<1x128xi32, #tpu.memory_space<vmem>>
      %dma_start3A_71 = tpu.memref_squeeze %dma_start3A_70 : memref<1x128xi32, #tpu.memory_space<vmem>> -> memref<128xi32, #tpu.memory_space<vmem>>
      %dma_start3A_72 = arith.constant 0 : i32
      %dma_start3A_73 = arith.constant 0 : i32
      %dma_start3A_74 = tpu.memref_slice %arg4[%dma_start3A_72, %dma_start3A_73] : memref<10112x128xf32, #tpu.memory_space<hbm>> -> memref<10112x128xf32, #tpu.memory_space<hbm>>
      tpu.enqueue_indirect_dma source(%dma_start3A_74 : memref<10112x128xf32, #tpu.memory_space<hbm>>) target(%arg9 : memref<128x128xf32, #tpu.memory_space<vmem>>) offsets(%dma_start3A_71 : memref<128xi32, #tpu.memory_space<vmem>>) semaphore(%arg12 : memref<!tpu.dma_semaphore, #tpu.memory_space<semaphore_mem>>)
      %ge3A_75 = arith.constant 1 : i32
      %ge3A_76 = arith.cmpi sge, %add3A_63, %ge3A_75 : i32
      %convert_element_type3A_77 = arith.extui %ge3A_76 : i1 to i32
      %cond3A_78 = arith.constant 0 : i32
      %cond3A_79 = arith.cmpi ne, %convert_element_type3A_77, %cond3A_78 : i32
      scf.if %cond3A_79 {
        %dma_wait3A_80 = arith.constant 0 : i32
        %dma_wait3A_81 = arith.constant 0 : i32
        %dma_wait3A_82 = tpu.memref_slice %arg4[%dma_wait3A_80, %dma_wait3A_81] : memref<10112x128xf32, #tpu.memory_space<hbm>> -> memref<128x128xf32, #tpu.memory_space<hbm>>
        %dma_wait3A_83 = arith.constant 0 : i32
        %dma_wait3A_84 = arith.constant 0 : i32
        %dma_wait3A_85 = tpu.memref_slice %arg4[%dma_wait3A_83, %dma_wait3A_84] : memref<10112x128xf32, #tpu.memory_space<hbm>> -> memref<128x128xf32, #tpu.memory_space<hbm>>
        tpu.wait_dma2 semaphore(%arg11 : memref<!tpu.dma_semaphore, #tpu.memory_space<semaphore_mem>>) src(%dma_wait3A_85 : memref<128x128xf32, #tpu.memory_space<hbm>>) dst(%arg8 : memref<128x128xf32, #tpu.memory_space<vmem>>)
        %sub3A = arith.constant 1 : i32
        %sub3A_86 = arith.subi %add3A_63, %sub3A : i32
        %dma_start3A_87 = arith.constant 0 : i32
        %dma_start3A_88 = tpu.memref_slice %arg7[%sub3A_86, %dma_start3A_87] : memref<40x128xi32, #tpu.memory_space<vmem>> -> memref<1x128xi32, #tpu.memory_space<vmem>>
        %dma_start3A_89 = tpu.memref_squeeze %dma_start3A_88 : memref<1x128xi32, #tpu.memory_space<vmem>> -> memref<128xi32, #tpu.memory_space<vmem>>
        %dma_start3A_90 = arith.constant 0 : i32
        %dma_start3A_91 = arith.constant 0 : i32
        %dma_start3A_92 = tpu.memref_slice %arg10[%dma_start3A_90, %dma_start3A_91] : memref<10112x128xf32, #tpu.memory_space<vmem_shared>> -> memref<10112x128xf32, #tpu.memory_space<vmem_shared>>
        tpu.enqueue_indirect_dma source(%arg8 : memref<128x128xf32, #tpu.memory_space<vmem>>) target(%dma_start3A_92 : memref<10112x128xf32, #tpu.memory_space<vmem_shared>>) offsets(%dma_start3A_89 : memref<128xi32, #tpu.memory_space<vmem>>) semaphore(%arg13 : memref<!tpu.dma_semaphore, #tpu.memory_space<semaphore_mem>>) {add = true}
      } else {
      }
    }
    %scan3A_13 = arith.constant 20 : i32
    %dma_wait3A = arith.constant 0 : i32
    %dma_wait3A_14 = arith.constant 0 : i32
    %dma_wait3A_15 = tpu.memref_slice %arg4[%dma_wait3A, %dma_wait3A_14] : memref<10112x128xf32, #tpu.memory_space<hbm>> -> memref<128x128xf32, #tpu.memory_space<hbm>>
    %dma_wait3A_16 = arith.constant 0 : i32
    %dma_wait3A_17 = arith.constant 0 : i32
    %dma_wait3A_18 = tpu.memref_slice %arg4[%dma_wait3A_16, %dma_wait3A_17] : memref<10112x128xf32, #tpu.memory_space<hbm>> -> memref<128x128xf32, #tpu.memory_space<hbm>>
    tpu.wait_dma2 semaphore(%arg12 : memref<!tpu.dma_semaphore, #tpu.memory_space<semaphore_mem>>) src(%dma_wait3A_18 : memref<128x128xf32, #tpu.memory_space<hbm>>) dst(%arg9 : memref<128x128xf32, #tpu.memory_space<vmem>>)
    %dma_start3A = arith.constant 39 : i32
    %dma_start3A_19 = arith.constant 0 : i32
    %dma_start3A_20 = tpu.memref_slice %arg7[%dma_start3A, %dma_start3A_19] : memref<40x128xi32, #tpu.memory_space<vmem>> -> memref<1x128xi32, #tpu.memory_space<vmem>>
    %dma_start3A_21 = tpu.memref_squeeze %dma_start3A_20 : memref<1x128xi32, #tpu.memory_space<vmem>> -> memref<128xi32, #tpu.memory_space<vmem>>
    %dma_start3A_22 = arith.constant 0 : i32
    %dma_start3A_23 = arith.constant 0 : i32
    %dma_start3A_24 = tpu.memref_slice %arg10[%dma_start3A_22, %dma_start3A_23] : memref<10112x128xf32, #tpu.memory_space<vmem_shared>> -> memref<10112x128xf32, #tpu.memory_space<vmem_shared>>
    tpu.enqueue_indirect_dma source(%arg9 : memref<128x128xf32, #tpu.memory_space<vmem>>) target(%dma_start3A_24 : memref<10112x128xf32, #tpu.memory_space<vmem_shared>>) offsets(%dma_start3A_21 : memref<128xi32, #tpu.memory_space<vmem>>) semaphore(%arg14 : memref<!tpu.dma_semaphore, #tpu.memory_space<semaphore_mem>>) {add = true}
    %dma_wait3A_25 = arith.constant 0 : i32
    %dma_wait3A_26 = arith.constant 0 : i32
    %dma_wait3A_27 = tpu.memref_slice %arg10[%dma_wait3A_25, %dma_wait3A_26] : memref<10112x128xf32, #tpu.memory_space<vmem_shared>> -> memref<128x128xf32, #tpu.memory_space<vmem_shared>>
    %dma_wait3A_28 = arith.constant 0 : i32
    %dma_wait3A_29 = arith.constant 0 : i32
    %dma_wait3A_30 = tpu.memref_slice %arg10[%dma_wait3A_28, %dma_wait3A_29] : memref<10112x128xf32, #tpu.memory_space<vmem_shared>> -> memref<128x128xf32, #tpu.memory_space<vmem_shared>>
    tpu.wait_dma2 semaphore(%arg13 : memref<!tpu.dma_semaphore, #tpu.memory_space<semaphore_mem>>) src(%arg8 : memref<128x128xf32, #tpu.memory_space<vmem>>) dst(%dma_wait3A_30 : memref<128x128xf32, #tpu.memory_space<vmem_shared>>)
    %dma_wait3A_31 = arith.constant 0 : i32
    %dma_wait3A_32 = arith.constant 0 : i32
    %dma_wait3A_33 = tpu.memref_slice %arg10[%dma_wait3A_31, %dma_wait3A_32] : memref<10112x128xf32, #tpu.memory_space<vmem_shared>> -> memref<128x128xf32, #tpu.memory_space<vmem_shared>>
    %dma_wait3A_34 = arith.constant 0 : i32
    %dma_wait3A_35 = arith.constant 0 : i32
    %dma_wait3A_36 = tpu.memref_slice %arg10[%dma_wait3A_34, %dma_wait3A_35] : memref<10112x128xf32, #tpu.memory_space<vmem_shared>> -> memref<128x128xf32, #tpu.memory_space<vmem_shared>>
    tpu.wait_dma2 semaphore(%arg14 : memref<!tpu.dma_semaphore, #tpu.memory_space<semaphore_mem>>) src(%arg9 : memref<128x128xf32, #tpu.memory_space<vmem>>) dst(%dma_wait3A_36 : memref<128x128xf32, #tpu.memory_space<vmem_shared>>)
    %barrier3A_37 = arith.constant 0 : index
    tpu.barrier barrier_id(%barrier3A_37)
    %scan3A_38 = arith.constant 0 : i32
    %scan3A_39 = arith.constant 0 : i32
    %scan3A_40 = arith.constant 5 : i32
    %scan3A_41 = arith.addi %scan3A_39, %scan3A_40 : i32
    %scan3A_42 = arith.constant 1 : i32
    scf.for %scan3A_44 = %scan3A_39 to %scan3A_41 step %scan3A_42  : i32 {
      %mul3A_45 = arith.constant 16 : i32
      %mul3A_46 = arith.muli %scan3A_44, %mul3A_45 : i32
      %add3A_47 = arith.addi %arg1, %mul3A_46 : i32
      %lt3A = arith.constant 79 : i32
      %lt3A_48 = arith.cmpi slt, %add3A_47, %lt3A : i32
      %convert_element_type3A = arith.extui %lt3A_48 : i1 to i32
      %cond3A = arith.constant 0 : i32
      %cond3A_49 = arith.cmpi ne, %convert_element_type3A, %cond3A : i32
      scf.if %cond3A_49 {
        %mul3A_50 = arith.constant 128 : i32
        %mul3A_51 = arith.muli %add3A_47, %mul3A_50 : i32
        "tpu.region"() ({
          %run_scoped3A = tpu.sem_alloc : memref<!tpu.dma_semaphore, #tpu.memory_space<semaphore_mem>>
          %dma_start3A_54 = arith.constant 0 : i32
          %dma_start3A_55 = tpu.memref_slice %arg10[%mul3A_51, %dma_start3A_54] : memref<10112x128xf32, #tpu.memory_space<vmem_shared>> -> memref<128x128xf32, #tpu.memory_space<vmem_shared>>
          %dma_start3A_56 = arith.constant 0 : i32
          %dma_start3A_57 = tpu.memref_slice %arg10[%mul3A_51, %dma_start3A_56] : memref<10112x128xf32, #tpu.memory_space<vmem_shared>> -> memref<128x128xf32, #tpu.memory_space<vmem_shared>>
          tpu.enqueue_dma source(%dma_start3A_57 : memref<128x128xf32, #tpu.memory_space<vmem_shared>>) target(%arg8 : memref<128x128xf32, #tpu.memory_space<vmem>>) target_semaphore(%run_scoped3A : memref<!tpu.dma_semaphore, #tpu.memory_space<semaphore_mem>>)
          %dma_wait3A_58 = arith.constant 0 : i32
          %dma_wait3A_59 = tpu.memref_slice %arg10[%mul3A_51, %dma_wait3A_58] : memref<10112x128xf32, #tpu.memory_space<vmem_shared>> -> memref<128x128xf32, #tpu.memory_space<vmem_shared>>
          %dma_wait3A_60 = arith.constant 0 : i32
          %dma_wait3A_61 = tpu.memref_slice %arg10[%mul3A_51, %dma_wait3A_60] : memref<10112x128xf32, #tpu.memory_space<vmem_shared>> -> memref<128x128xf32, #tpu.memory_space<vmem_shared>>
          tpu.wait_dma2 semaphore(%run_scoped3A : memref<!tpu.dma_semaphore, #tpu.memory_space<semaphore_mem>>) src(%dma_wait3A_61 : memref<128x128xf32, #tpu.memory_space<vmem_shared>>) dst(%arg8 : memref<128x128xf32, #tpu.memory_space<vmem>>)
          tpu.yield
        }) : () -> ()
        %mul3A_52 = arith.constant 128 : i32
        %mul3A_53 = arith.muli %add3A_47, %mul3A_52 : i32
        "tpu.region"() ({
          %run_scoped3A = tpu.sem_alloc : memref<!tpu.dma_semaphore, #tpu.memory_space<semaphore_mem>>
          %dma_start3A_54 = arith.constant 0 : i32
          %dma_start3A_55 = arith.constant 0 : i32
          %dma_start3A_56 = tpu.memref_slice %arg5[%arg0, %dma_start3A_54, %dma_start3A_55] : memref<2x10112x128xf32, #tpu.memory_space<hbm>> -> memref<1x10112x128xf32, #tpu.memory_space<hbm>>
          %dma_start3A_57 = tpu.memref_squeeze %dma_start3A_56 : memref<1x10112x128xf32, #tpu.memory_space<hbm>> -> memref<10112x128xf32, #tpu.memory_space<hbm>>
          %dma_start3A_58 = arith.constant 0 : i32
          %dma_start3A_59 = tpu.memref_slice %dma_start3A_57[%mul3A_53, %dma_start3A_58] : memref<10112x128xf32, #tpu.memory_space<hbm>> -> memref<128x128xf32, #tpu.memory_space<hbm>>
          %dma_start3A_60 = arith.constant 0 : i32
          %dma_start3A_61 = arith.constant 0 : i32
          %dma_start3A_62 = tpu.memref_slice %arg5[%arg0, %dma_start3A_60, %dma_start3A_61] : memref<2x10112x128xf32, #tpu.memory_space<hbm>> -> memref<1x10112x128xf32, #tpu.memory_space<hbm>>
          %dma_start3A_63 = tpu.memref_squeeze %dma_start3A_62 : memref<1x10112x128xf32, #tpu.memory_space<hbm>> -> memref<10112x128xf32, #tpu.memory_space<hbm>>
          %dma_start3A_64 = arith.constant 0 : i32
          %dma_start3A_65 = tpu.memref_slice %dma_start3A_63[%mul3A_53, %dma_start3A_64] : memref<10112x128xf32, #tpu.memory_space<hbm>> -> memref<128x128xf32, #tpu.memory_space<hbm>>
          tpu.enqueue_dma source(%arg8 : memref<128x128xf32, #tpu.memory_space<vmem>>) target(%dma_start3A_65 : memref<128x128xf32, #tpu.memory_space<hbm>>) target_semaphore(%run_scoped3A : memref<!tpu.dma_semaphore, #tpu.memory_space<semaphore_mem>>)
          %dma_wait3A_66 = arith.constant 0 : i32
          %dma_wait3A_67 = arith.constant 0 : i32
          %dma_wait3A_68 = tpu.memref_slice %arg5[%arg0, %dma_wait3A_66, %dma_wait3A_67] : memref<2x10112x128xf32, #tpu.memory_space<hbm>> -> memref<1x10112x128xf32, #tpu.memory_space<hbm>>
          %dma_wait3A_69 = tpu.memref_squeeze %dma_wait3A_68 : memref<1x10112x128xf32, #tpu.memory_space<hbm>> -> memref<10112x128xf32, #tpu.memory_space<hbm>>
          %dma_wait3A_70 = arith.constant 0 : i32
          %dma_wait3A_71 = tpu.memref_slice %dma_wait3A_69[%mul3A_53, %dma_wait3A_70] : memref<10112x128xf32, #tpu.memory_space<hbm>> -> memref<128x128xf32, #tpu.memory_space<hbm>>
          %dma_wait3A_72 = arith.constant 0 : i32
          %dma_wait3A_73 = arith.constant 0 : i32
          %dma_wait3A_74 = tpu.memref_slice %arg5[%arg0, %dma_wait3A_72, %dma_wait3A_73] : memref<2x10112x128xf32, #tpu.memory_space<hbm>> -> memref<1x10112x128xf32, #tpu.memory_space<hbm>>
          %dma_wait3A_75 = tpu.memref_squeeze %dma_wait3A_74 : memref<1x10112x128xf32, #tpu.memory_space<hbm>> -> memref<10112x128xf32, #tpu.memory_space<hbm>>
          %dma_wait3A_76 = arith.constant 0 : i32
          %dma_wait3A_77 = tpu.memref_slice %dma_wait3A_75[%mul3A_53, %dma_wait3A_76] : memref<10112x128xf32, #tpu.memory_space<hbm>> -> memref<128x128xf32, #tpu.memory_space<hbm>>
          tpu.wait_dma2 semaphore(%run_scoped3A : memref<!tpu.dma_semaphore, #tpu.memory_space<semaphore_mem>>) src(%arg8 : memref<128x128xf32, #tpu.memory_space<vmem>>) dst(%dma_wait3A_77 : memref<128x128xf32, #tpu.memory_space<hbm>>)
          tpu.yield
        }) : () -> ()
      } else {
      }
    }
    %scan3A_43 = arith.constant 5 : i32
    return
  }
}

module attributes {stable_mosaic.version = 14 : i64} {
  func.func @body(%arg0: i32, %arg1: memref<1264x256xf32, #tpu.memory_space<vmem>>, %arg2: memref<256x256xf32, #tpu.memory_space<vmem>>, %arg3: memref<2x1264x128xf32, #tpu.memory_space<vmem>>) attributes {dimension_semantics = [#tpu.dimension_semantics<arbitrary>], iteration_bounds = array<i64: 8>, scalar_prefetch = 0 : i64, scratch_operands = 0 : i64, tpu.core_type = #tpu.core_type<tc>, window_params = [{transform_indices = @transform_0, window_bounds = array<i64: 1264, 256>}, {pipeline_mode = #tpu.pipeline_mode<synchronous>, transform_indices = @transform_1, window_bounds = array<i64: 256, 256>}, {transform_indices = @transform_2, window_bounds = array<i64: 2, 1264, 128>}]} {
    %get3A = arith.constant 0 : index
    %get3A_0 = arith.constant 0 : index
    %get3A_1 = vector.load %arg1[%get3A, %get3A_0] : memref<1264x256xf32, #tpu.memory_space<vmem>>, vector<1264x256xf32>
    %get3A_2 = arith.constant 0 : index
    %get3A_3 = arith.constant 0 : index
    %get3A_4 = vector.load %arg2[%get3A_2, %get3A_3] : memref<256x256xf32, #tpu.memory_space<vmem>>, vector<256x256xf32>
    %dot_general3A = arith.constant dense<0.000000e+00> : vector<1264x256xf32>
    %dot_general3A_5 = tpu.matmul %get3A_1, %get3A_4, %dot_general3A {dimension_numbers = #tpu.dot_dimension_numbers<[1], [0], [0], [1], [0, 0, 1, 1], [], []>, transpose_lhs_hint = false} : vector<1264x256xf32>, vector<256x256xf32>, vector<1264x256xf32> -> vector<1264x256xf32>
    %slice3A = vector.extract_strided_slice %dot_general3A_5 {offsets = [0, 0], sizes = [1264, 128], strides = [1, 1]} : vector<1264x256xf32> to vector<1264x128xf32>
    %swap3A = arith.constant 0 : index
    %swap3A_6 = arith.constant 0 : index
    %swap3A_7 = arith.constant 0 : index
    %swap3A_8 = vector.load %arg3[%swap3A, %swap3A_6, %swap3A_7] : memref<2x1264x128xf32, #tpu.memory_space<vmem>>, vector<1x1264x128xf32>
    %swap3A_9 = vector.shape_cast %swap3A_8 : vector<1x1264x128xf32> to vector<1264x128xf32>
    %swap3A_10 = vector.shape_cast %slice3A : vector<1264x128xf32> to vector<1x1264x128xf32>
    tpu.vector_store %arg3[%swap3A, %swap3A_6, %swap3A_7], %swap3A_10 {strides = array<i32>} : memref<2x1264x128xf32, #tpu.memory_space<vmem>>, vector<1x1264x128xf32>,
    %slice3A_11 = vector.extract_strided_slice %dot_general3A_5 {offsets = [0, 128], sizes = [1264, 128], strides = [1, 1]} : vector<1264x256xf32> to vector<1264x128xf32>
    %swap3A_12 = arith.constant 1 : index
    %swap3A_13 = arith.constant 0 : index
    %swap3A_14 = arith.constant 0 : index
    %swap3A_15 = vector.load %arg3[%swap3A_12, %swap3A_13, %swap3A_14] : memref<2x1264x128xf32, #tpu.memory_space<vmem>>, vector<1x1264x128xf32>
    %swap3A_16 = vector.shape_cast %swap3A_15 : vector<1x1264x128xf32> to vector<1264x128xf32>
    %swap3A_17 = vector.shape_cast %slice3A_11 : vector<1264x128xf32> to vector<1x1264x128xf32>
    tpu.vector_store %arg3[%swap3A_12, %swap3A_13, %swap3A_14], %swap3A_17 {strides = array<i32>} : memref<2x1264x128xf32, #tpu.memory_space<vmem>>, vector<1x1264x128xf32>,
    return
  }
  func.func @transform_0(%arg0: i32) -> (i32, i32) {
    %c0_i32 = arith.constant 0 : i32
    %c0_i32_0 = arith.constant 0 : i32
    return %arg0, %c0_i32 : i32, i32
  }
  func.func @transform_1(%arg0: i32) -> (i32, i32) {
    %c0_i32 = arith.constant 0 : i32
    %c0_i32_0 = arith.constant 0 : i32
    %c0_i32_1 = arith.constant 0 : i32
    return %c0_i32, %c0_i32_0 : i32, i32
  }
  func.func @transform_2(%arg0: i32) -> (i32, i32, i32) {
    %c0_i32 = arith.constant 0 : i32
    %c0_i32_0 = arith.constant 0 : i32
    %c0_i32_1 = arith.constant 0 : i32
    return %c0_i32, %arg0, %c0_i32_0 : i32, i32, i32
  }
}

module attributes {stable_mosaic.version = 14 : i64} {
  func.func @body(%arg0: i32, %arg1: memref<2x1264x128xf32, #tpu.memory_space<vmem>>, %arg2: memref<2x1264x128xf32, #tpu.memory_space<vmem>>, %arg3: memref<1x256xf32, #tpu.memory_space<vmem>>, %arg4: memref<256x256xf32, #tpu.memory_space<vmem>>, %arg5: memref<2x1264x128xf32, #tpu.memory_space<vmem>>) attributes {dimension_semantics = [#tpu.dimension_semantics<arbitrary>], iteration_bounds = array<i64: 8>, scalar_prefetch = 0 : i64, scratch_operands = 0 : i64, tpu.core_type = #tpu.core_type<tc>, window_params = [{transform_indices = @transform_0, window_bounds = array<i64: 2, 1264, 128>}, {transform_indices = @transform_1, window_bounds = array<i64: 2, 1264, 128>}, {pipeline_mode = #tpu.pipeline_mode<synchronous>, transform_indices = @transform_2, window_bounds = array<i64: 1, 256>}, {pipeline_mode = #tpu.pipeline_mode<synchronous>, transform_indices = @transform_3, window_bounds = array<i64: 256, 256>}, {transform_indices = @transform_4, window_bounds = array<i64: 2, 1264, 128>}]} {
    %get3A = arith.constant 0 : index
    %get3A_0 = arith.constant 0 : index
    %get3A_1 = arith.constant 0 : index
    %get3A_2 = vector.load %arg1[%get3A, %get3A_0, %get3A_1] : memref<2x1264x128xf32, #tpu.memory_space<vmem>>, vector<1x1264x128xf32>
    %get3A_3 = vector.shape_cast %get3A_2 : vector<1x1264x128xf32> to vector<1264x128xf32>
    %get3A_4 = arith.constant 1 : index
    %get3A_5 = arith.constant 0 : index
    %get3A_6 = arith.constant 0 : index
    %get3A_7 = vector.load %arg1[%get3A_4, %get3A_5, %get3A_6] : memref<2x1264x128xf32, #tpu.memory_space<vmem>>, vector<1x1264x128xf32>
    %get3A_8 = vector.shape_cast %get3A_7 : vector<1x1264x128xf32> to vector<1264x128xf32>
    %concatenate3A = tpu.concatenate %get3A_3, %get3A_8 in 1 : vector<1264x128xf32>, vector<1264x128xf32> -> vector<1264x256xf32>
    %get3A_9 = arith.constant 0 : index
    %get3A_10 = arith.constant 0 : index
    %get3A_11 = arith.constant 0 : index
    %get3A_12 = vector.load %arg2[%get3A_9, %get3A_10, %get3A_11] : memref<2x1264x128xf32, #tpu.memory_space<vmem>>, vector<1x1264x1xf32>
    %get3A_13 = vector.shape_cast %get3A_12 : vector<1x1264x1xf32> to vector<1264x1xf32>
    %get3A_14 = arith.constant 1 : index
    %get3A_15 = arith.constant 0 : index
    %get3A_16 = arith.constant 0 : index
    %get3A_17 = vector.load %arg2[%get3A_14, %get3A_15, %get3A_16] : memref<2x1264x128xf32, #tpu.memory_space<vmem>>, vector<1x1264x1xf32>
    %get3A_18 = vector.shape_cast %get3A_17 : vector<1x1264x1xf32> to vector<1264x1xf32>
    %add3A = arith.addf %get3A_13, %get3A_18 : vector<1264x1xf32>
    %max3A = arith.constant 1.000000e+00 : f32
    %max3A_19 = vector.broadcast %max3A : f32 to vector<1264x1xf32>
    %max3A_20 = arith.maximumf %add3A, %max3A_19 : vector<1264x1xf32>
    %div3A = arith.constant 1.000000e+00 : f32
    %div3A_21 = vector.broadcast %div3A : f32 to vector<1264x1xf32>
    %div3A_22 = arith.divf %div3A_21, %max3A_20 : vector<1264x1xf32>
    %mul3A = vector.broadcast %div3A_22 : vector<1264x1xf32> to vector<1264x256xf32>
    %mul3A_23 = arith.mulf %concatenate3A, %mul3A : vector<1264x256xf32>
    %get3A_24 = arith.constant 0 : index
    %get3A_25 = arith.constant 0 : index
    %get3A_26 = vector.load %arg3[%get3A_24, %get3A_25] : memref<1x256xf32, #tpu.memory_space<vmem>>, vector<1x256xf32>
    %add3A_27 = vector.broadcast %get3A_26 : vector<1x256xf32> to vector<1264x256xf32>
    %add3A_28 = arith.addf %mul3A_23, %add3A_27 : vector<1264x256xf32>
    %max3A_29 = arith.constant 0.000000e+00 : f32
    %max3A_30 = vector.broadcast %max3A_29 : f32 to vector<1264x256xf32>
    %max3A_31 = arith.maximumf %add3A_28, %max3A_30 : vector<1264x256xf32>
    %get3A_32 = arith.constant 0 : index
    %get3A_33 = arith.constant 0 : index
    %get3A_34 = vector.load %arg4[%get3A_32, %get3A_33] : memref<256x256xf32, #tpu.memory_space<vmem>>, vector<256x256xf32>
    %dot_general3A = arith.constant dense<0.000000e+00> : vector<1264x256xf32>
    %dot_general3A_35 = tpu.matmul %max3A_31, %get3A_34, %dot_general3A {dimension_numbers = #tpu.dot_dimension_numbers<[1], [0], [0], [1], [0, 0, 1, 1], [], []>, transpose_lhs_hint = false} : vector<1264x256xf32>, vector<256x256xf32>, vector<1264x256xf32> -> vector<1264x256xf32>
    %slice3A = vector.extract_strided_slice %dot_general3A_35 {offsets = [0, 0], sizes = [1264, 128], strides = [1, 1]} : vector<1264x256xf32> to vector<1264x128xf32>
    %swap3A = arith.constant 0 : index
    %swap3A_36 = arith.constant 0 : index
    %swap3A_37 = arith.constant 0 : index
    %swap3A_38 = vector.load %arg5[%swap3A, %swap3A_36, %swap3A_37] : memref<2x1264x128xf32, #tpu.memory_space<vmem>>, vector<1x1264x128xf32>
    %swap3A_39 = vector.shape_cast %swap3A_38 : vector<1x1264x128xf32> to vector<1264x128xf32>
    %swap3A_40 = vector.shape_cast %slice3A : vector<1264x128xf32> to vector<1x1264x128xf32>
    tpu.vector_store %arg5[%swap3A, %swap3A_36, %swap3A_37], %swap3A_40 {strides = array<i32>} : memref<2x1264x128xf32, #tpu.memory_space<vmem>>, vector<1x1264x128xf32>,
    %slice3A_41 = vector.extract_strided_slice %dot_general3A_35 {offsets = [0, 128], sizes = [1264, 128], strides = [1, 1]} : vector<1264x256xf32> to vector<1264x128xf32>
    %swap3A_42 = arith.constant 1 : index
    %swap3A_43 = arith.constant 0 : index
    %swap3A_44 = arith.constant 0 : index
    %swap3A_45 = vector.load %arg5[%swap3A_42, %swap3A_43, %swap3A_44] : memref<2x1264x128xf32, #tpu.memory_space<vmem>>, vector<1x1264x128xf32>
    %swap3A_46 = vector.shape_cast %swap3A_45 : vector<1x1264x128xf32> to vector<1264x128xf32>
    %swap3A_47 = vector.shape_cast %slice3A_41 : vector<1264x128xf32> to vector<1x1264x128xf32>
    tpu.vector_store %arg5[%swap3A_42, %swap3A_43, %swap3A_44], %swap3A_47 {strides = array<i32>} : memref<2x1264x128xf32, #tpu.memory_space<vmem>>, vector<1x1264x128xf32>,
    return
  }
  func.func @transform_0(%arg0: i32) -> (i32, i32, i32) {
    %c0_i32 = arith.constant 0 : i32
    %c0_i32_0 = arith.constant 0 : i32
    %c0_i32_1 = arith.constant 0 : i32
    return %c0_i32, %arg0, %c0_i32_0 : i32, i32, i32
  }
  func.func @transform_1(%arg0: i32) -> (i32, i32, i32) {
    %c0_i32 = arith.constant 0 : i32
    %c0_i32_0 = arith.constant 0 : i32
    %c0_i32_1 = arith.constant 0 : i32
    return %c0_i32, %arg0, %c0_i32_0 : i32, i32, i32
  }
  func.func @transform_2(%arg0: i32) -> (i32, i32) {
    %c0_i32 = arith.constant 0 : i32
    %c0_i32_0 = arith.constant 0 : i32
    %c0_i32_1 = arith.constant 0 : i32
    return %c0_i32, %c0_i32_0 : i32, i32
  }
  func.func @transform_3(%arg0: i32) -> (i32, i32) {
    %c0_i32 = arith.constant 0 : i32
    %c0_i32_0 = arith.constant 0 : i32
    %c0_i32_1 = arith.constant 0 : i32
    return %c0_i32, %c0_i32_0 : i32, i32
  }
  func.func @transform_4(%arg0: i32) -> (i32, i32, i32) {
    %c0_i32 = arith.constant 0 : i32
    %c0_i32_0 = arith.constant 0 : i32
    %c0_i32_1 = arith.constant 0 : i32
    return %c0_i32, %arg0, %c0_i32_0 : i32, i32, i32
  }
}

module attributes {stable_mosaic.version = 14 : i64} {
  func.func @body(%arg0: i32, %arg1: memref<2x1264x128xf32, #tpu.memory_space<vmem>>, %arg2: memref<2x1264x128xf32, #tpu.memory_space<vmem>>, %arg3: memref<1x256xf32, #tpu.memory_space<vmem>>, %arg4: memref<256x128xf32, #tpu.memory_space<vmem>>, %arg5: memref<1264x128xf32, #tpu.memory_space<vmem>>) attributes {dimension_semantics = [#tpu.dimension_semantics<arbitrary>], iteration_bounds = array<i64: 8>, scalar_prefetch = 0 : i64, scratch_operands = 0 : i64, tpu.core_type = #tpu.core_type<tc>, window_params = [{transform_indices = @transform_0, window_bounds = array<i64: 2, 1264, 128>}, {transform_indices = @transform_1, window_bounds = array<i64: 2, 1264, 128>}, {pipeline_mode = #tpu.pipeline_mode<synchronous>, transform_indices = @transform_2, window_bounds = array<i64: 1, 256>}, {pipeline_mode = #tpu.pipeline_mode<synchronous>, transform_indices = @transform_3, window_bounds = array<i64: 256, 128>}, {transform_indices = @transform_4, window_bounds = array<i64: 1264, 128>}]} {
    %get3A = arith.constant 0 : index
    %get3A_0 = arith.constant 0 : index
    %get3A_1 = arith.constant 0 : index
    %get3A_2 = vector.load %arg1[%get3A, %get3A_0, %get3A_1] : memref<2x1264x128xf32, #tpu.memory_space<vmem>>, vector<1x1264x128xf32>
    %get3A_3 = vector.shape_cast %get3A_2 : vector<1x1264x128xf32> to vector<1264x128xf32>
    %get3A_4 = arith.constant 1 : index
    %get3A_5 = arith.constant 0 : index
    %get3A_6 = arith.constant 0 : index
    %get3A_7 = vector.load %arg1[%get3A_4, %get3A_5, %get3A_6] : memref<2x1264x128xf32, #tpu.memory_space<vmem>>, vector<1x1264x128xf32>
    %get3A_8 = vector.shape_cast %get3A_7 : vector<1x1264x128xf32> to vector<1264x128xf32>
    %concatenate3A = tpu.concatenate %get3A_3, %get3A_8 in 1 : vector<1264x128xf32>, vector<1264x128xf32> -> vector<1264x256xf32>
    %get3A_9 = arith.constant 0 : index
    %get3A_10 = arith.constant 0 : index
    %get3A_11 = arith.constant 0 : index
    %get3A_12 = vector.load %arg2[%get3A_9, %get3A_10, %get3A_11] : memref<2x1264x128xf32, #tpu.memory_space<vmem>>, vector<1x1264x1xf32>
    %get3A_13 = vector.shape_cast %get3A_12 : vector<1x1264x1xf32> to vector<1264x1xf32>
    %get3A_14 = arith.constant 1 : index
    %get3A_15 = arith.constant 0 : index
    %get3A_16 = arith.constant 0 : index
    %get3A_17 = vector.load %arg2[%get3A_14, %get3A_15, %get3A_16] : memref<2x1264x128xf32, #tpu.memory_space<vmem>>, vector<1x1264x1xf32>
    %get3A_18 = vector.shape_cast %get3A_17 : vector<1x1264x1xf32> to vector<1264x1xf32>
    %add3A = arith.addf %get3A_13, %get3A_18 : vector<1264x1xf32>
    %max3A = arith.constant 1.000000e+00 : f32
    %max3A_19 = vector.broadcast %max3A : f32 to vector<1264x1xf32>
    %max3A_20 = arith.maximumf %add3A, %max3A_19 : vector<1264x1xf32>
    %div3A = arith.constant 1.000000e+00 : f32
    %div3A_21 = vector.broadcast %div3A : f32 to vector<1264x1xf32>
    %div3A_22 = arith.divf %div3A_21, %max3A_20 : vector<1264x1xf32>
    %mul3A = vector.broadcast %div3A_22 : vector<1264x1xf32> to vector<1264x256xf32>
    %mul3A_23 = arith.mulf %concatenate3A, %mul3A : vector<1264x256xf32>
    %get3A_24 = arith.constant 0 : index
    %get3A_25 = arith.constant 0 : index
    %get3A_26 = vector.load %arg3[%get3A_24, %get3A_25] : memref<1x256xf32, #tpu.memory_space<vmem>>, vector<1x256xf32>
    %add3A_27 = vector.broadcast %get3A_26 : vector<1x256xf32> to vector<1264x256xf32>
    %add3A_28 = arith.addf %mul3A_23, %add3A_27 : vector<1264x256xf32>
    %max3A_29 = arith.constant 0.000000e+00 : f32
    %max3A_30 = vector.broadcast %max3A_29 : f32 to vector<1264x256xf32>
    %max3A_31 = arith.maximumf %add3A_28, %max3A_30 : vector<1264x256xf32>
    %get3A_32 = arith.constant 0 : index
    %get3A_33 = arith.constant 0 : index
    %get3A_34 = vector.load %arg4[%get3A_32, %get3A_33] : memref<256x128xf32, #tpu.memory_space<vmem>>, vector<256x128xf32>
    %dot_general3A = arith.constant dense<0.000000e+00> : vector<1264x128xf32>
    %dot_general3A_35 = tpu.matmul %max3A_31, %get3A_34, %dot_general3A {dimension_numbers = #tpu.dot_dimension_numbers<[1], [0], [0], [1], [0, 0, 1, 1], [], []>, transpose_lhs_hint = false} : vector<1264x256xf32>, vector<256x128xf32>, vector<1264x128xf32> -> vector<1264x128xf32>
    %swap3A = arith.constant 0 : index
    %swap3A_36 = arith.constant 0 : index
    %swap3A_37 = vector.load %arg5[%swap3A, %swap3A_36] : memref<1264x128xf32, #tpu.memory_space<vmem>>, vector<1264x128xf32>
    tpu.vector_store %arg5[%swap3A, %swap3A_36], %dot_general3A_35 {strides = array<i32>} : memref<1264x128xf32, #tpu.memory_space<vmem>>, vector<1264x128xf32>,
    return
  }
  func.func @transform_0(%arg0: i32) -> (i32, i32, i32) {
    %c0_i32 = arith.constant 0 : i32
    %c0_i32_0 = arith.constant 0 : i32
    %c0_i32_1 = arith.constant 0 : i32
    return %c0_i32, %arg0, %c0_i32_0 : i32, i32, i32
  }
  func.func @transform_1(%arg0: i32) -> (i32, i32, i32) {
    %c0_i32 = arith.constant 0 : i32
    %c0_i32_0 = arith.constant 0 : i32
    %c0_i32_1 = arith.constant 0 : i32
    return %c0_i32, %arg0, %c0_i32_0 : i32, i32, i32
  }
  func.func @transform_2(%arg0: i32) -> (i32, i32) {
    %c0_i32 = arith.constant 0 : i32
    %c0_i32_0 = arith.constant 0 : i32
    %c0_i32_1 = arith.constant 0 : i32
    return %c0_i32, %c0_i32_0 : i32, i32
  }
  func.func @transform_3(%arg0: i32) -> (i32, i32) {
    %c0_i32 = arith.constant 0 : i32
    %c0_i32_0 = arith.constant 0 : i32
    %c0_i32_1 = arith.constant 0 : i32
    return %c0_i32, %c0_i32_0 : i32, i32
  }
  func.func @transform_4(%arg0: i32) -> (i32, i32) {
    %c0_i32 = arith.constant 0 : i32
    %c0_i32_0 = arith.constant 0 : i32
    return %arg0, %c0_i32 : i32, i32
  }
}

module attributes {stable_mosaic.version = 14 : i64} {
  func.func @body(%arg0: i32, %arg1: memref<2x1264x128xf32, #tpu.memory_space<vmem>>, %arg2: memref<1264x128xf32, #tpu.memory_space<vmem>>, %arg3: memref<2x1264x128xf32, #tpu.memory_space<vmem>>, %arg4: memref<1x16xf32, #tpu.memory_space<vmem>>, %arg5: memref<1264x16xf32, #tpu.memory_space<vmem>>) attributes {dimension_semantics = [#tpu.dimension_semantics<arbitrary>], iteration_bounds = array<i64: 8>, scalar_prefetch = 0 : i64, scratch_operands = 0 : i64, tpu.core_type = #tpu.core_type<tc>, window_params = [{transform_indices = @transform_0, window_bounds = array<i64: 2, 1264, 128>}, {transform_indices = @transform_1, window_bounds = array<i64: 1264, 128>}, {transform_indices = @transform_2, window_bounds = array<i64: 2, 1264, 128>}, {pipeline_mode = #tpu.pipeline_mode<synchronous>, transform_indices = @transform_3, window_bounds = array<i64: 1, 16>}, {transform_indices = @transform_4, window_bounds = array<i64: 1264, 16>}]} {
    %get3A = arith.constant 0 : index
    %get3A_0 = arith.constant 0 : index
    %get3A_1 = arith.constant 0 : index
    %get3A_2 = vector.load %arg1[%get3A, %get3A_0, %get3A_1] : memref<2x1264x128xf32, #tpu.memory_space<vmem>>, vector<1x1264x16xf32>
    %get3A_3 = vector.shape_cast %get3A_2 : vector<1x1264x16xf32> to vector<1264x16xf32>
    %get3A_4 = arith.constant 1 : index
    %get3A_5 = arith.constant 0 : index
    %get3A_6 = arith.constant 0 : index
    %get3A_7 = vector.load %arg1[%get3A_4, %get3A_5, %get3A_6] : memref<2x1264x128xf32, #tpu.memory_space<vmem>>, vector<1x1264x16xf32>
    %get3A_8 = vector.shape_cast %get3A_7 : vector<1x1264x16xf32> to vector<1264x16xf32>
    %add3A = arith.addf %get3A_3, %get3A_8 : vector<1264x16xf32>
    %get3A_9 = arith.constant 0 : index
    %get3A_10 = arith.constant 0 : index
    %get3A_11 = vector.load %arg2[%get3A_9, %get3A_10] : memref<1264x128xf32, #tpu.memory_space<vmem>>, vector<1264x16xf32>
    %sub3A = arith.subf %add3A, %get3A_11 : vector<1264x16xf32>
    %get3A_12 = arith.constant 0 : index
    %get3A_13 = arith.constant 0 : index
    %get3A_14 = arith.constant 0 : index
    %get3A_15 = vector.load %arg3[%get3A_12, %get3A_13, %get3A_14] : memref<2x1264x128xf32, #tpu.memory_space<vmem>>, vector<1x1264x1xf32>
    %get3A_16 = vector.shape_cast %get3A_15 : vector<1x1264x1xf32> to vector<1264x1xf32>
    %get3A_17 = arith.constant 1 : index
    %get3A_18 = arith.constant 0 : index
    %get3A_19 = arith.constant 0 : index
    %get3A_20 = vector.load %arg3[%get3A_17, %get3A_18, %get3A_19] : memref<2x1264x128xf32, #tpu.memory_space<vmem>>, vector<1x1264x1xf32>
    %get3A_21 = vector.shape_cast %get3A_20 : vector<1x1264x1xf32> to vector<1264x1xf32>
    %add3A_22 = arith.addf %get3A_16, %get3A_21 : vector<1264x1xf32>
    %max3A = arith.constant 1.000000e+00 : f32
    %max3A_23 = vector.broadcast %max3A : f32 to vector<1264x1xf32>
    %max3A_24 = arith.maximumf %add3A_22, %max3A_23 : vector<1264x1xf32>
    %div3A = arith.constant 1.000000e+00 : f32
    %div3A_25 = vector.broadcast %div3A : f32 to vector<1264x1xf32>
    %div3A_26 = arith.divf %div3A_25, %max3A_24 : vector<1264x1xf32>
    %mul3A = vector.broadcast %div3A_26 : vector<1264x1xf32> to vector<1264x16xf32>
    %mul3A_27 = arith.mulf %sub3A, %mul3A : vector<1264x16xf32>
    %get3A_28 = arith.constant 0 : index
    %get3A_29 = arith.constant 0 : index
    %get3A_30 = vector.load %arg4[%get3A_28, %get3A_29] : memref<1x16xf32, #tpu.memory_space<vmem>>, vector<1x16xf32>
    %add3A_31 = vector.broadcast %get3A_30 : vector<1x16xf32> to vector<1264x16xf32>
    %add3A_32 = arith.addf %mul3A_27, %add3A_31 : vector<1264x16xf32>
    %swap3A = arith.constant 0 : index
    %swap3A_33 = arith.constant 0 : index
    %swap3A_34 = vector.load %arg5[%swap3A, %swap3A_33] : memref<1264x16xf32, #tpu.memory_space<vmem>>, vector<1264x16xf32>
    tpu.vector_store %arg5[%swap3A, %swap3A_33], %add3A_32 {strides = array<i32>} : memref<1264x16xf32, #tpu.memory_space<vmem>>, vector<1264x16xf32>,
    return
  }
  func.func @transform_0(%arg0: i32) -> (i32, i32, i32) {
    %c0_i32 = arith.constant 0 : i32
    %c0_i32_0 = arith.constant 0 : i32
    %c0_i32_1 = arith.constant 0 : i32
    return %c0_i32, %arg0, %c0_i32_0 : i32, i32, i32
  }
  func.func @transform_1(%arg0: i32) -> (i32, i32) {
    %c0_i32 = arith.constant 0 : i32
    %c0_i32_0 = arith.constant 0 : i32
    return %arg0, %c0_i32 : i32, i32
  }
  func.func @transform_2(%arg0: i32) -> (i32, i32, i32) {
    %c0_i32 = arith.constant 0 : i32
    %c0_i32_0 = arith.constant 0 : i32
    %c0_i32_1 = arith.constant 0 : i32
    return %c0_i32, %arg0, %c0_i32_0 : i32, i32, i32
  }
  func.func @transform_3(%arg0: i32) -> (i32, i32) {
    %c0_i32 = arith.constant 0 : i32
    %c0_i32_0 = arith.constant 0 : i32
    %c0_i32_1 = arith.constant 0 : i32
    return %c0_i32, %c0_i32_0 : i32, i32
  }
  func.func @transform_4(%arg0: i32) -> (i32, i32) {
    %c0_i32 = arith.constant 0 : i32
    %c0_i32_0 = arith.constant 0 : i32
    return %arg0, %c0_i32 : i32, i32
  }
}

</mosaic_0001>

<sc_bundles>
// kernel: kernel.10.cloned.1.call-start
scs
__scs_entry_jumppad:
0x0: {  	(pc) =	sbr.rel $0x88, $3  }
0x1: {  	(tag) =	ssettag $0x0;
	lr =	simm.s32 $0x1  }
0x2: {  	[smem:$0x3F99] =	sst lr;
	_ =	strace $0xD0000000  }
0x3: {  	_ = 	snop  }
0x4: {  	_ = 	snop  }
0x5: {  	_ = 	snop  }
0x6: {  	_ = 	snop  }
0x7: {  	_ = 	snop  }
__scs_overlays_trampoline_lowered:
0x8: {  	[smem:$0x3FA8] =	sst s0  }
0x9: {  	[smem:$0x3FA9] =	sst s1  }
0xa: {  	[smem:$0x3FAA] =	sst s2  }
0xb: {  	[smem:$0x3FAB] =	sst s3  }
0xc: {  	[smem:$0x3FAC] =	sst s4  }
0xd: {  	[smem:$0x3FAD] =	sst s5  }
0xe: {  	[smem:$0x3FAE] =	sst s6  }
0xf: {  	[smem:$0x3FAF] =	sst s7  }
0x10: {  	[smem:$0x3FB0] =	sst s8  }
0x11: {  	[smem:$0x3FB1] =	sst s9;
	s0 =	simm.s32 @!p0 $0x0  }
0x12: {  	s1 =	sld [smem:$0x3F97];
	s0 =	simm.s32 @p0 $0x1  }
0x13: {  	[smem:$0x3FB2] =	sst s0;
	s0 =	simm.s32 @!p1 $0x0  }
0x14: {  	s2 =	sld [smem:$0x3F96];
	s0 =	simm.s32 @p1 $0x1  }
0x15: {  	[smem:$0x3FB3] =	sst s0;
	s0 =	simm.s32 @!p2 $0x0  }
0x16: {  	s3 =	sld [smem:$0x3FDB];
	s0 =	simm.s32 @p2 $0x1  }
0x17: {  	s4 =	simm.s32 $0x1BF5;
	[smem:$0x3FB5] =	sst s0  }
0x18: {  	s0 =	sld [smem:$0x3F98];
	_ =	swait.ge [sflag:s4], $0x0  }
0x19: {  	s7 =	sld [smem:$0x3F99]  }
0x1a: {  	s8 =	sadd.s32 $0xFFFFE003, lr  }
0x1b: {  	s9 =	sadd.s32 $0xFFFFFEF7, lr;
	s5 =	simm.s32 $0xFFFFFFFF;
	p2 =	slt.u32 s8, $0xFFFFF086  }
0x1c: {  	p1 =	slt.u32 s9, $0xF7A;
	s5 =	simm.s32 @!p2 $0x0  }
0x1d: {  	s5 =	simm.s32 @p1 $0x1;
	p0 =	seq.s32 s7, s2  }
0x1e: {  	s7 =	smul.u32 @!p0 $0xF7A, s2;
	p2 =	seq.s32 @!p0 s5, $0x0  }
0x1f: {  	s9 =	smul.u32 $0xF7A, s1;
	s8 =	simm.s32 @!p0 $0x1BF5;
	p2 =	por !p2, p0  }
0x20: {  	[sflag:s8] =	ssyncset.s32 @!p0 $0xFFFFF086;
	s6 =	sadd.s32 @!p0 s3, s7;
	s7 =	simm.s32 @!p0 $0x108  }
0x21: {  	s3 =	sadd.s32 s3, s9;
	s6 =	sadd.s32 @!p0 $0x88, s6;
	s7 =	simm.s32 @p2 $0x1082  }
0x22: {  	[simem:s7], [sflag:s8] =	dma.local @!p0 [hbm:s6], $0xF7A  }
0x23: {  	s9 =	sor.u32 $0xD0000000, s2;
	s6 =	simm.s32 $0x108;
	_ =	swait.ge @!p0 [sflag:s8], $0x0  }
0x24: {  	s3 =	sadd.s32 $0x88, s3;
	s6 =	simm.s32 @!p1 $0x1082;
	[sflag:s4] =	ssyncset.s32 $0xFFFFF086  }
0x25: {  	[simem:s6], [sflag:s4] =	dma.local [hbm:s3], $0xF7A  }
0x26: {  	[smem:$0x3F99] =	sst s1;
	(tag) =	ssettag s2;
	_ =	strace s9  }
0x27: {  	s1 =	sld [smem:$0x3FA9]  }
0x28: {  	s2 =	sld [smem:$0x3FAA]  }
0x29: {  	s4 =	sld [smem:$0x3FAC]  }
0x2a: {  	p0 =	seq.s32 s5, $0x0;
	s5 =	sld [smem:$0x3FAD]  }
0x2b: {  	s6 =	sld [smem:$0x3FAE]  }
0x2c: {  	s7 =	sld [smem:$0x3FAF]  }
0x2d: {  	s3 =	simm.s32 $0x108;
	s8 =	sld [smem:$0x3FB0]  }
0x2e: {  	s3 =	simm.s32 @!p0 $0x1082;
	s9 =	sld [smem:$0x3FB1]  }
0x2f: {  	lr =	sadd.s32 s0, s3;
	s0 =	sld [smem:$0x3FA8]  }
0x30: {  	s3 =	sld [smem:$0x3FAB]  }
0x31: {  	[smem:$0x3FB4] =	sst s10  }
0x32: {  	s10 =	sld [smem:$0x3FB2];
	_ =	sdelay $0x3  }
0x33: {  	p0 =	seq.s32 s10, $0x1;
	s10 =	sld [smem:$0x3FB4];
	_ =	sdelay $0x3  }
0x34: {  	[smem:$0x3FB4] =	sst s10  }
0x35: {  	s10 =	sld [smem:$0x3FB3];
	_ =	sdelay $0x3  }
0x36: {  	p1 =	seq.s32 s10, $0x1;
	s10 =	sld [smem:$0x3FB4];
	_ =	sdelay $0x3  }
0x37: {  	[smem:$0x3FB4] =	sst s10  }
0x38: {  	s10 =	sld [smem:$0x3FB5]  }
0x39: {  	_ = 	snop;
	(pc) =	sbr.ind lr, $3  }
0x3a: {  	_ = 	snop  }
0x3b: {  	_ = 	snop  }
0x3c: {  	p2 =	seq.s32 s10, $0x1;
	s10 =	sld [smem:$0x3FB4]  }
0x3d: {  	_ =	shalt  }
0x3e: {  	_ =	shalt  }
0x3f: {  	_ =	shalt  }
0x40: {  	_ =	shalt  }
0x41: {  	_ =	shalt  }
0x42: {  	_ =	shalt  }
0x43: {  	_ =	shalt  }
0x44: {  	_ =	shalt  }
0x45: {  	_ =	shalt  }
0x46: {  	_ =	shalt  }
0x47: {  	_ =	shalt  }
0x48: {  	_ =	shalt  }
0x49: {  	_ =	shalt  }
0x4a: {  	_ =	shalt  }
0x4b: {  	_ =	shalt  }
0x4c: {  	_ =	shalt  }
0x4d: {  	_ =	shalt  }
0x4e: {  	_ =	shalt  }
0x4f: {  	_ =	shalt  }
0x50: {  	_ =	shalt  }
0x51: {  	_ =	shalt  }
0x52: {  	_ =	shalt  }
0x53: {  	_ =	shalt  }
0x54: {  	_ =	shalt  }
0x55: {  	_ =	shalt  }
0x56: {  	_ =	shalt  }
0x57: {  	_ =	shalt  }
0x58: {  	_ =	shalt  }
0x59: {  	_ =	shalt  }
0x5a: {  	_ =	shalt  }
0x5b: {  	_ =	shalt  }
0x5c: {  	_ =	shalt  }
0x5d: {  	_ =	shalt  }
0x5e: {  	_ =	shalt  }
0x5f: {  	_ =	shalt  }
0x60: {  	_ =	shalt  }
0x61: {  	_ =	shalt  }
0x62: {  	_ =	shalt  }
0x63: {  	_ =	shalt  }
0x64: {  	_ =	shalt  }
0x65: {  	_ =	shalt  }
0x66: {  	_ =	shalt  }
0x67: {  	_ =	shalt  }
0x68: {  	_ =	shalt  }
0x69: {  	_ =	shalt  }
0x6a: {  	_ =	shalt  }
0x6b: {  	_ =	shalt  }
0x6c: {  	_ =	shalt  }
0x6d: {  	_ =	shalt  }
0x6e: {  	_ =	shalt  }
0x6f: {  	_ =	shalt  }
0x70: {  	_ =	shalt  }
0x71: {  	_ =	shalt  }
0x72: {  	_ =	shalt  }
0x73: {  	_ =	shalt  }
0x74: {  	_ =	shalt  }
0x75: {  	_ =	shalt  }
0x76: {  	_ =	shalt  }
0x77: {  	_ =	shalt  }
0x78: {  	_ =	shalt  }
0x79: {  	_ =	shalt  }
0x7a: {  	_ =	shalt  }
0x7b: {  	_ =	shalt  }
0x7c: {  	_ =	shalt  }
0x7d: {  	_ =	shalt  }
0x7e: {  	_ =	shalt  }
0x7f: {  	_ =	shalt  }
0x80: {  	_ =	shalt  }
0x81: {  	_ =	shalt  }
0x82: {  	_ =	shalt  }
0x83: {  	_ =	shalt  }
0x84: {  	_ =	shalt  }
0x85: {  	_ =	shalt  }
0x86: {  	_ =	shalt  }
0x87: {  	_ =	shalt  }
.Lfunc_end0:
.L_simem_size_0:
called_computation_lowered:
.L_overlay_start_0:
0x88: {  	s2 =	sld [smem:$0x3FD9]  }
0x89: {  	s3 =	sld [smem:$0x3FFE];
	_ =	sdelay $0x1  }
0x8a: {  	s1 =	srdreg.scid  }
0x8b: {  	s0 =	sand.u32 $0x1, s1  }
0x8c: {  	s17 =	sshll.u32 s0, $0xA;
	s2 =	sadd.s32 s3, s2  }
0x8d: {  	s2 =	sadd.s32 s2, s17  }
0x8e: {  	[smem:$0x3FC0] =	sst s2  }
0x8f: {  	_ = 	snop  }
0x90: {  	(tm) =	ssettm $0x1  }
0x91: {  	s18 =	sld [smem:$0x3FFB];
	_ =	sdelay $0x3  }
0x92: {  	_ =	strace s18  }
0x93: {  	s2 =	sld [smem:$0x3FFC];
	_ =	sdelay $0x3  }
0x94: {  	_ =	strace s2  }
0x95: {  	s2 =	sld [smem:$0x3FFD];
	_ =	sdelay $0x3  }
0x96: {  	_ =	strace s2  }
0x97: {  	_ =	strace $0x8FFFFFFF  }
0x98: {  	s19 =	sld [smem:$0x3FDB];
	_ =	sdelay $0x1  }
0x99: {  	s20 =	simm.s32 $_scs_section_size  }
0x9a: {  	s4 =	simm.s32 $_size__tile_overlayer_lowered;
	s5 =	simm.s32 $_tile_overlayer_lowered  }
0x9b: {  	s6 =	simm.s32 $0x1BFF;
	s21 =	sshll.u32 s5, $0x1;
	s3 =	sadd.s32 s20, s19  }
0x9c: {  	s22 =	simm.s32 $0x0;
	s4 =	sshll.u32 s4, $0x1;
	s5 =	sadd.s32 s21, s3  }
0x9d: {  	[timem:s22], [sflag:s6] =	dma.local [hbm:s5], s4  }
0x9e: {  	_ =	swait.ge [sflag:s6], s4  }
0x9f: {  	s4 =	ssub.s32 $0x0, s4;
	[sflag:s6] =	ssyncset.done $0x0  }
0xa0: {  	[sflag:s6] =	ssyncadd.s32 s4;
	_ =	sdelay $0x1  }
0xa1: {  	s23 =	simm.s32 $0x1B8B  }
0xa2: {  	_ =	swait.ge [sflag:s23], $0x1  }
0xa3: {  	[sflag:s23] =	ssyncset.done $0x0  }
0xa4: {  	[sflag:s23] =	ssyncadd.s32 $0xFFFFFFFF  }
0xa5: {  	s4 =	sld [smem:$0x0]  }
0xa6: {  	s5 =	sand.u32 $0xFFFFFFFE, s1  }
0xa7: {  	p0 =	sne.s32 s1, s5  }
0xa8: {  	s5 =	sshll.u32 @p0 s5, $0xE  }
0xa9: {  	s5 =	sadd.s32 @p0 $0x11B8D, s5;
	s6 =	sshll.u32 @p0 s4, $0x11  }
0xaa: {  	s5 =	sor.u32 @p0 s6, s5  }
0xab: {  	[sflag:s5] =	ssyncadd.remote.s32 @p0 $0x1;
	_ =	sdelay $0x1  }
0xac: {  	s5 =	simm.s32 @p0 $0x1B8D  }
0xad: {  	_ =	swait.eq @p0 [sflag:s5], $0x1  }
0xae: {  	[sflag:s5] =	ssyncadd.s32 @p0 $0xFFFFFFFF  }
0xaf: {  	s6 =	sshll.u32 @!p0 s1, $0xE  }
0xb0: {  	s6 =	sor.u32 @!p0 $0x4000, s6;
	s5 =	simm.s32 @!p0 $0x1B8D  }
0xb1: {  	s4 =	sshll.u32 @!p0 s4, $0x11;
	s6 =	sadd.s32 @!p0 $0x11B8D, s6;
	_ =	swait.eq @!p0 [sflag:s5], $0x1  }
0xb2: {  	s4 =	sor.u32 @!p0 s4, s6;
	[sflag:s5] =	ssyncadd.s32 @!p0 $0xFFFFFFFF  }
0xb3: {  	s25 =	simm.s32 $0x1B8E;
	s24 =	sld [smem:$0x3FFE];
	[sflag:s4] =	ssyncadd.remote.s32 @!p0 $0x1  }
0xb4: {  	s26 =	simm.s32 $execute0_lowered;
	[smem:$0x3FD2] =	sst s25  }
0xb5: {  	s5 =	sshll.u32 s26, $0x1;
	_ =	strace $0x80000049;
	[dreg:$0x1] =	wrdreg $0xFFFFFFFF  }
0xb6: {  	s28 =	simm.s32 $_size_execute0_lowered;
	s3 =	sadd.s32 s3, s5;
	[dreg:$0x0] =	wrdreg $0x0  }
0xb7: {  	s5 =	sshll.u32 s28, $0x1;
	[dreg:$0x2] =	wrdreg s3  }
0xb8: {  	[dreg:$0x3] =	wrdreg s5  }
0xb9: {  	[dreg:$0x4] =	wrdreg $0xC0  }
0xba: {  	_ =	task [dreg:s22], $0x5FFFF  }
0xbb: {  	[dreg:$0x1] =	wrdreg $0xFFFFFFFF  }
0xbc: {  	[dreg:$0x0] =	wrdreg $0x60  }
0xbd: {  	[dreg:$0x2] =	wrdreg s24  }
0xbe: {  	[dreg:$0x3] =	wrdreg $0x94000  }
0xbf: {  	[dreg:$0x4] =	wrdreg $0x9  }
0xc0: {  	_ =	task.clear_ibuf [dreg:s22], $0x5FFFF;
	_ =	strace $0x90000049  }
0xc1: {  	s29 =	simm.s32 $0x9;
	_ =	strace $0x8000004B  }
0xc2: {  	_ =	swait.ge [sflag:s29], $0x1  }
0xc3: {  	[sflag:s29] =	ssyncadd.s32 $0xFFFFFFFF  }
0xc4: {  	_ =	strace $0x9000004B  }
0xc5: {  	_ =	sfence  }
0xc6: {  	s30 =	sld [smem:$0x0];
	_ =	sdelay $0x2  }
0xc7: {  	s31 =	sshll.u32 s1, $0xD;
	s1 =	sshrl.u32 s1, $0x2  }
0xc8: {  	s4 =	sand.u32 $0x4000, s31;
	s1 =	sadd.s32 s1, s30  }
0xc9: {  	s0 =	sor.u32 s4, s0;
	s1 =	sshll.u32 s1, $0x11  }
0xca: {  	s0 =	sor.u32 s1, s0  }
0xcb: {  	s0 =	sadd.s32 $0x8F2B, s0  }
0xcc: {  	[sflag:s0] =	ssyncadd.remote.s32 $0x1  }
0xcd: {  	_ =	sfence.sel $0xFFFF  }
0xce: {  	[dreg:$0x0] =	wrdreg $0xFFFFFFFF;
	(pc) =	sbr.abs _section_cstart, $3  }
0xcf: {  	[dreg:$0x1] =	wrdreg $0xFFFFFFFF  }
0xd0: {  	_ =	task.clear_ibuf [dreg:s22], $0x2FFFF;
	_ =	strace $0x9FFFFFFF  }
0xd1: {  	(tm) =	ssettm $0x7FFFFFFF  }
tec
execute0_lowered:
.L_overlay_start_1:
0x0: {  	(tag) =	ssettag $0x1  }
0x1: {  	s5 =	rddreg [dreg:$0x0]  }
0x2: {  	s0 =	srdreg.scid;
	s2 =	rddreg [dreg:$0x1]  }
0x3: {  	s3 =	simm.s32 $0x0;
	s15 =	simm.s32 $0x1;
	s16 =	simm.s32 $0x2  }
0x4: {  	s17 =	simm.s32 $0x4;
	s4 =	sand.u32 $0x1, s0;
	s0 =	stileid.u32  }
0x5: {  	[smem:$0x7FF] =	sst s3;
	s1 =	sshll.u32 s4, $0x4;
	s7 =	smul.u32 $0x27800, s4  }
0x6: {  	s4 =	ssub.s32 $0x2, s4;
	s11 =	sor.u32 $0x10, s0;
	s29 =	sshll.u32 s0, $0xE  }
0x7: {  	s12 =	sor.u32 $0x20, s0;
	s13 =	sor.u32 $0x30, s0;
	s14 =	sor.u32 $0x40, s0  }
0x8: {  	s18 =	sshll.u32 s0, $0xB;
	p0 =	seq.s32 s0, $0xF;
	s6 =	sor.u32 s0, s1  }
0x9: {  	s1 =	rddreg [dreg:$0x2];
	_ =	strace $0x8000004A;
	s8 =	sshrl.u32 s4, $0x1  }
0xa: {  	s30 =	sshll.u32 s11, $0xE;
	s31 =	sshll.u32 s12, $0xE;
	s9 =	sshll.u32 s13, $0xE  }
0xb: {  	s10 =	sshll.u32 s14, $0xE;
	s19 =	sshll.u32 s11, $0xB;
	s20 =	sshll.u32 s12, $0xB  }
0xc: {  	s21 =	sshll.u32 s13, $0xB;
	s23 =	sshll.u32 s14, $0xB;
	s11 =	simm.s32 $0x5400  }
0xd: {  	s12 =	simm.s32 $0x3;
	s13 =	simm.s32 $0x80;
	s6 =	smul.u32 $0x280, s6  }
0xe: {  	s14 =	simm.s32 $0x1400;
	s28 =	ssub.s32 s4, s8;
	s8 =	sadd.s32 s31, s2  }
0xf: {  	s9 =	sadd.s32 s9, s2;
	s10 =	sadd.s32 s10, s2;
	s6 =	sadd.s32 s6, s5  }
0x10: {  	s5 =	sadd.s32 s7, s5;
	s7 =	sadd.s32 s30, s2;
	s4 =	sadd.s32 $0x56400, s6  }
0x11: {  	s22 =	sadd.s32 $0xAA400, s5;
	s5 =	smax.u32 s28, $0x1;
	s6 =	sadd.s32 s29, s2  }
0x12: {  	s18 =	sadd.s32 s18, s22;
	s19 =	sadd.s32 s19, s22;
	s20 =	sadd.s32 s20, s22  }
0x13: {  	v0 =	vimm.f32 $1.000000000e+00;
	v1 =	vimm.f32 $0.0e+00;
	s21 =	sadd.s32 s21, s22;
	s22 =	sadd.s32 @!p0 s23, s22;
	s23 =	simm.s32 $0x0  }
.LBB2_1:
0x14: {  	s24 =	simm.s32 $0x0;
	s25 =	simm.s32 $0x200  }
.LBB2_2:
0x15: {  	p1 =	sne.s32 s25, $0xFE00;
	[tilespmem:s24+$0x1470] =	vst v0  }
0x16: {  	[tilespmem:s24+$0x1400] =	vst v0  }
0x17: {  	[tilespmem:s24+$0x1410] =	vst v0  }
.Ltmp0:
0x18: {  	[tilespmem:s24+$0x1420] =	vst v0;
	(pc) =	sbr.rel @p1 .LBB2_2-.Ltmp0, $4  }
0x19: {  	[tilespmem:s24+$0x1430] =	vst v0  }
0x1a: {  	[tilespmem:s24+$0x1440] =	vst v0  }
0x1b: {  	[tilespmem:s24+$0x1450] =	vst v0  }
0x1c: {  	[tilespmem:s24+$0x1460] =	vst v0;
	s24 =	sshra.s32 s25, $0x2;
	s25 =	sadd.s32 $0x200, s25  }
0x1d: {  	[tilespmem:s24+$0x1470] =	vst v0  }
0x1e: {  	[tilespmem:s24+$0x1400] =	vst v0  }
0x1f: {  	[tilespmem:s24+$0x1410] =	vst v0  }
0x20: {  	[tilespmem:s24+$0x1420] =	vst v0  }
0x21: {  	[tilespmem:s24+$0x1430] =	vst v0  }
0x22: {  	[tilespmem:s24+$0x1440] =	vst v0  }
0x23: {  	[tilespmem:s24+$0x1450] =	vst v0  }
0x24: {  	[tilespmem:s24+$0x1460] =	vst v0;
	s24 =	simm.s32 $0x0;
	s25 =	simm.s32 $0x200  }
.LBB2_4:
0x25: {  	p1 =	sne.s32 s25, $0xFE00;
	[tilespmem:s24+$0x5470] =	vst v1  }
0x26: {  	[tilespmem:s24+$0x5400] =	vst v1  }
0x27: {  	[tilespmem:s24+$0x5410] =	vst v1  }
.Ltmp1:
0x28: {  	[tilespmem:s24+$0x5420] =	vst v1;
	(pc) =	sbr.rel @p1 .LBB2_4-.Ltmp1, $4  }
0x29: {  	[tilespmem:s24+$0x5430] =	vst v1  }
0x2a: {  	[tilespmem:s24+$0x5440] =	vst v1  }
0x2b: {  	[tilespmem:s24+$0x5450] =	vst v1  }
0x2c: {  	[tilespmem:s24+$0x5460] =	vst v1;
	s24 =	sshra.s32 s25, $0x2;
	s25 =	sadd.s32 $0x200, s25  }
0x2d: {  	[tilespmem:s24+$0x5470] =	vst v1  }
0x2e: {  	[tilespmem:s24+$0x5400] =	vst v1  }
0x2f: {  	[tilespmem:s24+$0x5410] =	vst v1  }
0x30: {  	[tilespmem:s24+$0x5420] =	vst v1  }
0x31: {  	[tilespmem:s24+$0x5430] =	vst v1  }
0x32: {  	[tilespmem:s24+$0x5440] =	vst v1  }
0x33: {  	[tilespmem:s24+$0x5450] =	vst v1  }
0x34: {  	[tilespmem:s24+$0x5460] =	vst v1  }
0x35: {  	[spmem:s6] =	stream.linear.scatter [tilespmem:s11], [sflag:$0x3], $0x4000, $0x38;
	[tilespmem:$0x1D000] =	vst v63  }
0x36: {  	_ =	swait.ge [sflag:s12], $0x4000  }
0x37: {  	[sflag:s12] =	ssyncset.done $0x0  }
0x38: {  	[sflag:s12] =	ssyncadd.s32 $0xFFFFC000  }
0x39: {  	[spmem:s7] =	stream.linear.scatter [tilespmem:s11], [sflag:$0x3], $0x4000, $0x38;
	[tilespmem:$0x1D000] =	vst v63  }
0x3a: {  	_ =	swait.ge [sflag:s12], $0x4000  }
0x3b: {  	[sflag:s12] =	ssyncset.done $0x0  }
0x3c: {  	[sflag:s12] =	ssyncadd.s32 $0xFFFFC000  }
0x3d: {  	[spmem:s8] =	stream.linear.scatter [tilespmem:s11], [sflag:$0x3], $0x4000, $0x38;
	[tilespmem:$0x1D000] =	vst v63  }
0x3e: {  	_ =	swait.ge [sflag:s12], $0x4000  }
0x3f: {  	[sflag:s12] =	ssyncset.done $0x0  }
0x40: {  	[sflag:s12] =	ssyncadd.s32 $0xFFFFC000  }
0x41: {  	[spmem:s9] =	stream.linear.scatter [tilespmem:s11], [sflag:$0x3], $0x4000, $0x38;
	[tilespmem:$0x1D000] =	vst v63  }
0x42: {  	_ =	swait.ge [sflag:s12], $0x4000  }
0x43: {  	[sflag:s12] =	ssyncset.done $0x0  }
0x44: {  	s24 =	simm.s32 @!p0 $0x5400;
	[sflag:s12] =	ssyncadd.s32 $0xFFFFC000  }
0x45: {  	[spmem:s10] =	stream.linear.scatter @!p0 [tilespmem:s24], [sflag:$0x3], $0x4000, $0x38;
	[tilespmem:$0x1D000] =	vst v63  }
0x46: {  	s24 =	simm.s32 @!p0 $0x3  }
0x47: {  	_ =	swait.ge @!p0 [sflag:s24], $0x4000  }
0x48: {  	[sflag:s24] =	ssyncset.done @!p0 $0x0  }
0x49: {  	[sflag:s24] =	ssyncadd.s32 @!p0 $0xFFFFC000  }
0x4a: {  	[bflag:$0x0] =	sbarrier.arrive $0xFFFF  }
0x4b: {  	[tilespmem:s3], [sflag:$0x3] =	stream.linear.gather [hbm4b:s4+s3], $0x1400, $0x38;
	[tilespmem:$0x1D000] =	vst v63  }
0x4c: {  	_ =	swait.ge [sflag:s12], $0x1400  }
0x4d: {  	[sflag:s12] =	ssyncset.done $0x0  }
0x4e: {  	[sflag:s12] =	ssyncadd.s32 $0xFFFFEC00  }
0x4f: {  	[spmem:s2] =	stream.indirect.scatter.add.f32 [tilespmem:s14], [sflag:$0x1], $0x80, s3, s13, $0xb8;
	[tilespmem:$0x1D000] =	vst v63  }
0x50: {  	_ = 	snop  }
0x51: {  	[spmem:s2] =	stream.indirect.scatter.add.f32 [tilespmem:s14], [sflag:$0x2], $0x80, s13, s13, $0xb8;
	[tilespmem:$0x1D000] =	vst v63  }
0x52: {  	_ =	swait.ge [sflag:s15], $0x4000  }
0x53: {  	[sflag:s15] =	ssyncset.done $0x0  }
0x54: {  	s31 =	simm.s32 $0x100;
	[sflag:s15] =	ssyncadd.s32 $0xFFFFC000  }
0x55: {  	[spmem:s2] =	stream.indirect.scatter.add.f32 [tilespmem:s14], [sflag:$0x1], $0x80, s31, s13, $0xb8;
	[tilespmem:$0x1D000] =	vst v63  }
0x56: {  	_ =	swait.ge [sflag:s16], $0x4000  }
0x57: {  	[sflag:s16] =	ssyncset.done $0x0  }
0x58: {  	s25 =	simm.s32 $0x180;
	s24 =	simm.s32 $0xFFFFB800;
	[sflag:s16] =	ssyncadd.s32 $0xFFFFC000  }
.LBB2_6:
0x59: {  	[spmem:s2] =	stream.indirect.scatter.add.f32 [tilespmem:s14], [sflag:$0x2], $0x80, s25, s13, $0xb8;
	[tilespmem:$0x1D000] =	vst v63  }
0x5a: {  	s25 =	smov.u32 s24  }
0x5b: {  	p1 =	sne.s32 s24, $0xFFFFFC00;
	s24 =	sadd.s32 $0x400, s24;
	_ =	swait.ge [sflag:s15], $0x4000  }
0x5c: {  	s25 =	sshra.s32 s25, $0x2;
	[sflag:s15] =	ssyncset.done $0x0  }
.Ltmp2:
0x5d: {  	s26 =	sadd.s32 $0x1400, s25;
	[sflag:s15] =	ssyncadd.s32 $0xFFFFC000;
	(pc) =	sbr.rel @p1 .LBB2_6-.Ltmp2, $4  }
0x5e: {  	[spmem:s2] =	stream.indirect.scatter.add.f32 [tilespmem:s14], [sflag:$0x1], $0x80, s26, s13, $0xb8;
	[tilespmem:$0x1D000] =	vst v63  }
0x5f: {  	_ =	swait.ge [sflag:s16], $0x4000  }
0x60: {  	[sflag:s16] =	ssyncset.done $0x0  }
0x61: {  	s25 =	sadd.s32 $0x1480, s25;
	[sflag:s16] =	ssyncadd.s32 $0xFFFFC000  }
0x62: {  	[spmem:s2] =	stream.indirect.scatter.add.f32 [tilespmem:s14], [sflag:$0x2], $0x80, s25, s13, $0xb8;
	[tilespmem:$0x1D000] =	vst v63  }
0x63: {  	_ =	swait.ge [sflag:s15], $0x4000  }
0x64: {  	[sflag:s15] =	ssyncset.done $0x0  }
0x65: {  	[sflag:s15] =	ssyncadd.s32 $0xFFFFC000  }
0x66: {  	_ =	swait.ge [sflag:s16], $0x4000  }
0x67: {  	[sflag:s16] =	ssyncset.done $0x0  }
0x68: {  	[sflag:s16] =	ssyncadd.s32 $0xFFFFC000  }
0x69: {  	[bflag:$0x0] =	sbarrier.arrive $0xFFFF  }
0x6a: {  	[tilespmem:s11], [sflag:$0x4] =	stream.linear.gather [spmem:s6], $0x4000, $0x38;
	[tilespmem:$0x1D000] =	vst v63  }
0x6b: {  	_ =	swait.ge [sflag:s17], $0x4000  }
0x6c: {  	[sflag:s17] =	ssyncset.done $0x0  }
0x6d: {  	[sflag:s17] =	ssyncadd.s32 $0xFFFFC000  }
0x6e: {  	[hbm4b:s18+s3] =	stream.linear.scatter [tilespmem:s11], [sflag:$0x3], $0x4000, $0x38;
	[tilespmem:$0x1D000] =	vst v63  }
0x6f: {  	_ =	swait.ge [sflag:s12], $0x4000  }
0x70: {  	[sflag:s12] =	ssyncset.done $0x0  }
0x71: {  	[sflag:s12] =	ssyncadd.s32 $0xFFFFC000  }
0x72: {  	[tilespmem:s11], [sflag:$0x4] =	stream.linear.gather [spmem:s7], $0x4000, $0x38;
	[tilespmem:$0x1D000] =	vst v63  }
0x73: {  	_ =	swait.ge [sflag:s17], $0x4000  }
0x74: {  	[sflag:s17] =	ssyncset.done $0x0  }
0x75: {  	[sflag:s17] =	ssyncadd.s32 $0xFFFFC000  }
0x76: {  	[hbm4b:s19+s3] =	stream.linear.scatter [tilespmem:s11], [sflag:$0x3], $0x4000, $0x38;
	[tilespmem:$0x1D000] =	vst v63  }
0x77: {  	_ =	swait.ge [sflag:s12], $0x4000  }
0x78: {  	[sflag:s12] =	ssyncset.done $0x0  }
0x79: {  	[sflag:s12] =	ssyncadd.s32 $0xFFFFC000  }
0x7a: {  	[tilespmem:s11], [sflag:$0x4] =	stream.linear.gather [spmem:s8], $0x4000, $0x38;
	[tilespmem:$0x1D000] =	vst v63  }
0x7b: {  	_ =	swait.ge [sflag:s17], $0x4000  }
0x7c: {  	[sflag:s17] =	ssyncset.done $0x0  }
0x7d: {  	[sflag:s17] =	ssyncadd.s32 $0xFFFFC000  }
0x7e: {  	[hbm4b:s20+s3] =	stream.linear.scatter [tilespmem:s11], [sflag:$0x3], $0x4000, $0x38;
	[tilespmem:$0x1D000] =	vst v63  }
0x7f: {  	_ =	swait.ge [sflag:s12], $0x4000  }
0x80: {  	[sflag:s12] =	ssyncset.done $0x0  }
0x81: {  	[sflag:s12] =	ssyncadd.s32 $0xFFFFC000  }
0x82: {  	[tilespmem:s11], [sflag:$0x4] =	stream.linear.gather [spmem:s9], $0x4000, $0x38;
	[tilespmem:$0x1D000] =	vst v63  }
0x83: {  	_ =	swait.ge [sflag:s17], $0x4000  }
0x84: {  	[sflag:s17] =	ssyncset.done $0x0  }
0x85: {  	[sflag:s17] =	ssyncadd.s32 $0xFFFFC000  }
0x86: {  	[hbm4b:s21+s3] =	stream.linear.scatter [tilespmem:s11], [sflag:$0x3], $0x4000, $0x38;
	[tilespmem:$0x1D000] =	vst v63  }
0x87: {  	_ =	swait.ge [sflag:s12], $0x4000  }
0x88: {  	[sflag:s12] =	ssyncset.done $0x0  }
0x89: {  	s24 =	simm.s32 @!p0 $0x5400;
	s25 =	simm.s32 @!p0 $0x4;
	[sflag:s12] =	ssyncadd.s32 $0xFFFFC000  }
0x8a: {  	[tilespmem:s24], [sflag:$0x4] =	stream.linear.gather @!p0 [spmem:s10], $0x4000, $0x38;
	[tilespmem:$0x1D000] =	vst v63  }
0x8b: {  	_ =	swait.ge @!p0 [sflag:s25], $0x4000  }
0x8c: {  	s23 =	sadd.s32 $0x1, s23;
	[sflag:s25] =	ssyncset.done @!p0 $0x0  }
0x8d: {  	p1 =	sne.s32 s23, s5;
	[sflag:s25] =	ssyncadd.s32 @!p0 $0xFFFFC000;
	s25 =	simm.s32 @!p0 $0x0  }
0x8e: {  	[hbm4b:s22+s25] =	stream.linear.scatter @!p0 [tilespmem:s24], [sflag:$0x3], $0x4000, $0x38;
	[tilespmem:$0x1D000] =	vst v63  }
.Ltmp3:
0x8f: {  	_ = 	snop;
	(pc) =	sbr.rel @p1 .LBB2_1-.Ltmp3, $4  }
0x90: {  	s24 =	simm.s32 @!p0 $0x3  }
0x91: {  	_ =	swait.ge @!p0 [sflag:s24], $0x4000  }
0x92: {  	[sflag:s24] =	ssyncset.done @!p0 $0x0  }
0x93: {  	[sflag:s24] =	ssyncadd.s32 @!p0 $0xFFFFC000  }
0x94: {  	_ =	sfence.sel $0x180000  }
0x95: {  	[bflag:$0x0] =	sbarrier.arrive $0xFFFF  }
0x96: {  	p0 =	sne.s32 s0, $0x0;
	_ =	strace $0x9000004A  }
0x97: {  	s0 =	sadd.s32 @!p0 $0x100000, s1;
	[bflag:$0x2] =	sbarrier.arrive $0xFFFF  }
0x98: {  	[sflag:s0] =	ssyncadd.tile.s32 @!p0 $0x1;
	_ =	shalt  }
.Lfunc_end2:
_tile_overlayer_lowered:
.L_overlay_start_2:
0x99: {  	(tag) =	ssettag $0x2  }
0x9a: {  	s0 =	rddreg [dreg:$0x0];
	s2 =	stileid.u32  }
0x9b: {  	s1 =	rddreg [dreg:$0x1];
	p0 =	sne.s32 s2, $0x0  }
0x9c: {  	s3 =	rddreg [dreg:$0x2];
	[bflag:$0x3] =	sbarrier.arrive $0xFFFF;
	s2 =	simm.s32 @!p0 $0x1C03  }
0x9d: {  	[timem:s3], [sflag:s2] =	dma.local @!p0 [hbm:s0], s1  }
0x9e: {  	s0 =	simm.s32 @!p0 $0x3  }
0x9f: {  	_ =	swait.ge @!p0 [sflag:s0], s1  }
0xa0: {  	s1 =	ssub.s32 @!p0 $0x0, s1;
	[sflag:s0] =	ssyncset.done @!p0 $0x0  }
0xa1: {  	[sflag:s0] =	ssyncadd.s32 @!p0 s1  }
0xa2: {  	[bflag:$0x3] =	sbarrier.arrive $0xFFFF  }
0xa3: {  	_ =	shalt  }

// kernel: kernel.13.cloned.1.call-start
scs
__scs_entry_jumppad:
0x0: {  	(pc) =	sbr.rel $0x88, $3  }
0x1: {  	(tag) =	ssettag $0x0;
	lr =	simm.s32 $0x1  }
0x2: {  	[smem:$0x3F99] =	sst lr;
	_ =	strace $0xD0000000  }
0x3: {  	_ = 	snop  }
0x4: {  	_ = 	snop  }
0x5: {  	_ = 	snop  }
0x6: {  	_ = 	snop  }
0x7: {  	_ = 	snop  }
__scs_overlays_trampoline_lowered:
0x8: {  	[smem:$0x3FA8] =	sst s0  }
0x9: {  	[smem:$0x3FA9] =	sst s1  }
0xa: {  	[smem:$0x3FAA] =	sst s2  }
0xb: {  	[smem:$0x3FAB] =	sst s3  }
0xc: {  	[smem:$0x3FAC] =	sst s4  }
0xd: {  	[smem:$0x3FAD] =	sst s5  }
0xe: {  	[smem:$0x3FAE] =	sst s6  }
0xf: {  	[smem:$0x3FAF] =	sst s7  }
0x10: {  	[smem:$0x3FB0] =	sst s8  }
0x11: {  	[smem:$0x3FB1] =	sst s9;
	s0 =	simm.s32 @!p0 $0x0  }
0x12: {  	s1 =	sld [smem:$0x3F97];
	s0 =	simm.s32 @p0 $0x1  }
0x13: {  	[smem:$0x3FB2] =	sst s0;
	s0 =	simm.s32 @!p1 $0x0  }
0x14: {  	s2 =	sld [smem:$0x3F96];
	s0 =	simm.s32 @p1 $0x1  }
0x15: {  	[smem:$0x3FB3] =	sst s0;
	s0 =	simm.s32 @!p2 $0x0  }
0x16: {  	s3 =	sld [smem:$0x3FDB];
	s0 =	simm.s32 @p2 $0x1  }
0x17: {  	s4 =	simm.s32 $0x1BF5;
	[smem:$0x3FB5] =	sst s0  }
0x18: {  	s0 =	sld [smem:$0x3F98];
	_ =	swait.ge [sflag:s4], $0x0  }
0x19: {  	s7 =	sld [smem:$0x3F99]  }
0x1a: {  	s8 =	sadd.s32 $0xFFFFE003, lr  }
0x1b: {  	s9 =	sadd.s32 $0xFFFFFEF7, lr;
	s5 =	simm.s32 $0xFFFFFFFF;
	p2 =	slt.u32 s8, $0xFFFFF086  }
0x1c: {  	p1 =	slt.u32 s9, $0xF7A;
	s5 =	simm.s32 @!p2 $0x0  }
0x1d: {  	s5 =	simm.s32 @p1 $0x1;
	p0 =	seq.s32 s7, s2  }
0x1e: {  	s7 =	smul.u32 @!p0 $0xF7A, s2;
	p2 =	seq.s32 @!p0 s5, $0x0  }
0x1f: {  	s9 =	smul.u32 $0xF7A, s1;
	s8 =	simm.s32 @!p0 $0x1BF5;
	p2 =	por !p2, p0  }
0x20: {  	[sflag:s8] =	ssyncset.s32 @!p0 $0xFFFFF086;
	s6 =	sadd.s32 @!p0 s3, s7;
	s7 =	simm.s32 @!p0 $0x108  }
0x21: {  	s3 =	sadd.s32 s3, s9;
	s6 =	sadd.s32 @!p0 $0x88, s6;
	s7 =	simm.s32 @p2 $0x1082  }
0x22: {  	[simem:s7], [sflag:s8] =	dma.local @!p0 [hbm:s6], $0xF7A  }
0x23: {  	s9 =	sor.u32 $0xD0000000, s2;
	s6 =	simm.s32 $0x108;
	_ =	swait.ge @!p0 [sflag:s8], $0x0  }
0x24: {  	s3 =	sadd.s32 $0x88, s3;
	s6 =	simm.s32 @!p1 $0x1082;
	[sflag:s4] =	ssyncset.s32 $0xFFFFF086  }
0x25: {  	[simem:s6], [sflag:s4] =	dma.local [hbm:s3], $0xF7A  }
0x26: {  	[smem:$0x3F99] =	sst s1;
	(tag) =	ssettag s2;
	_ =	strace s9  }
0x27: {  	s1 =	sld [smem:$0x3FA9]  }
0x28: {  	s2 =	sld [smem:$0x3FAA]  }
0x29: {  	s4 =	sld [smem:$0x3FAC]  }
0x2a: {  	p0 =	seq.s32 s5, $0x0;
	s5 =	sld [smem:$0x3FAD]  }
0x2b: {  	s6 =	sld [smem:$0x3FAE]  }
0x2c: {  	s7 =	sld [smem:$0x3FAF]  }
0x2d: {  	s3 =	simm.s32 $0x108;
	s8 =	sld [smem:$0x3FB0]  }
0x2e: {  	s3 =	simm.s32 @!p0 $0x1082;
	s9 =	sld [smem:$0x3FB1]  }
0x2f: {  	lr =	sadd.s32 s0, s3;
	s0 =	sld [smem:$0x3FA8]  }
0x30: {  	s3 =	sld [smem:$0x3FAB]  }
0x31: {  	[smem:$0x3FB4] =	sst s10  }
0x32: {  	s10 =	sld [smem:$0x3FB2];
	_ =	sdelay $0x3  }
0x33: {  	p0 =	seq.s32 s10, $0x1;
	s10 =	sld [smem:$0x3FB4];
	_ =	sdelay $0x3  }
0x34: {  	[smem:$0x3FB4] =	sst s10  }
0x35: {  	s10 =	sld [smem:$0x3FB3];
	_ =	sdelay $0x3  }
0x36: {  	p1 =	seq.s32 s10, $0x1;
	s10 =	sld [smem:$0x3FB4];
	_ =	sdelay $0x3  }
0x37: {  	[smem:$0x3FB4] =	sst s10  }
0x38: {  	s10 =	sld [smem:$0x3FB5]  }
0x39: {  	_ = 	snop;
	(pc) =	sbr.ind lr, $3  }
0x3a: {  	_ = 	snop  }
0x3b: {  	_ = 	snop  }
0x3c: {  	p2 =	seq.s32 s10, $0x1;
	s10 =	sld [smem:$0x3FB4]  }
0x3d: {  	_ =	shalt  }
0x3e: {  	_ =	shalt  }
0x3f: {  	_ =	shalt  }
0x40: {  	_ =	shalt  }
0x41: {  	_ =	shalt  }
0x42: {  	_ =	shalt  }
0x43: {  	_ =	shalt  }
0x44: {  	_ =	shalt  }
0x45: {  	_ =	shalt  }
0x46: {  	_ =	shalt  }
0x47: {  	_ =	shalt  }
0x48: {  	_ =	shalt  }
0x49: {  	_ =	shalt  }
0x4a: {  	_ =	shalt  }
0x4b: {  	_ =	shalt  }
0x4c: {  	_ =	shalt  }
0x4d: {  	_ =	shalt  }
0x4e: {  	_ =	shalt  }
0x4f: {  	_ =	shalt  }
0x50: {  	_ =	shalt  }
0x51: {  	_ =	shalt  }
0x52: {  	_ =	shalt  }
0x53: {  	_ =	shalt  }
0x54: {  	_ =	shalt  }
0x55: {  	_ =	shalt  }
0x56: {  	_ =	shalt  }
0x57: {  	_ =	shalt  }
0x58: {  	_ =	shalt  }
0x59: {  	_ =	shalt  }
0x5a: {  	_ =	shalt  }
0x5b: {  	_ =	shalt  }
0x5c: {  	_ =	shalt  }
0x5d: {  	_ =	shalt  }
0x5e: {  	_ =	shalt  }
0x5f: {  	_ =	shalt  }
0x60: {  	_ =	shalt  }
0x61: {  	_ =	shalt  }
0x62: {  	_ =	shalt  }
0x63: {  	_ =	shalt  }
0x64: {  	_ =	shalt  }
0x65: {  	_ =	shalt  }
0x66: {  	_ =	shalt  }
0x67: {  	_ =	shalt  }
0x68: {  	_ =	shalt  }
0x69: {  	_ =	shalt  }
0x6a: {  	_ =	shalt  }
0x6b: {  	_ =	shalt  }
0x6c: {  	_ =	shalt  }
0x6d: {  	_ =	shalt  }
0x6e: {  	_ =	shalt  }
0x6f: {  	_ =	shalt  }
0x70: {  	_ =	shalt  }
0x71: {  	_ =	shalt  }
0x72: {  	_ =	shalt  }
0x73: {  	_ =	shalt  }
0x74: {  	_ =	shalt  }
0x75: {  	_ =	shalt  }
0x76: {  	_ =	shalt  }
0x77: {  	_ =	shalt  }
0x78: {  	_ =	shalt  }
0x79: {  	_ =	shalt  }
0x7a: {  	_ =	shalt  }
0x7b: {  	_ =	shalt  }
0x7c: {  	_ =	shalt  }
0x7d: {  	_ =	shalt  }
0x7e: {  	_ =	shalt  }
0x7f: {  	_ =	shalt  }
0x80: {  	_ =	shalt  }
0x81: {  	_ =	shalt  }
0x82: {  	_ =	shalt  }
0x83: {  	_ =	shalt  }
0x84: {  	_ =	shalt  }
0x85: {  	_ =	shalt  }
0x86: {  	_ =	shalt  }
0x87: {  	_ =	shalt  }
.Lfunc_end0:
.L_simem_size_0:
called_computation.1_lowered:
.L_overlay_start_0:
0x88: {  	s2 =	sld [smem:$0x3FD9]  }
0x89: {  	s3 =	sld [smem:$0x3FFE];
	_ =	sdelay $0x1  }
0x8a: {  	s1 =	srdreg.scid  }
0x8b: {  	s0 =	sand.u32 $0x1, s1  }
0x8c: {  	s16 =	sshll.u32 s0, $0xA;
	s2 =	sadd.s32 s3, s2  }
0x8d: {  	s2 =	sadd.s32 s2, s16  }
0x8e: {  	[smem:$0x3FC0] =	sst s2  }
0x8f: {  	_ = 	snop  }
0x90: {  	(tm) =	ssettm $0x1  }
0x91: {  	s17 =	sld [smem:$0x3FFB];
	_ =	sdelay $0x3  }
0x92: {  	_ =	strace s17  }
0x93: {  	s2 =	sld [smem:$0x3FFC];
	_ =	sdelay $0x3  }
0x94: {  	_ =	strace s2  }
0x95: {  	s2 =	sld [smem:$0x3FFD];
	_ =	sdelay $0x3  }
0x96: {  	_ =	strace s2  }
0x97: {  	_ =	strace $0x8FFFFFFF  }
0x98: {  	s18 =	sld [smem:$0x3FDB];
	_ =	sdelay $0x1  }
0x99: {  	s19 =	simm.s32 $_scs_section_size  }
0x9a: {  	s4 =	simm.s32 $_size__tile_overlayer_lowered;
	s5 =	simm.s32 $_tile_overlayer_lowered  }
0x9b: {  	s22 =	simm.s32 $0x1BFF;
	s21 =	sshll.u32 s5, $0x1;
	s2 =	sadd.s32 s19, s18  }
0x9c: {  	s6 =	simm.s32 $0x0;
	s20 =	sshll.u32 s4, $0x1;
	s4 =	sadd.s32 s21, s2  }
0x9d: {  	[timem:s6], [sflag:s22] =	dma.local [hbm:s4], s20  }
0x9e: {  	_ =	swait.ge [sflag:s22], s20  }
0x9f: {  	s3 =	ssub.s32 $0x0, s20;
	[sflag:s22] =	ssyncset.done $0x0  }
0xa0: {  	[sflag:s22] =	ssyncadd.s32 s3;
	_ =	sdelay $0x1  }
0xa1: {  	s23 =	simm.s32 $0x1B8B  }
0xa2: {  	_ =	swait.ge [sflag:s23], $0x1  }
0xa3: {  	[sflag:s23] =	ssyncset.done $0x0  }
0xa4: {  	s25 =	simm.s32 $0x1B8E;
	s24 =	sld [smem:$0x3FFE];
	[sflag:s23] =	ssyncadd.s32 $0xFFFFFFFF  }
0xa5: {  	s26 =	simm.s32 $execute0_lowered;
	[smem:$0x3FD2] =	sst s25  }
0xa6: {  	s4 =	sshll.u32 s26, $0x1;
	_ =	strace $0x80000046;
	[dreg:$0x1] =	wrdreg $0xFFFFFFFF  }
0xa7: {  	s28 =	simm.s32 $_size_execute0_lowered;
	s2 =	sadd.s32 s2, s4;
	[dreg:$0x0] =	wrdreg $0x0  }
0xa8: {  	s4 =	sshll.u32 s28, $0x1;
	[dreg:$0x2] =	wrdreg s2  }
0xa9: {  	[dreg:$0x3] =	wrdreg s4  }
0xaa: {  	[dreg:$0x4] =	wrdreg $0xC0  }
0xab: {  	_ =	task [dreg:s6], $0x5FFFF  }
0xac: {  	[dreg:$0x1] =	wrdreg $0xFFFFFFFF  }
0xad: {  	[dreg:$0x0] =	wrdreg $0x60  }
0xae: {  	[dreg:$0x2] =	wrdreg s24  }
0xaf: {  	[dreg:$0x3] =	wrdreg $0xA8000  }
0xb0: {  	[dreg:$0x4] =	wrdreg $0xA  }
0xb1: {  	_ =	task.clear_ibuf [dreg:s6], $0x5FFFF;
	_ =	strace $0x90000046  }
0xb2: {  	s29 =	simm.s32 $0xA;
	_ =	strace $0x80000048  }
0xb3: {  	_ =	swait.ge [sflag:s29], $0x1  }
0xb4: {  	[sflag:s29] =	ssyncadd.s32 $0xFFFFFFFF  }
0xb5: {  	_ =	strace $0x90000048  }
0xb6: {  	_ =	sfence  }
0xb7: {  	s30 =	sld [smem:$0x0];
	_ =	sdelay $0x2  }
0xb8: {  	s31 =	sshll.u32 s1, $0xD;
	s1 =	sshrl.u32 s1, $0x2  }
0xb9: {  	s3 =	sand.u32 $0x4000, s31;
	s1 =	sadd.s32 s1, s30  }
0xba: {  	s0 =	sor.u32 s3, s0;
	s1 =	sshll.u32 s1, $0x11  }
0xbb: {  	s0 =	sor.u32 s1, s0  }
0xbc: {  	s0 =	sadd.s32 $0x8F2B, s0  }
0xbd: {  	[sflag:s0] =	ssyncadd.remote.s32 $0x1  }
0xbe: {  	_ =	sfence.sel $0xFFFF  }
0xbf: {  	[dreg:$0x0] =	wrdreg $0xFFFFFFFF;
	(pc) =	sbr.abs _section_cstart, $3  }
0xc0: {  	[dreg:$0x1] =	wrdreg $0xFFFFFFFF  }
0xc1: {  	_ =	task.clear_ibuf [dreg:s6], $0x2FFFF;
	_ =	strace $0x9FFFFFFF  }
0xc2: {  	(tm) =	ssettm $0x7FFFFFFF  }
0xc3: {  	_ =	shalt  }
tec
execute0_lowered:
.L_overlay_start_1:
0x0: {  	(tag) =	ssettag $0x1  }
0x1: {  	s0 =	rddreg [dreg:$0x0]  }
0x2: {  	s1 =	rddreg [dreg:$0x1];
	s2 =	simm.s32 $0x0;
	s3 =	srdreg.scid  }
0x3: {  	s18 =	stileid.u32;
	s28 =	simm.s32 $0x6800;
	s29 =	simm.s32 $0x1  }
0x4: {  	s30 =	simm.s32 $0x3;
	s31 =	simm.s32 $0x2;
	[smem:$0x7FF] =	sst s2  }
0x5: {  	s3 =	sand.u32 $0x1, s3;
	s6 =	sadd.s32 $0x51400, s0;
	s7 =	sadd.s32 $0x56400, s0  }
0x6: {  	s8 =	sshll.u32 s18, $0xB;
	s17 =	sshll.u32 s18, $0xE;
	s19 =	sor.u32 $0x10, s18  }
0x7: {  	s21 =	sor.u32 $0x20, s18;
	s22 =	sor.u32 $0x30, s18;
	s23 =	sor.u32 $0x40, s18  }
0x8: {  	p0 =	seq.s32 s18, $0xF;
	_ =	strace $0x80000047;
	s4 =	smul.u32 $0x27800, s3  }
0x9: {  	s3 =	ssub.s32 $0x2, s3;
	[dreg:$0x4] =	wrdreg s8;
	s9 =	sadd.s32 s17, s1  }
0xa: {  	s20 =	sshll.u32 s19, $0xE;
	s10 =	sshll.u32 s19, $0xB;
	s12 =	sshll.u32 s21, $0xB  }
0xb: {  	s14 =	sshll.u32 s22, $0xB;
	s24 =	sshll.u32 s23, $0xE;
	s5 =	sshrl.u32 s3, $0x1  }
0xc: {  	s11 =	sadd.s32 s20, s1;
	s20 =	smul.u32 $0x500, s18;
	s17 =	sadd.s32 s24, s1  }
0xd: {  	s24 =	simm.s32 $0x5;
	s0 =	sadd.s32 s4, s0;
	s3 =	ssub.s32 s3, s5  }
0xe: {  	s4 =	sadd.s32 $0x2400, s0;
	s5 =	sadd.s32 $0x5B400, s0;
	s16 =	smax.u32 s3, $0x1  }
0xf: {  	s0 =	sshll.u32 s21, $0xE;
	s3 =	sshll.u32 s22, $0xE;
	s25 =	sadd.s32 s6, s20  }
0x10: {  	s19 =	sadd.s32 s7, s20;
	s26 =	sadd.s32 $0x280, s20;
	s22 =	simm.s32 $0x2800  }
0x11: {  	[dreg:$0x3] =	wrdreg s16;
	s8 =	sadd.s32 s8, s4;
	s13 =	sadd.s32 s0, s1  }
0x12: {  	s15 =	sadd.s32 s3, s1;
	s16 =	sshll.u32 s23, $0xB;
	[dreg:$0x6] =	wrdreg s25  }
0x13: {  	s20 =	sadd.s32 s6, s26;
	s21 =	sadd.s32 s7, s26;
	s23 =	simm.s32 $0x6  }
0x14: {  	s25 =	simm.s32 $0x1400;
	s26 =	simm.s32 $0x80;
	s0 =	simm.s32 $0x4  }
0x15: {  	s3 =	simm.s32 $0x2780;
	s6 =	simm.s32 $0x0;
	[dreg:$0x5] =	wrdreg s8  }
.LBB2_1:
0x16: {  	s7 =	rddreg [dreg:$0x5]  }
0x17: {  	[tilespmem:s22], [sflag:$0x6] =	stream.linear.gather [hbm4b:s7+s2], $0x4000, $0x38;
	[tilespmem:$0x1E400] =	vst v63  }
0x18: {  	_ =	swait.ge [sflag:s23], $0x4000  }
0x19: {  	[sflag:s23] =	ssyncset.done $0x0  }
0x1a: {  	[sflag:s23] =	ssyncadd.s32 $0xFFFFC000  }
0x1b: {  	[spmem:s9] =	stream.linear.scatter [tilespmem:s22], [sflag:$0x5], $0x4000, $0x38;
	[tilespmem:$0x1E400] =	vst v63  }
0x1c: {  	_ =	swait.ge [sflag:s24], $0x4000  }
0x1d: {  	[sflag:s24] =	ssyncset.done $0x0  }
0x1e: {  	s18 =	sadd.s32 s10, s4;
	[sflag:s24] =	ssyncadd.s32 $0xFFFFC000  }
0x1f: {  	[tilespmem:s22], [sflag:$0x6] =	stream.linear.gather [hbm4b:s18+s2], $0x4000, $0x38;
	[tilespmem:$0x1E400] =	vst v63  }
0x20: {  	_ =	swait.ge [sflag:s23], $0x4000  }
0x21: {  	[sflag:s23] =	ssyncset.done $0x0  }
0x22: {  	[sflag:s23] =	ssyncadd.s32 $0xFFFFC000  }
0x23: {  	[spmem:s11] =	stream.linear.scatter [tilespmem:s22], [sflag:$0x5], $0x4000, $0x38;
	[tilespmem:$0x1E400] =	vst v63  }
0x24: {  	_ =	swait.ge [sflag:s24], $0x4000  }
0x25: {  	[sflag:s24] =	ssyncset.done $0x0  }
0x26: {  	s8 =	sadd.s32 s12, s4;
	[sflag:s24] =	ssyncadd.s32 $0xFFFFC000  }
0x27: {  	[tilespmem:s22], [sflag:$0x6] =	stream.linear.gather [hbm4b:s8+s2], $0x4000, $0x38;
	[tilespmem:$0x1E400] =	vst v63  }
0x28: {  	_ =	swait.ge [sflag:s23], $0x4000  }
0x29: {  	[sflag:s23] =	ssyncset.done $0x0  }
0x2a: {  	[sflag:s23] =	ssyncadd.s32 $0xFFFFC000  }
0x2b: {  	[spmem:s13] =	stream.linear.scatter [tilespmem:s22], [sflag:$0x5], $0x4000, $0x38;
	[tilespmem:$0x1E400] =	vst v63  }
0x2c: {  	_ =	swait.ge [sflag:s24], $0x4000  }
0x2d: {  	[sflag:s24] =	ssyncset.done $0x0  }
0x2e: {  	s18 =	sadd.s32 s14, s4;
	[sflag:s24] =	ssyncadd.s32 $0xFFFFC000  }
0x2f: {  	[tilespmem:s22], [sflag:$0x6] =	stream.linear.gather [hbm4b:s18+s2], $0x4000, $0x38;
	[tilespmem:$0x1E400] =	vst v63  }
0x30: {  	_ =	swait.ge [sflag:s23], $0x4000  }
0x31: {  	[sflag:s23] =	ssyncset.done $0x0  }
0x32: {  	[sflag:s23] =	ssyncadd.s32 $0xFFFFC000  }
0x33: {  	[spmem:s15] =	stream.linear.scatter [tilespmem:s22], [sflag:$0x5], $0x4000, $0x38;
	[tilespmem:$0x1E400] =	vst v63  }
0x34: {  	_ =	swait.ge [sflag:s24], $0x4000  }
0x35: {  	s7 =	sadd.s32 @!p0 s16, s4;
	[sflag:s24] =	ssyncset.done $0x0  }
0x36: {  	s8 =	simm.s32 @!p0 $0x0;
	s18 =	simm.s32 @!p0 $0x2800;
	[sflag:s24] =	ssyncadd.s32 $0xFFFFC000  }
0x37: {  	[tilespmem:s18], [sflag:$0x6] =	stream.linear.gather @!p0 [hbm4b:s7+s8], $0x4000, $0x38;
	[tilespmem:$0x1E400] =	vst v63  }
0x38: {  	s7 =	simm.s32 @!p0 $0x6  }
0x39: {  	_ =	swait.ge @!p0 [sflag:s7], $0x4000  }
0x3a: {  	[sflag:s7] =	ssyncset.done @!p0 $0x0  }
0x3b: {  	[sflag:s7] =	ssyncadd.s32 @!p0 $0xFFFFC000;
	s7 =	simm.s32 @!p0 $0x5  }
0x3c: {  	[spmem:s17] =	stream.linear.scatter @!p0 [tilespmem:s18], [sflag:$0x5], $0x4000, $0x38;
	[tilespmem:$0x1E400] =	vst v63  }
0x3d: {  	_ =	swait.ge @!p0 [sflag:s7], $0x4000  }
0x3e: {  	[sflag:s7] =	ssyncset.done @!p0 $0x0  }
0x3f: {  	[sflag:s7] =	ssyncadd.s32 @!p0 $0xFFFFC000  }
0x40: {  	[bflag:$0x0] =	sbarrier.arrive $0xFFFF  }
0x41: {  	s8 =	rddreg [dreg:$0x6]  }
0x42: {  	[tilespmem:s2], [sflag:$0x5] =	stream.linear.gather [hbm4b:s8+s2], $0x1400, $0x38;
	[tilespmem:$0x1E400] =	vst v63  }
0x43: {  	_ =	swait.ge [sflag:s24], $0x1400  }
0x44: {  	[sflag:s24] =	ssyncset.done $0x0  }
0x45: {  	[sflag:s24] =	ssyncadd.s32 $0xFFFFEC00  }
0x46: {  	[tilespmem:s25], [sflag:$0x5] =	stream.linear.gather [hbm4b:s19+s2], $0x1400, $0x38;
	[tilespmem:$0x1E400] =	vst v63  }
0x47: {  	_ =	swait.ge [sflag:s24], $0x1400  }
0x48: {  	[sflag:s24] =	ssyncset.done $0x0  }
0x49: {  	[sflag:s24] =	ssyncadd.s32 $0xFFFFEC00  }
0x4a: {  	[tilespmem:s22], [sflag:$0x1] =	stream.indirect.gather [hbm4b:s4+s26], $0x80, s2, s26, $0xb8;
	[tilespmem:$0x1E400] =	vst v63  }
0x4b: {  	_ = 	snop  }
0x4c: {  	[tilespmem:s28], [sflag:$0x2] =	stream.indirect.gather [hbm4b:s4+s26], $0x80, s26, s26, $0xb8;
	[tilespmem:$0x1E400] =	vst v63  }
0x4d: {  	_ =	swait.ge [sflag:s29], $0x4000  }
0x4e: {  	[sflag:s29] =	ssyncset.done $0x0  }
0x4f: {  	[sflag:s29] =	ssyncadd.s32 $0xFFFFC000  }
0x50: {  	[spmem:s1] =	stream.indirect.scatter.add.f32 [tilespmem:s22], [sflag:$0x3], $0x80, s25, s26, $0xb8;
	[tilespmem:$0x1E400] =	vst v63  }
0x51: {  	_ =	swait.ge [sflag:s30], $0x4000  }
0x52: {  	[sflag:s30] =	ssyncset.done $0x0  }
0x53: {  	s18 =	simm.s32 $0x100;
	[sflag:s30] =	ssyncadd.s32 $0xFFFFC000  }
0x54: {  	[tilespmem:s22], [sflag:$0x1] =	stream.indirect.gather [hbm4b:s4+s26], $0x80, s18, s26, $0xb8;
	[tilespmem:$0x1E400] =	vst v63  }
0x55: {  	_ =	swait.ge [sflag:s31], $0x4000  }
0x56: {  	[sflag:s31] =	ssyncset.done $0x0  }
0x57: {  	s8 =	simm.s32 $0x1480;
	[sflag:s31] =	ssyncadd.s32 $0xFFFFC000  }
0x58: {  	[spmem:s1] =	stream.indirect.scatter.add.f32 [tilespmem:s28], [sflag:$0x4], $0x80, s8, s26, $0xb8;
	[tilespmem:$0x1E400] =	vst v63  }
0x59: {  	_ =	swait.ge [sflag:s0], $0x4000  }
0x5a: {  	[sflag:s0] =	ssyncset.done $0x0  }
0x5b: {  	s18 =	simm.s32 $0x180;
	[sflag:s0] =	ssyncadd.s32 $0xFFFFC000  }
0x5c: {  	[tilespmem:s28], [sflag:$0x2] =	stream.indirect.gather [hbm4b:s4+s26], $0x80, s18, s26, $0xb8;
	[tilespmem:$0x1E400] =	vst v63  }
0x5d: {  	_ =	swait.ge [sflag:s29], $0x4000  }
0x5e: {  	[sflag:s29] =	ssyncset.done $0x0  }
0x5f: {  	s7 =	simm.s32 $0x1500;
	s8 =	simm.s32 $0xFFFFB800;
	[sflag:s29] =	ssyncadd.s32 $0xFFFFC000  }
.LBB2_2:
0x60: {  	[spmem:s1] =	stream.indirect.scatter.add.f32 [tilespmem:s22], [sflag:$0x3], $0x80, s7, s26, $0xb8;
	[tilespmem:$0x1E400] =	vst v63  }
0x61: {  	s7 =	smov.u32 s8  }
0x62: {  	p1 =	sne.s32 s8, $0xFFFFFC00;
	s8 =	sadd.s32 $0x400, s8;
	_ =	swait.ge [sflag:s30], $0x4000  }
0x63: {  	s7 =	sshra.s32 s7, $0x2;
	[sflag:s30] =	ssyncset.done $0x0  }
0x64: {  	s18 =	sadd.s32 $0x1400, s7;
	[sflag:s30] =	ssyncadd.s32 $0xFFFFC000  }
0x65: {  	[tilespmem:s22], [sflag:$0x1] =	stream.indirect.gather [hbm4b:s4+s26], $0x80, s18, s26, $0xb8;
	[tilespmem:$0x1E400] =	vst v63  }
0x66: {  	_ =	swait.ge [sflag:s31], $0x4000  }
0x67: {  	[sflag:s31] =	ssyncset.done $0x0  }
0x68: {  	s18 =	sadd.s32 $0x2780, s7;
	[sflag:s31] =	ssyncadd.s32 $0xFFFFC000  }
0x69: {  	[spmem:s1] =	stream.indirect.scatter.add.f32 [tilespmem:s28], [sflag:$0x4], $0x80, s18, s26, $0xb8;
	[tilespmem:$0x1E400] =	vst v63  }
0x6a: {  	_ =	swait.ge [sflag:s0], $0x4000  }
0x6b: {  	[sflag:s0] =	ssyncset.done $0x0  }
.Ltmp0:
0x6c: {  	s18 =	sadd.s32 $0x1480, s7;
	[sflag:s0] =	ssyncadd.s32 $0xFFFFC000;
	(pc) =	sbr.rel @p1 .LBB2_2-.Ltmp0, $4  }
0x6d: {  	[tilespmem:s28], [sflag:$0x2] =	stream.indirect.gather [hbm4b:s4+s26], $0x80, s18, s26, $0xb8;
	[tilespmem:$0x1E400] =	vst v63  }
0x6e: {  	_ =	swait.ge [sflag:s29], $0x4000  }
0x6f: {  	[sflag:s29] =	ssyncset.done $0x0  }
0x70: {  	s7 =	sadd.s32 $0x2800, s7;
	[sflag:s29] =	ssyncadd.s32 $0xFFFFC000  }
0x71: {  	[spmem:s1] =	stream.indirect.scatter.add.f32 [tilespmem:s22], [sflag:$0x3], $0x80, s7, s26, $0xb8;
	[tilespmem:$0x1E400] =	vst v63  }
0x72: {  	_ =	swait.ge [sflag:s31], $0x4000  }
0x73: {  	[sflag:s31] =	ssyncset.done $0x0  }
0x74: {  	[sflag:s31] =	ssyncadd.s32 $0xFFFFC000  }
0x75: {  	[spmem:s1] =	stream.indirect.scatter.add.f32 [tilespmem:s28], [sflag:$0x4], $0x80, s3, s26, $0xb8;
	[tilespmem:$0x1E400] =	vst v63  }
0x76: {  	_ =	swait.ge [sflag:s30], $0x4000  }
0x77: {  	[sflag:s30] =	ssyncset.done $0x0  }
0x78: {  	[sflag:s30] =	ssyncadd.s32 $0xFFFFC000  }
0x79: {  	_ =	swait.ge [sflag:s0], $0x4000  }
0x7a: {  	[sflag:s0] =	ssyncset.done $0x0  }
0x7b: {  	[sflag:s0] =	ssyncadd.s32 $0xFFFFC000  }
0x7c: {  	[tilespmem:s2], [sflag:$0x5] =	stream.linear.gather [hbm4b:s20+s2], $0x1400, $0x38;
	[tilespmem:$0x1E400] =	vst v63  }
0x7d: {  	_ =	swait.ge [sflag:s24], $0x1400  }
0x7e: {  	[sflag:s24] =	ssyncset.done $0x0  }
0x7f: {  	[sflag:s24] =	ssyncadd.s32 $0xFFFFEC00  }
0x80: {  	[tilespmem:s25], [sflag:$0x5] =	stream.linear.gather [hbm4b:s21+s2], $0x1400, $0x38;
	[tilespmem:$0x1E400] =	vst v63  }
0x81: {  	_ =	swait.ge [sflag:s24], $0x1400  }
0x82: {  	[sflag:s24] =	ssyncset.done $0x0  }
0x83: {  	[sflag:s24] =	ssyncadd.s32 $0xFFFFEC00  }
0x84: {  	[tilespmem:s22], [sflag:$0x1] =	stream.indirect.gather [hbm4b:s4+s26], $0x80, s2, s26, $0xb8;
	[tilespmem:$0x1E400] =	vst v63  }
0x85: {  	_ = 	snop  }
0x86: {  	[tilespmem:s28], [sflag:$0x2] =	stream.indirect.gather [hbm4b:s4+s26], $0x80, s26, s26, $0xb8;
	[tilespmem:$0x1E400] =	vst v63  }
0x87: {  	_ =	swait.ge [sflag:s29], $0x4000  }
0x88: {  	[sflag:s29] =	ssyncset.done $0x0  }
0x89: {  	[sflag:s29] =	ssyncadd.s32 $0xFFFFC000  }
0x8a: {  	[spmem:s1] =	stream.indirect.scatter.add.f32 [tilespmem:s22], [sflag:$0x3], $0x80, s25, s26, $0xb8;
	[tilespmem:$0x1E400] =	vst v63  }
0x8b: {  	_ =	swait.ge [sflag:s30], $0x4000  }
0x8c: {  	[sflag:s30] =	ssyncset.done $0x0  }
0x8d: {  	s18 =	simm.s32 $0x100;
	[sflag:s30] =	ssyncadd.s32 $0xFFFFC000  }
0x8e: {  	[tilespmem:s22], [sflag:$0x1] =	stream.indirect.gather [hbm4b:s4+s26], $0x80, s18, s26, $0xb8;
	[tilespmem:$0x1E400] =	vst v63  }
0x8f: {  	_ =	swait.ge [sflag:s31], $0x4000  }
0x90: {  	[sflag:s31] =	ssyncset.done $0x0  }
0x91: {  	s8 =	simm.s32 $0x1480;
	[sflag:s31] =	ssyncadd.s32 $0xFFFFC000  }
0x92: {  	[spmem:s1] =	stream.indirect.scatter.add.f32 [tilespmem:s28], [sflag:$0x4], $0x80, s8, s26, $0xb8;
	[tilespmem:$0x1E400] =	vst v63  }
0x93: {  	_ =	swait.ge [sflag:s0], $0x4000  }
0x94: {  	[sflag:s0] =	ssyncset.done $0x0  }
0x95: {  	s18 =	simm.s32 $0x180;
	[sflag:s0] =	ssyncadd.s32 $0xFFFFC000  }
0x96: {  	[tilespmem:s28], [sflag:$0x2] =	stream.indirect.gather [hbm4b:s4+s26], $0x80, s18, s26, $0xb8;
	[tilespmem:$0x1E400] =	vst v63  }
0x97: {  	_ =	swait.ge [sflag:s29], $0x4000  }
0x98: {  	[sflag:s29] =	ssyncset.done $0x0  }
0x99: {  	s7 =	simm.s32 $0x1500;
	s8 =	simm.s32 $0xFFFFB800;
	[sflag:s29] =	ssyncadd.s32 $0xFFFFC000  }
.LBB2_4:
0x9a: {  	[spmem:s1] =	stream.indirect.scatter.add.f32 [tilespmem:s22], [sflag:$0x3], $0x80, s7, s26, $0xb8;
	[tilespmem:$0x1E400] =	vst v63  }
0x9b: {  	s7 =	smov.u32 s8  }
0x9c: {  	p1 =	sne.s32 s8, $0xFFFFFC00;
	s8 =	sadd.s32 $0x400, s8;
	_ =	swait.ge [sflag:s30], $0x4000  }
0x9d: {  	s7 =	sshra.s32 s7, $0x2;
	[sflag:s30] =	ssyncset.done $0x0  }
0x9e: {  	s18 =	sadd.s32 $0x1400, s7;
	[sflag:s30] =	ssyncadd.s32 $0xFFFFC000  }
0x9f: {  	[tilespmem:s22], [sflag:$0x1] =	stream.indirect.gather [hbm4b:s4+s26], $0x80, s18, s26, $0xb8;
	[tilespmem:$0x1E400] =	vst v63  }
0xa0: {  	_ =	swait.ge [sflag:s31], $0x4000  }
0xa1: {  	[sflag:s31] =	ssyncset.done $0x0  }
0xa2: {  	s18 =	sadd.s32 $0x2780, s7;
	[sflag:s31] =	ssyncadd.s32 $0xFFFFC000  }
0xa3: {  	[spmem:s1] =	stream.indirect.scatter.add.f32 [tilespmem:s28], [sflag:$0x4], $0x80, s18, s26, $0xb8;
	[tilespmem:$0x1E400] =	vst v63  }
0xa4: {  	_ =	swait.ge [sflag:s0], $0x4000  }
0xa5: {  	[sflag:s0] =	ssyncset.done $0x0  }
.Ltmp1:
0xa6: {  	s18 =	sadd.s32 $0x1480, s7;
	[sflag:s0] =	ssyncadd.s32 $0xFFFFC000;
	(pc) =	sbr.rel @p1 .LBB2_4-.Ltmp1, $4  }
0xa7: {  	[tilespmem:s28], [sflag:$0x2] =	stream.indirect.gather [hbm4b:s4+s26], $0x80, s18, s26, $0xb8;
	[tilespmem:$0x1E400] =	vst v63  }
0xa8: {  	_ =	swait.ge [sflag:s29], $0x4000  }
0xa9: {  	[sflag:s29] =	ssyncset.done $0x0  }
0xaa: {  	s7 =	sadd.s32 $0x2800, s7;
	[sflag:s29] =	ssyncadd.s32 $0xFFFFC000  }
0xab: {  	[spmem:s1] =	stream.indirect.scatter.add.f32 [tilespmem:s22], [sflag:$0x3], $0x80, s7, s26, $0xb8;
	[tilespmem:$0x1E400] =	vst v63  }
0xac: {  	_ =	swait.ge [sflag:s31], $0x4000  }
0xad: {  	[sflag:s31] =	ssyncset.done $0x0  }
0xae: {  	[sflag:s31] =	ssyncadd.s32 $0xFFFFC000  }
0xaf: {  	[spmem:s1] =	stream.indirect.scatter.add.f32 [tilespmem:s28], [sflag:$0x4], $0x80, s3, s26, $0xb8;
	[tilespmem:$0x1E400] =	vst v63  }
0xb0: {  	_ =	swait.ge [sflag:s30], $0x4000  }
0xb1: {  	[sflag:s30] =	ssyncset.done $0x0  }
0xb2: {  	[sflag:s30] =	ssyncadd.s32 $0xFFFFC000  }
0xb3: {  	_ =	swait.ge [sflag:s0], $0x4000  }
0xb4: {  	[sflag:s0] =	ssyncset.done $0x0  }
0xb5: {  	[sflag:s0] =	ssyncadd.s32 $0xFFFFC000  }
0xb6: {  	[bflag:$0x0] =	sbarrier.arrive $0xFFFF  }
0xb7: {  	[tilespmem:s22], [sflag:$0x6] =	stream.linear.gather [spmem:s9], $0x4000, $0x38;
	[tilespmem:$0x1E400] =	vst v63  }
0xb8: {  	_ =	swait.ge [sflag:s23], $0x4000  }
0xb9: {  	[sflag:s23] =	ssyncset.done $0x0;
	s18 =	rddreg [dreg:$0x4]  }
0xba: {  	[sflag:s23] =	ssyncadd.s32 $0xFFFFC000;
	s7 =	sadd.s32 s18, s5  }
0xbb: {  	[hbm4b:s7+s2] =	stream.linear.scatter [tilespmem:s22], [sflag:$0x5], $0x4000, $0x38;
	[tilespmem:$0x1E400] =	vst v63  }
0xbc: {  	_ =	swait.ge [sflag:s24], $0x4000  }
0xbd: {  	[sflag:s24] =	ssyncset.done $0x0  }
0xbe: {  	[sflag:s24] =	ssyncadd.s32 $0xFFFFC000  }
0xbf: {  	[tilespmem:s22], [sflag:$0x6] =	stream.linear.gather [spmem:s11], $0x4000, $0x38;
	[tilespmem:$0x1E400] =	vst v63  }
0xc0: {  	_ =	swait.ge [sflag:s23], $0x4000  }
0xc1: {  	[sflag:s23] =	ssyncset.done $0x0  }
0xc2: {  	s8 =	sadd.s32 s10, s5;
	[sflag:s23] =	ssyncadd.s32 $0xFFFFC000  }
0xc3: {  	[hbm4b:s8+s2] =	stream.linear.scatter [tilespmem:s22], [sflag:$0x5], $0x4000, $0x38;
	[tilespmem:$0x1E400] =	vst v63  }
0xc4: {  	_ =	swait.ge [sflag:s24], $0x4000  }
0xc5: {  	[sflag:s24] =	ssyncset.done $0x0  }
0xc6: {  	[sflag:s24] =	ssyncadd.s32 $0xFFFFC000  }
0xc7: {  	[tilespmem:s22], [sflag:$0x6] =	stream.linear.gather [spmem:s13], $0x4000, $0x38;
	[tilespmem:$0x1E400] =	vst v63  }
0xc8: {  	_ =	swait.ge [sflag:s23], $0x4000  }
0xc9: {  	[sflag:s23] =	ssyncset.done $0x0  }
0xca: {  	s18 =	sadd.s32 s12, s5;
	[sflag:s23] =	ssyncadd.s32 $0xFFFFC000  }
0xcb: {  	[hbm4b:s18+s2] =	stream.linear.scatter [tilespmem:s22], [sflag:$0x5], $0x4000, $0x38;
	[tilespmem:$0x1E400] =	vst v63  }
0xcc: {  	_ =	swait.ge [sflag:s24], $0x4000  }
0xcd: {  	[sflag:s24] =	ssyncset.done $0x0  }
0xce: {  	[sflag:s24] =	ssyncadd.s32 $0xFFFFC000  }
0xcf: {  	[tilespmem:s22], [sflag:$0x6] =	stream.linear.gather [spmem:s15], $0x4000, $0x38;
	[tilespmem:$0x1E400] =	vst v63  }
0xd0: {  	_ =	swait.ge [sflag:s23], $0x4000  }
0xd1: {  	[sflag:s23] =	ssyncset.done $0x0  }
0xd2: {  	s8 =	sadd.s32 s14, s5;
	[sflag:s23] =	ssyncadd.s32 $0xFFFFC000  }
0xd3: {  	[hbm4b:s8+s2] =	stream.linear.scatter [tilespmem:s22], [sflag:$0x5], $0x4000, $0x38;
	[tilespmem:$0x1E400] =	vst v63  }
0xd4: {  	_ =	swait.ge [sflag:s24], $0x4000  }
0xd5: {  	[sflag:s24] =	ssyncset.done $0x0  }
0xd6: {  	s7 =	simm.s32 @!p0 $0x2800;
	s8 =	simm.s32 @!p0 $0x6;
	[sflag:s24] =	ssyncadd.s32 $0xFFFFC000  }
0xd7: {  	[tilespmem:s7], [sflag:$0x6] =	stream.linear.gather @!p0 [spmem:s17], $0x4000, $0x38;
	[tilespmem:$0x1E400] =	vst v63  }
0xd8: {  	_ =	swait.ge @!p0 [sflag:s8], $0x4000  }
0xd9: {  	[sflag:s8] =	ssyncset.done @!p0 $0x0  }
0xda: {  	s18 =	simm.s32 @!p0 $0x0;
	[sflag:s8] =	ssyncadd.s32 @!p0 $0xFFFFC000;
	s8 =	sadd.s32 @!p0 s16, s5  }
0xdb: {  	[hbm4b:s8+s18] =	stream.linear.scatter @!p0 [tilespmem:s7], [sflag:$0x5], $0x4000, $0x38;
	[tilespmem:$0x1E400] =	vst v63  }
0xdc: {  	s7 =	simm.s32 @!p0 $0x5  }
0xdd: {  	_ =	swait.ge @!p0 [sflag:s7], $0x4000  }
0xde: {  	s6 =	sadd.s32 $0x1, s6;
	s18 =	rddreg [dreg:$0x3]  }
0xdf: {  	p1 =	sne.s32 s6, s18  }
.Ltmp2:
0xe0: {  	_ = 	snop;
	(pc) =	sbr.rel @p1 .LBB2_1-.Ltmp2, $3  }
0xe1: {  	_ =	sdelay $0x1  }
0xe2: {  	[sflag:s7] =	ssyncset.done @!p0 $0x0  }
0xe3: {  	[sflag:s7] =	ssyncadd.s32 @!p0 $0xFFFFC000  }
0xe4: {  	_ =	sfence.sel $0x180000  }
0xe5: {  	[bflag:$0x0] =	sbarrier.arrive $0xFFFF  }
0xe6: {  	_ =	strace $0x90000047  }
0xe7: {  	s0 =	stileid.u32;
	[bflag:$0x2] =	sbarrier.arrive $0xFFFF  }
0xe8: {  	p0 =	sne.s32 s0, $0x0;
	s0 =	rddreg [dreg:$0x2]  }
0xe9: {  	s0 =	sadd.s32 @!p0 $0x100000, s0  }
0xea: {  	[sflag:s0] =	ssyncadd.tile.s32 @!p0 $0x1;
	_ =	shalt  }
.Lfunc_end2:
_tile_overlayer_lowered:
.L_overlay_start_2:
0xeb: {  	(tag) =	ssettag $0x2  }
0xec: {  	s0 =	rddreg [dreg:$0x0];
	s2 =	stileid.u32  }
0xed: {  	s1 =	rddreg [dreg:$0x1];
	p0 =	sne.s32 s2, $0x0  }
0xee: {  	s3 =	rddreg [dreg:$0x2];
	[bflag:$0x3] =	sbarrier.arrive $0xFFFF;
	s2 =	simm.s32 @!p0 $0x1C05  }
0xef: {  	[timem:s3], [sflag:s2] =	dma.local @!p0 [hbm:s0], s1  }
0xf0: {  	s0 =	simm.s32 @!p0 $0x5  }
0xf1: {  	_ =	swait.ge @!p0 [sflag:s0], s1  }
0xf2: {  	s1 =	ssub.s32 @!p0 $0x0, s1;
	[sflag:s0] =	ssyncset.done @!p0 $0x0  }
0xf3: {  	[sflag:s0] =	ssyncadd.s32 @!p0 s1  }
0xf4: {  	[bflag:$0x3] =	sbarrier.arrive $0xFFFF  }
0xf5: {  	_ =	shalt  }

// kernel: kernel.16.cloned.1.call-start
scs
__scs_entry_jumppad:
0x0: {  	(pc) =	sbr.rel $0x88, $3  }
0x1: {  	(tag) =	ssettag $0x0;
	lr =	simm.s32 $0x1  }
0x2: {  	[smem:$0x3F99] =	sst lr;
	_ =	strace $0xD0000000  }
0x3: {  	_ = 	snop  }
0x4: {  	_ = 	snop  }
0x5: {  	_ = 	snop  }
0x6: {  	_ = 	snop  }
0x7: {  	_ = 	snop  }
__scs_overlays_trampoline_lowered:
0x8: {  	[smem:$0x3FA8] =	sst s0  }
0x9: {  	[smem:$0x3FA9] =	sst s1  }
0xa: {  	[smem:$0x3FAA] =	sst s2  }
0xb: {  	[smem:$0x3FAB] =	sst s3  }
0xc: {  	[smem:$0x3FAC] =	sst s4  }
0xd: {  	[smem:$0x3FAD] =	sst s5  }
0xe: {  	[smem:$0x3FAE] =	sst s6  }
0xf: {  	[smem:$0x3FAF] =	sst s7  }
0x10: {  	[smem:$0x3FB0] =	sst s8  }
0x11: {  	[smem:$0x3FB1] =	sst s9;
	s0 =	simm.s32 @!p0 $0x0  }
0x12: {  	s1 =	sld [smem:$0x3F97];
	s0 =	simm.s32 @p0 $0x1  }
0x13: {  	[smem:$0x3FB2] =	sst s0;
	s0 =	simm.s32 @!p1 $0x0  }
0x14: {  	s2 =	sld [smem:$0x3F96];
	s0 =	simm.s32 @p1 $0x1  }
0x15: {  	[smem:$0x3FB3] =	sst s0;
	s0 =	simm.s32 @!p2 $0x0  }
0x16: {  	s3 =	sld [smem:$0x3FDB];
	s0 =	simm.s32 @p2 $0x1  }
0x17: {  	s4 =	simm.s32 $0x1BF5;
	[smem:$0x3FB5] =	sst s0  }
0x18: {  	s0 =	sld [smem:$0x3F98];
	_ =	swait.ge [sflag:s4], $0x0  }
0x19: {  	s7 =	sld [smem:$0x3F99]  }
0x1a: {  	s8 =	sadd.s32 $0xFFFFE003, lr  }
0x1b: {  	s9 =	sadd.s32 $0xFFFFFEF7, lr;
	s5 =	simm.s32 $0xFFFFFFFF;
	p2 =	slt.u32 s8, $0xFFFFF086  }
0x1c: {  	p1 =	slt.u32 s9, $0xF7A;
	s5 =	simm.s32 @!p2 $0x0  }
0x1d: {  	s5 =	simm.s32 @p1 $0x1;
	p0 =	seq.s32 s7, s2  }
0x1e: {  	s7 =	smul.u32 @!p0 $0xF7A, s2;
	p2 =	seq.s32 @!p0 s5, $0x0  }
0x1f: {  	s9 =	smul.u32 $0xF7A, s1;
	s8 =	simm.s32 @!p0 $0x1BF5;
	p2 =	por !p2, p0  }
0x20: {  	[sflag:s8] =	ssyncset.s32 @!p0 $0xFFFFF086;
	s6 =	sadd.s32 @!p0 s3, s7;
	s7 =	simm.s32 @!p0 $0x108  }
0x21: {  	s3 =	sadd.s32 s3, s9;
	s6 =	sadd.s32 @!p0 $0x88, s6;
	s7 =	simm.s32 @p2 $0x1082  }
0x22: {  	[simem:s7], [sflag:s8] =	dma.local @!p0 [hbm:s6], $0xF7A  }
0x23: {  	s9 =	sor.u32 $0xD0000000, s2;
	s6 =	simm.s32 $0x108;
	_ =	swait.ge @!p0 [sflag:s8], $0x0  }
0x24: {  	s3 =	sadd.s32 $0x88, s3;
	s6 =	simm.s32 @!p1 $0x1082;
	[sflag:s4] =	ssyncset.s32 $0xFFFFF086  }
0x25: {  	[simem:s6], [sflag:s4] =	dma.local [hbm:s3], $0xF7A  }
0x26: {  	[smem:$0x3F99] =	sst s1;
	(tag) =	ssettag s2;
	_ =	strace s9  }
0x27: {  	s1 =	sld [smem:$0x3FA9]  }
0x28: {  	s2 =	sld [smem:$0x3FAA]  }
0x29: {  	s4 =	sld [smem:$0x3FAC]  }
0x2a: {  	p0 =	seq.s32 s5, $0x0;
	s5 =	sld [smem:$0x3FAD]  }
0x2b: {  	s6 =	sld [smem:$0x3FAE]  }
0x2c: {  	s7 =	sld [smem:$0x3FAF]  }
0x2d: {  	s3 =	simm.s32 $0x108;
	s8 =	sld [smem:$0x3FB0]  }
0x2e: {  	s3 =	simm.s32 @!p0 $0x1082;
	s9 =	sld [smem:$0x3FB1]  }
0x2f: {  	lr =	sadd.s32 s0, s3;
	s0 =	sld [smem:$0x3FA8]  }
0x30: {  	s3 =	sld [smem:$0x3FAB]  }
0x31: {  	[smem:$0x3FB4] =	sst s10  }
0x32: {  	s10 =	sld [smem:$0x3FB2];
	_ =	sdelay $0x3  }
0x33: {  	p0 =	seq.s32 s10, $0x1;
	s10 =	sld [smem:$0x3FB4];
	_ =	sdelay $0x3  }
0x34: {  	[smem:$0x3FB4] =	sst s10  }
0x35: {  	s10 =	sld [smem:$0x3FB3];
	_ =	sdelay $0x3  }
0x36: {  	p1 =	seq.s32 s10, $0x1;
	s10 =	sld [smem:$0x3FB4];
	_ =	sdelay $0x3  }
0x37: {  	[smem:$0x3FB4] =	sst s10  }
0x38: {  	s10 =	sld [smem:$0x3FB5]  }
0x39: {  	_ = 	snop;
	(pc) =	sbr.ind lr, $3  }
0x3a: {  	_ = 	snop  }
0x3b: {  	_ = 	snop  }
0x3c: {  	p2 =	seq.s32 s10, $0x1;
	s10 =	sld [smem:$0x3FB4]  }
0x3d: {  	_ =	shalt  }
0x3e: {  	_ =	shalt  }
0x3f: {  	_ =	shalt  }
0x40: {  	_ =	shalt  }
0x41: {  	_ =	shalt  }
0x42: {  	_ =	shalt  }
0x43: {  	_ =	shalt  }
0x44: {  	_ =	shalt  }
0x45: {  	_ =	shalt  }
0x46: {  	_ =	shalt  }
0x47: {  	_ =	shalt  }
0x48: {  	_ =	shalt  }
0x49: {  	_ =	shalt  }
0x4a: {  	_ =	shalt  }
0x4b: {  	_ =	shalt  }
0x4c: {  	_ =	shalt  }
0x4d: {  	_ =	shalt  }
0x4e: {  	_ =	shalt  }
0x4f: {  	_ =	shalt  }
0x50: {  	_ =	shalt  }
0x51: {  	_ =	shalt  }
0x52: {  	_ =	shalt  }
0x53: {  	_ =	shalt  }
0x54: {  	_ =	shalt  }
0x55: {  	_ =	shalt  }
0x56: {  	_ =	shalt  }
0x57: {  	_ =	shalt  }
0x58: {  	_ =	shalt  }
0x59: {  	_ =	shalt  }
0x5a: {  	_ =	shalt  }
0x5b: {  	_ =	shalt  }
0x5c: {  	_ =	shalt  }
0x5d: {  	_ =	shalt  }
0x5e: {  	_ =	shalt  }
0x5f: {  	_ =	shalt  }
0x60: {  	_ =	shalt  }
0x61: {  	_ =	shalt  }
0x62: {  	_ =	shalt  }
0x63: {  	_ =	shalt  }
0x64: {  	_ =	shalt  }
0x65: {  	_ =	shalt  }
0x66: {  	_ =	shalt  }
0x67: {  	_ =	shalt  }
0x68: {  	_ =	shalt  }
0x69: {  	_ =	shalt  }
0x6a: {  	_ =	shalt  }
0x6b: {  	_ =	shalt  }
0x6c: {  	_ =	shalt  }
0x6d: {  	_ =	shalt  }
0x6e: {  	_ =	shalt  }
0x6f: {  	_ =	shalt  }
0x70: {  	_ =	shalt  }
0x71: {  	_ =	shalt  }
0x72: {  	_ =	shalt  }
0x73: {  	_ =	shalt  }
0x74: {  	_ =	shalt  }
0x75: {  	_ =	shalt  }
0x76: {  	_ =	shalt  }
0x77: {  	_ =	shalt  }
0x78: {  	_ =	shalt  }
0x79: {  	_ =	shalt  }
0x7a: {  	_ =	shalt  }
0x7b: {  	_ =	shalt  }
0x7c: {  	_ =	shalt  }
0x7d: {  	_ =	shalt  }
0x7e: {  	_ =	shalt  }
0x7f: {  	_ =	shalt  }
0x80: {  	_ =	shalt  }
0x81: {  	_ =	shalt  }
0x82: {  	_ =	shalt  }
0x83: {  	_ =	shalt  }
0x84: {  	_ =	shalt  }
0x85: {  	_ =	shalt  }
0x86: {  	_ =	shalt  }
0x87: {  	_ =	shalt  }
.Lfunc_end0:
.L_simem_size_0:
called_computation.2_lowered:
.L_overlay_start_0:
0x88: {  	s2 =	sld [smem:$0x3FD9]  }
0x89: {  	s3 =	sld [smem:$0x3FFE];
	_ =	sdelay $0x1  }
0x8a: {  	s1 =	srdreg.scid  }
0x8b: {  	s0 =	sand.u32 $0x1, s1  }
0x8c: {  	s16 =	sshll.u32 s0, $0xA;
	s2 =	sadd.s32 s3, s2  }
0x8d: {  	s2 =	sadd.s32 s2, s16  }
0x8e: {  	[smem:$0x3FC0] =	sst s2  }
0x8f: {  	_ = 	snop  }
0x90: {  	(tm) =	ssettm $0x1  }
0x91: {  	s17 =	sld [smem:$0x3FFB];
	_ =	sdelay $0x3  }
0x92: {  	_ =	strace s17  }
0x93: {  	s2 =	sld [smem:$0x3FFC];
	_ =	sdelay $0x3  }
0x94: {  	_ =	strace s2  }
0x95: {  	s2 =	sld [smem:$0x3FFD];
	_ =	sdelay $0x3  }
0x96: {  	_ =	strace s2  }
0x97: {  	_ =	strace $0x8FFFFFFF  }
0x98: {  	s18 =	sld [smem:$0x3FDB];
	_ =	sdelay $0x1  }
0x99: {  	s19 =	simm.s32 $_scs_section_size  }
0x9a: {  	s4 =	simm.s32 $_size__tile_overlayer_lowered;
	s5 =	simm.s32 $_tile_overlayer_lowered  }
0x9b: {  	s22 =	simm.s32 $0x1BFF;
	s21 =	sshll.u32 s5, $0x1;
	s2 =	sadd.s32 s19, s18  }
0x9c: {  	s6 =	simm.s32 $0x0;
	s20 =	sshll.u32 s4, $0x1;
	s4 =	sadd.s32 s21, s2  }
0x9d: {  	[timem:s6], [sflag:s22] =	dma.local [hbm:s4], s20  }
0x9e: {  	_ =	swait.ge [sflag:s22], s20  }
0x9f: {  	s3 =	ssub.s32 $0x0, s20;
	[sflag:s22] =	ssyncset.done $0x0  }
0xa0: {  	[sflag:s22] =	ssyncadd.s32 s3;
	_ =	sdelay $0x1  }
0xa1: {  	s23 =	simm.s32 $0x1B8B  }
0xa2: {  	_ =	swait.ge [sflag:s23], $0x1  }
0xa3: {  	[sflag:s23] =	ssyncset.done $0x0  }
0xa4: {  	s25 =	simm.s32 $0x1B8E;
	s24 =	sld [smem:$0x3FFE];
	[sflag:s23] =	ssyncadd.s32 $0xFFFFFFFF  }
0xa5: {  	s26 =	simm.s32 $execute0_lowered;
	[smem:$0x3FD2] =	sst s25  }
0xa6: {  	s4 =	sshll.u32 s26, $0x1;
	_ =	strace $0x8000004C;
	[dreg:$0x1] =	wrdreg $0xFFFFFFFF  }
0xa7: {  	s28 =	simm.s32 $_size_execute0_lowered;
	s2 =	sadd.s32 s2, s4;
	[dreg:$0x0] =	wrdreg $0x0  }
0xa8: {  	s4 =	sshll.u32 s28, $0x1;
	[dreg:$0x2] =	wrdreg s2  }
0xa9: {  	[dreg:$0x3] =	wrdreg s4  }
0xaa: {  	[dreg:$0x4] =	wrdreg $0xC0  }
0xab: {  	_ =	task [dreg:s6], $0x5FFFF  }
0xac: {  	[dreg:$0x1] =	wrdreg $0xFFFFFFFF  }
0xad: {  	[dreg:$0x0] =	wrdreg $0x60  }
0xae: {  	[dreg:$0x2] =	wrdreg s24  }
0xaf: {  	[dreg:$0x3] =	wrdreg $0xA8000  }
0xb0: {  	[dreg:$0x4] =	wrdreg $0x9  }
0xb1: {  	_ =	task.clear_ibuf [dreg:s6], $0x5FFFF;
	_ =	strace $0x9000004C  }
0xb2: {  	s29 =	simm.s32 $0x9;
	_ =	strace $0x8000004E  }
0xb3: {  	_ =	swait.ge [sflag:s29], $0x1  }
0xb4: {  	[sflag:s29] =	ssyncadd.s32 $0xFFFFFFFF  }
0xb5: {  	_ =	strace $0x9000004E  }
0xb6: {  	_ =	sfence  }
0xb7: {  	s30 =	sld [smem:$0x0];
	_ =	sdelay $0x2  }
0xb8: {  	s31 =	sshll.u32 s1, $0xD;
	s1 =	sshrl.u32 s1, $0x2  }
0xb9: {  	s3 =	sand.u32 $0x4000, s31;
	s1 =	sadd.s32 s1, s30  }
0xba: {  	s0 =	sor.u32 s3, s0;
	s1 =	sshll.u32 s1, $0x11  }
0xbb: {  	s0 =	sor.u32 s1, s0  }
0xbc: {  	s0 =	sadd.s32 $0x8F2B, s0  }
0xbd: {  	[sflag:s0] =	ssyncadd.remote.s32 $0x1  }
0xbe: {  	_ =	sfence.sel $0xFFFF  }
0xbf: {  	[dreg:$0x0] =	wrdreg $0xFFFFFFFF;
	(pc) =	sbr.abs _section_cstart, $3  }
0xc0: {  	[dreg:$0x1] =	wrdreg $0xFFFFFFFF  }
0xc1: {  	_ =	task.clear_ibuf [dreg:s6], $0x2FFFF;
	_ =	strace $0x9FFFFFFF  }
0xc2: {  	(tm) =	ssettm $0x7FFFFFFF  }
0xc3: {  	_ =	shalt  }
tec
execute0_lowered:
.L_overlay_start_1:
0x0: {  	(tag) =	ssettag $0x1  }
0x1: {  	s0 =	rddreg [dreg:$0x0]  }
0x2: {  	s1 =	rddreg [dreg:$0x1];
	s2 =	simm.s32 $0x0;
	s3 =	srdreg.scid  }
0x3: {  	s18 =	stileid.u32;
	s28 =	simm.s32 $0x6800;
	s29 =	simm.s32 $0x1  }
0x4: {  	s30 =	simm.s32 $0x3;
	s31 =	simm.s32 $0x2;
	[smem:$0x7FF] =	sst s2  }
0x5: {  	s3 =	sand.u32 $0x1, s3;
	s6 =	sadd.s32 $0x51400, s0;
	s7 =	sadd.s32 $0x56400, s0  }
0x6: {  	s8 =	sshll.u32 s18, $0xB;
	s17 =	sshll.u32 s18, $0xE;
	s19 =	sor.u32 $0x10, s18  }
0x7: {  	s21 =	sor.u32 $0x20, s18;
	s22 =	sor.u32 $0x30, s18;
	s23 =	sor.u32 $0x40, s18  }
0x8: {  	p0 =	seq.s32 s18, $0xF;
	_ =	strace $0x8000004D;
	s4 =	smul.u32 $0x27800, s3  }
0x9: {  	s3 =	ssub.s32 $0x2, s3;
	[dreg:$0x4] =	wrdreg s8;
	s9 =	sadd.s32 s17, s1  }
0xa: {  	s20 =	sshll.u32 s19, $0xE;
	s10 =	sshll.u32 s19, $0xB;
	s12 =	sshll.u32 s21, $0xB  }
0xb: {  	s14 =	sshll.u32 s22, $0xB;
	s24 =	sshll.u32 s23, $0xE;
	s5 =	sshrl.u32 s3, $0x1  }
0xc: {  	s11 =	sadd.s32 s20, s1;
	s20 =	smul.u32 $0x500, s18;
	s17 =	sadd.s32 s24, s1  }
0xd: {  	s24 =	simm.s32 $0x5;
	s0 =	sadd.s32 s4, s0;
	s3 =	ssub.s32 s3, s5  }
0xe: {  	s4 =	sadd.s32 $0x2400, s0;
	s5 =	sadd.s32 $0x5B400, s0;
	s16 =	smax.u32 s3, $0x1  }
0xf: {  	s0 =	sshll.u32 s21, $0xE;
	s3 =	sshll.u32 s22, $0xE;
	s25 =	sadd.s32 s6, s20  }
0x10: {  	s19 =	sadd.s32 s7, s20;
	s26 =	sadd.s32 $0x280, s20;
	s22 =	simm.s32 $0x2800  }
0x11: {  	[dreg:$0x3] =	wrdreg s16;
	s8 =	sadd.s32 s8, s4;
	s13 =	sadd.s32 s0, s1  }
0x12: {  	s15 =	sadd.s32 s3, s1;
	s16 =	sshll.u32 s23, $0xB;
	[dreg:$0x6] =	wrdreg s25  }
0x13: {  	s20 =	sadd.s32 s6, s26;
	s21 =	sadd.s32 s7, s26;
	s23 =	simm.s32 $0x6  }
0x14: {  	s25 =	simm.s32 $0x1400;
	s26 =	simm.s32 $0x80;
	s0 =	simm.s32 $0x4  }
0x15: {  	s3 =	simm.s32 $0x2780;
	s6 =	simm.s32 $0x0;
	[dreg:$0x5] =	wrdreg s8  }
.LBB2_1:
0x16: {  	s7 =	rddreg [dreg:$0x5]  }
0x17: {  	[tilespmem:s22], [sflag:$0x6] =	stream.linear.gather [hbm4b:s7+s2], $0x4000, $0x38;
	[tilespmem:$0x1E400] =	vst v63  }
0x18: {  	_ =	swait.ge [sflag:s23], $0x4000  }
0x19: {  	[sflag:s23] =	ssyncset.done $0x0  }
0x1a: {  	[sflag:s23] =	ssyncadd.s32 $0xFFFFC000  }
0x1b: {  	[spmem:s9] =	stream.linear.scatter [tilespmem:s22], [sflag:$0x5], $0x4000, $0x38;
	[tilespmem:$0x1E400] =	vst v63  }
0x1c: {  	_ =	swait.ge [sflag:s24], $0x4000  }
0x1d: {  	[sflag:s24] =	ssyncset.done $0x0  }
0x1e: {  	s18 =	sadd.s32 s10, s4;
	[sflag:s24] =	ssyncadd.s32 $0xFFFFC000  }
0x1f: {  	[tilespmem:s22], [sflag:$0x6] =	stream.linear.gather [hbm4b:s18+s2], $0x4000, $0x38;
	[tilespmem:$0x1E400] =	vst v63  }
0x20: {  	_ =	swait.ge [sflag:s23], $0x4000  }
0x21: {  	[sflag:s23] =	ssyncset.done $0x0  }
0x22: {  	[sflag:s23] =	ssyncadd.s32 $0xFFFFC000  }
0x23: {  	[spmem:s11] =	stream.linear.scatter [tilespmem:s22], [sflag:$0x5], $0x4000, $0x38;
	[tilespmem:$0x1E400] =	vst v63  }
0x24: {  	_ =	swait.ge [sflag:s24], $0x4000  }
0x25: {  	[sflag:s24] =	ssyncset.done $0x0  }
0x26: {  	s8 =	sadd.s32 s12, s4;
	[sflag:s24] =	ssyncadd.s32 $0xFFFFC000  }
0x27: {  	[tilespmem:s22], [sflag:$0x6] =	stream.linear.gather [hbm4b:s8+s2], $0x4000, $0x38;
	[tilespmem:$0x1E400] =	vst v63  }
0x28: {  	_ =	swait.ge [sflag:s23], $0x4000  }
0x29: {  	[sflag:s23] =	ssyncset.done $0x0  }
0x2a: {  	[sflag:s23] =	ssyncadd.s32 $0xFFFFC000  }
0x2b: {  	[spmem:s13] =	stream.linear.scatter [tilespmem:s22], [sflag:$0x5], $0x4000, $0x38;
	[tilespmem:$0x1E400] =	vst v63  }
0x2c: {  	_ =	swait.ge [sflag:s24], $0x4000  }
0x2d: {  	[sflag:s24] =	ssyncset.done $0x0  }
0x2e: {  	s18 =	sadd.s32 s14, s4;
	[sflag:s24] =	ssyncadd.s32 $0xFFFFC000  }
0x2f: {  	[tilespmem:s22], [sflag:$0x6] =	stream.linear.gather [hbm4b:s18+s2], $0x4000, $0x38;
	[tilespmem:$0x1E400] =	vst v63  }
0x30: {  	_ =	swait.ge [sflag:s23], $0x4000  }
0x31: {  	[sflag:s23] =	ssyncset.done $0x0  }
0x32: {  	[sflag:s23] =	ssyncadd.s32 $0xFFFFC000  }
0x33: {  	[spmem:s15] =	stream.linear.scatter [tilespmem:s22], [sflag:$0x5], $0x4000, $0x38;
	[tilespmem:$0x1E400] =	vst v63  }
0x34: {  	_ =	swait.ge [sflag:s24], $0x4000  }
0x35: {  	s7 =	sadd.s32 @!p0 s16, s4;
	[sflag:s24] =	ssyncset.done $0x0  }
0x36: {  	s8 =	simm.s32 @!p0 $0x0;
	s18 =	simm.s32 @!p0 $0x2800;
	[sflag:s24] =	ssyncadd.s32 $0xFFFFC000  }
0x37: {  	[tilespmem:s18], [sflag:$0x6] =	stream.linear.gather @!p0 [hbm4b:s7+s8], $0x4000, $0x38;
	[tilespmem:$0x1E400] =	vst v63  }
0x38: {  	s7 =	simm.s32 @!p0 $0x6  }
0x39: {  	_ =	swait.ge @!p0 [sflag:s7], $0x4000  }
0x3a: {  	[sflag:s7] =	ssyncset.done @!p0 $0x0  }
0x3b: {  	[sflag:s7] =	ssyncadd.s32 @!p0 $0xFFFFC000;
	s7 =	simm.s32 @!p0 $0x5  }
0x3c: {  	[spmem:s17] =	stream.linear.scatter @!p0 [tilespmem:s18], [sflag:$0x5], $0x4000, $0x38;
	[tilespmem:$0x1E400] =	vst v63  }
0x3d: {  	_ =	swait.ge @!p0 [sflag:s7], $0x4000  }
0x3e: {  	[sflag:s7] =	ssyncset.done @!p0 $0x0  }
0x3f: {  	[sflag:s7] =	ssyncadd.s32 @!p0 $0xFFFFC000  }
0x40: {  	[bflag:$0x0] =	sbarrier.arrive $0xFFFF  }
0x41: {  	s8 =	rddreg [dreg:$0x6]  }
0x42: {  	[tilespmem:s2], [sflag:$0x5] =	stream.linear.gather [hbm4b:s8+s2], $0x1400, $0x38;
	[tilespmem:$0x1E400] =	vst v63  }
0x43: {  	_ =	swait.ge [sflag:s24], $0x1400  }
0x44: {  	[sflag:s24] =	ssyncset.done $0x0  }
0x45: {  	[sflag:s24] =	ssyncadd.s32 $0xFFFFEC00  }
0x46: {  	[tilespmem:s25], [sflag:$0x5] =	stream.linear.gather [hbm4b:s19+s2], $0x1400, $0x38;
	[tilespmem:$0x1E400] =	vst v63  }
0x47: {  	_ =	swait.ge [sflag:s24], $0x1400  }
0x48: {  	[sflag:s24] =	ssyncset.done $0x0  }
0x49: {  	[sflag:s24] =	ssyncadd.s32 $0xFFFFEC00  }
0x4a: {  	[tilespmem:s22], [sflag:$0x1] =	stream.indirect.gather [hbm4b:s4+s26], $0x80, s2, s26, $0xb8;
	[tilespmem:$0x1E400] =	vst v63  }
0x4b: {  	_ = 	snop  }
0x4c: {  	[tilespmem:s28], [sflag:$0x2] =	stream.indirect.gather [hbm4b:s4+s26], $0x80, s26, s26, $0xb8;
	[tilespmem:$0x1E400] =	vst v63  }
0x4d: {  	_ =	swait.ge [sflag:s29], $0x4000  }
0x4e: {  	[sflag:s29] =	ssyncset.done $0x0  }
0x4f: {  	[sflag:s29] =	ssyncadd.s32 $0xFFFFC000  }
0x50: {  	[spmem:s1] =	stream.indirect.scatter.add.f32 [tilespmem:s22], [sflag:$0x3], $0x80, s25, s26, $0xb8;
	[tilespmem:$0x1E400] =	vst v63  }
0x51: {  	_ =	swait.ge [sflag:s30], $0x4000  }
0x52: {  	[sflag:s30] =	ssyncset.done $0x0  }
0x53: {  	s18 =	simm.s32 $0x100;
	[sflag:s30] =	ssyncadd.s32 $0xFFFFC000  }
0x54: {  	[tilespmem:s22], [sflag:$0x1] =	stream.indirect.gather [hbm4b:s4+s26], $0x80, s18, s26, $0xb8;
	[tilespmem:$0x1E400] =	vst v63  }
0x55: {  	_ =	swait.ge [sflag:s31], $0x4000  }
0x56: {  	[sflag:s31] =	ssyncset.done $0x0  }
0x57: {  	s8 =	simm.s32 $0x1480;
	[sflag:s31] =	ssyncadd.s32 $0xFFFFC000  }
0x58: {  	[spmem:s1] =	stream.indirect.scatter.add.f32 [tilespmem:s28], [sflag:$0x4], $0x80, s8, s26, $0xb8;
	[tilespmem:$0x1E400] =	vst v63  }
0x59: {  	_ =	swait.ge [sflag:s0], $0x4000  }
0x5a: {  	[sflag:s0] =	ssyncset.done $0x0  }
0x5b: {  	s18 =	simm.s32 $0x180;
	[sflag:s0] =	ssyncadd.s32 $0xFFFFC000  }
0x5c: {  	[tilespmem:s28], [sflag:$0x2] =	stream.indirect.gather [hbm4b:s4+s26], $0x80, s18, s26, $0xb8;
	[tilespmem:$0x1E400] =	vst v63  }
0x5d: {  	_ =	swait.ge [sflag:s29], $0x4000  }
0x5e: {  	[sflag:s29] =	ssyncset.done $0x0  }
0x5f: {  	s7 =	simm.s32 $0x1500;
	s8 =	simm.s32 $0xFFFFB800;
	[sflag:s29] =	ssyncadd.s32 $0xFFFFC000  }
.LBB2_2:
0x60: {  	[spmem:s1] =	stream.indirect.scatter.add.f32 [tilespmem:s22], [sflag:$0x3], $0x80, s7, s26, $0xb8;
	[tilespmem:$0x1E400] =	vst v63  }
0x61: {  	s7 =	smov.u32 s8  }
0x62: {  	p1 =	sne.s32 s8, $0xFFFFFC00;
	s8 =	sadd.s32 $0x400, s8;
	_ =	swait.ge [sflag:s30], $0x4000  }
0x63: {  	s7 =	sshra.s32 s7, $0x2;
	[sflag:s30] =	ssyncset.done $0x0  }
0x64: {  	s18 =	sadd.s32 $0x1400, s7;
	[sflag:s30] =	ssyncadd.s32 $0xFFFFC000  }
0x65: {  	[tilespmem:s22], [sflag:$0x1] =	stream.indirect.gather [hbm4b:s4+s26], $0x80, s18, s26, $0xb8;
	[tilespmem:$0x1E400] =	vst v63  }
0x66: {  	_ =	swait.ge [sflag:s31], $0x4000  }
0x67: {  	[sflag:s31] =	ssyncset.done $0x0  }
0x68: {  	s18 =	sadd.s32 $0x2780, s7;
	[sflag:s31] =	ssyncadd.s32 $0xFFFFC000  }
0x69: {  	[spmem:s1] =	stream.indirect.scatter.add.f32 [tilespmem:s28], [sflag:$0x4], $0x80, s18, s26, $0xb8;
	[tilespmem:$0x1E400] =	vst v63  }
0x6a: {  	_ =	swait.ge [sflag:s0], $0x4000  }
0x6b: {  	[sflag:s0] =	ssyncset.done $0x0  }
.Ltmp0:
0x6c: {  	s18 =	sadd.s32 $0x1480, s7;
	[sflag:s0] =	ssyncadd.s32 $0xFFFFC000;
	(pc) =	sbr.rel @p1 .LBB2_2-.Ltmp0, $4  }
0x6d: {  	[tilespmem:s28], [sflag:$0x2] =	stream.indirect.gather [hbm4b:s4+s26], $0x80, s18, s26, $0xb8;
	[tilespmem:$0x1E400] =	vst v63  }
0x6e: {  	_ =	swait.ge [sflag:s29], $0x4000  }
0x6f: {  	[sflag:s29] =	ssyncset.done $0x0  }
0x70: {  	s7 =	sadd.s32 $0x2800, s7;
	[sflag:s29] =	ssyncadd.s32 $0xFFFFC000  }
0x71: {  	[spmem:s1] =	stream.indirect.scatter.add.f32 [tilespmem:s22], [sflag:$0x3], $0x80, s7, s26, $0xb8;
	[tilespmem:$0x1E400] =	vst v63  }
0x72: {  	_ =	swait.ge [sflag:s31], $0x4000  }
0x73: {  	[sflag:s31] =	ssyncset.done $0x0  }
0x74: {  	[sflag:s31] =	ssyncadd.s32 $0xFFFFC000  }
0x75: {  	[spmem:s1] =	stream.indirect.scatter.add.f32 [tilespmem:s28], [sflag:$0x4], $0x80, s3, s26, $0xb8;
	[tilespmem:$0x1E400] =	vst v63  }
0x76: {  	_ =	swait.ge [sflag:s30], $0x4000  }
0x77: {  	[sflag:s30] =	ssyncset.done $0x0  }
0x78: {  	[sflag:s30] =	ssyncadd.s32 $0xFFFFC000  }
0x79: {  	_ =	swait.ge [sflag:s0], $0x4000  }
0x7a: {  	[sflag:s0] =	ssyncset.done $0x0  }
0x7b: {  	[sflag:s0] =	ssyncadd.s32 $0xFFFFC000  }
0x7c: {  	[tilespmem:s2], [sflag:$0x5] =	stream.linear.gather [hbm4b:s20+s2], $0x1400, $0x38;
	[tilespmem:$0x1E400] =	vst v63  }
0x7d: {  	_ =	swait.ge [sflag:s24], $0x1400  }
0x7e: {  	[sflag:s24] =	ssyncset.done $0x0  }
0x7f: {  	[sflag:s24] =	ssyncadd.s32 $0xFFFFEC00  }
0x80: {  	[tilespmem:s25], [sflag:$0x5] =	stream.linear.gather [hbm4b:s21+s2], $0x1400, $0x38;
	[tilespmem:$0x1E400] =	vst v63  }
0x81: {  	_ =	swait.ge [sflag:s24], $0x1400  }
0x82: {  	[sflag:s24] =	ssyncset.done $0x0  }
0x83: {  	[sflag:s24] =	ssyncadd.s32 $0xFFFFEC00  }
0x84: {  	[tilespmem:s22], [sflag:$0x1] =	stream.indirect.gather [hbm4b:s4+s26], $0x80, s2, s26, $0xb8;
	[tilespmem:$0x1E400] =	vst v63  }
0x85: {  	_ = 	snop  }
0x86: {  	[tilespmem:s28], [sflag:$0x2] =	stream.indirect.gather [hbm4b:s4+s26], $0x80, s26, s26, $0xb8;
	[tilespmem:$0x1E400] =	vst v63  }
0x87: {  	_ =	swait.ge [sflag:s29], $0x4000  }
0x88: {  	[sflag:s29] =	ssyncset.done $0x0  }
0x89: {  	[sflag:s29] =	ssyncadd.s32 $0xFFFFC000  }
0x8a: {  	[spmem:s1] =	stream.indirect.scatter.add.f32 [tilespmem:s22], [sflag:$0x3], $0x80, s25, s26, $0xb8;
	[tilespmem:$0x1E400] =	vst v63  }
0x8b: {  	_ =	swait.ge [sflag:s30], $0x4000  }
0x8c: {  	[sflag:s30] =	ssyncset.done $0x0  }
0x8d: {  	s18 =	simm.s32 $0x100;
	[sflag:s30] =	ssyncadd.s32 $0xFFFFC000  }
0x8e: {  	[tilespmem:s22], [sflag:$0x1] =	stream.indirect.gather [hbm4b:s4+s26], $0x80, s18, s26, $0xb8;
	[tilespmem:$0x1E400] =	vst v63  }
0x8f: {  	_ =	swait.ge [sflag:s31], $0x4000  }
0x90: {  	[sflag:s31] =	ssyncset.done $0x0  }
0x91: {  	s8 =	simm.s32 $0x1480;
	[sflag:s31] =	ssyncadd.s32 $0xFFFFC000  }
0x92: {  	[spmem:s1] =	stream.indirect.scatter.add.f32 [tilespmem:s28], [sflag:$0x4], $0x80, s8, s26, $0xb8;
	[tilespmem:$0x1E400] =	vst v63  }
0x93: {  	_ =	swait.ge [sflag:s0], $0x4000  }
0x94: {  	[sflag:s0] =	ssyncset.done $0x0  }
0x95: {  	s18 =	simm.s32 $0x180;
	[sflag:s0] =	ssyncadd.s32 $0xFFFFC000  }
0x96: {  	[tilespmem:s28], [sflag:$0x2] =	stream.indirect.gather [hbm4b:s4+s26], $0x80, s18, s26, $0xb8;
	[tilespmem:$0x1E400] =	vst v63  }
0x97: {  	_ =	swait.ge [sflag:s29], $0x4000  }
0x98: {  	[sflag:s29] =	ssyncset.done $0x0  }
0x99: {  	s7 =	simm.s32 $0x1500;
	s8 =	simm.s32 $0xFFFFB800;
	[sflag:s29] =	ssyncadd.s32 $0xFFFFC000  }
.LBB2_4:
0x9a: {  	[spmem:s1] =	stream.indirect.scatter.add.f32 [tilespmem:s22], [sflag:$0x3], $0x80, s7, s26, $0xb8;
	[tilespmem:$0x1E400] =	vst v63  }
0x9b: {  	s7 =	smov.u32 s8  }
0x9c: {  	p1 =	sne.s32 s8, $0xFFFFFC00;
	s8 =	sadd.s32 $0x400, s8;
	_ =	swait.ge [sflag:s30], $0x4000  }
0x9d: {  	s7 =	sshra.s32 s7, $0x2;
	[sflag:s30] =	ssyncset.done $0x0  }
0x9e: {  	s18 =	sadd.s32 $0x1400, s7;
	[sflag:s30] =	ssyncadd.s32 $0xFFFFC000  }
0x9f: {  	[tilespmem:s22], [sflag:$0x1] =	stream.indirect.gather [hbm4b:s4+s26], $0x80, s18, s26, $0xb8;
	[tilespmem:$0x1E400] =	vst v63  }
0xa0: {  	_ =	swait.ge [sflag:s31], $0x4000  }
0xa1: {  	[sflag:s31] =	ssyncset.done $0x0  }
0xa2: {  	s18 =	sadd.s32 $0x2780, s7;
	[sflag:s31] =	ssyncadd.s32 $0xFFFFC000  }
0xa3: {  	[spmem:s1] =	stream.indirect.scatter.add.f32 [tilespmem:s28], [sflag:$0x4], $0x80, s18, s26, $0xb8;
	[tilespmem:$0x1E400] =	vst v63  }
0xa4: {  	_ =	swait.ge [sflag:s0], $0x4000  }
0xa5: {  	[sflag:s0] =	ssyncset.done $0x0  }
.Ltmp1:
0xa6: {  	s18 =	sadd.s32 $0x1480, s7;
	[sflag:s0] =	ssyncadd.s32 $0xFFFFC000;
	(pc) =	sbr.rel @p1 .LBB2_4-.Ltmp1, $4  }
0xa7: {  	[tilespmem:s28], [sflag:$0x2] =	stream.indirect.gather [hbm4b:s4+s26], $0x80, s18, s26, $0xb8;
	[tilespmem:$0x1E400] =	vst v63  }
0xa8: {  	_ =	swait.ge [sflag:s29], $0x4000  }
0xa9: {  	[sflag:s29] =	ssyncset.done $0x0  }
0xaa: {  	s7 =	sadd.s32 $0x2800, s7;
	[sflag:s29] =	ssyncadd.s32 $0xFFFFC000  }
0xab: {  	[spmem:s1] =	stream.indirect.scatter.add.f32 [tilespmem:s22], [sflag:$0x3], $0x80, s7, s26, $0xb8;
	[tilespmem:$0x1E400] =	vst v63  }
0xac: {  	_ =	swait.ge [sflag:s31], $0x4000  }
0xad: {  	[sflag:s31] =	ssyncset.done $0x0  }
0xae: {  	[sflag:s31] =	ssyncadd.s32 $0xFFFFC000  }
0xaf: {  	[spmem:s1] =	stream.indirect.scatter.add.f32 [tilespmem:s28], [sflag:$0x4], $0x80, s3, s26, $0xb8;
	[tilespmem:$0x1E400] =	vst v63  }
0xb0: {  	_ =	swait.ge [sflag:s30], $0x4000  }
0xb1: {  	[sflag:s30] =	ssyncset.done $0x0  }
0xb2: {  	[sflag:s30] =	ssyncadd.s32 $0xFFFFC000  }
0xb3: {  	_ =	swait.ge [sflag:s0], $0x4000  }
0xb4: {  	[sflag:s0] =	ssyncset.done $0x0  }
0xb5: {  	[sflag:s0] =	ssyncadd.s32 $0xFFFFC000  }
0xb6: {  	[bflag:$0x0] =	sbarrier.arrive $0xFFFF  }
0xb7: {  	[tilespmem:s22], [sflag:$0x6] =	stream.linear.gather [spmem:s9], $0x4000, $0x38;
	[tilespmem:$0x1E400] =	vst v63  }
0xb8: {  	_ =	swait.ge [sflag:s23], $0x4000  }
0xb9: {  	[sflag:s23] =	ssyncset.done $0x0;
	s18 =	rddreg [dreg:$0x4]  }
0xba: {  	[sflag:s23] =	ssyncadd.s32 $0xFFFFC000;
	s7 =	sadd.s32 s18, s5  }
0xbb: {  	[hbm4b:s7+s2] =	stream.linear.scatter [tilespmem:s22], [sflag:$0x5], $0x4000, $0x38;
	[tilespmem:$0x1E400] =	vst v63  }
0xbc: {  	_ =	swait.ge [sflag:s24], $0x4000  }
0xbd: {  	[sflag:s24] =	ssyncset.done $0x0  }
0xbe: {  	[sflag:s24] =	ssyncadd.s32 $0xFFFFC000  }
0xbf: {  	[tilespmem:s22], [sflag:$0x6] =	stream.linear.gather [spmem:s11], $0x4000, $0x38;
	[tilespmem:$0x1E400] =	vst v63  }
0xc0: {  	_ =	swait.ge [sflag:s23], $0x4000  }
0xc1: {  	[sflag:s23] =	ssyncset.done $0x0  }
0xc2: {  	s8 =	sadd.s32 s10, s5;
	[sflag:s23] =	ssyncadd.s32 $0xFFFFC000  }
0xc3: {  	[hbm4b:s8+s2] =	stream.linear.scatter [tilespmem:s22], [sflag:$0x5], $0x4000, $0x38;
	[tilespmem:$0x1E400] =	vst v63  }
0xc4: {  	_ =	swait.ge [sflag:s24], $0x4000  }
0xc5: {  	[sflag:s24] =	ssyncset.done $0x0  }
0xc6: {  	[sflag:s24] =	ssyncadd.s32 $0xFFFFC000  }
0xc7: {  	[tilespmem:s22], [sflag:$0x6] =	stream.linear.gather [spmem:s13], $0x4000, $0x38;
	[tilespmem:$0x1E400] =	vst v63  }
0xc8: {  	_ =	swait.ge [sflag:s23], $0x4000  }
0xc9: {  	[sflag:s23] =	ssyncset.done $0x0  }
0xca: {  	s18 =	sadd.s32 s12, s5;
	[sflag:s23] =	ssyncadd.s32 $0xFFFFC000  }
0xcb: {  	[hbm4b:s18+s2] =	stream.linear.scatter [tilespmem:s22], [sflag:$0x5], $0x4000, $0x38;
	[tilespmem:$0x1E400] =	vst v63  }
0xcc: {  	_ =	swait.ge [sflag:s24], $0x4000  }
0xcd: {  	[sflag:s24] =	ssyncset.done $0x0  }
0xce: {  	[sflag:s24] =	ssyncadd.s32 $0xFFFFC000  }
0xcf: {  	[tilespmem:s22], [sflag:$0x6] =	stream.linear.gather [spmem:s15], $0x4000, $0x38;
	[tilespmem:$0x1E400] =	vst v63  }
0xd0: {  	_ =	swait.ge [sflag:s23], $0x4000  }
0xd1: {  	[sflag:s23] =	ssyncset.done $0x0  }
0xd2: {  	s8 =	sadd.s32 s14, s5;
	[sflag:s23] =	ssyncadd.s32 $0xFFFFC000  }
0xd3: {  	[hbm4b:s8+s2] =	stream.linear.scatter [tilespmem:s22], [sflag:$0x5], $0x4000, $0x38;
	[tilespmem:$0x1E400] =	vst v63  }
0xd4: {  	_ =	swait.ge [sflag:s24], $0x4000  }
0xd5: {  	[sflag:s24] =	ssyncset.done $0x0  }
0xd6: {  	s7 =	simm.s32 @!p0 $0x2800;
	s8 =	simm.s32 @!p0 $0x6;
	[sflag:s24] =	ssyncadd.s32 $0xFFFFC000  }
0xd7: {  	[tilespmem:s7], [sflag:$0x6] =	stream.linear.gather @!p0 [spmem:s17], $0x4000, $0x38;
	[tilespmem:$0x1E400] =	vst v63  }
0xd8: {  	_ =	swait.ge @!p0 [sflag:s8], $0x4000  }
0xd9: {  	[sflag:s8] =	ssyncset.done @!p0 $0x0  }
0xda: {  	s18 =	simm.s32 @!p0 $0x0;
	[sflag:s8] =	ssyncadd.s32 @!p0 $0xFFFFC000;
	s8 =	sadd.s32 @!p0 s16, s5  }
0xdb: {  	[hbm4b:s8+s18] =	stream.linear.scatter @!p0 [tilespmem:s7], [sflag:$0x5], $0x4000, $0x38;
	[tilespmem:$0x1E400] =	vst v63  }
0xdc: {  	s7 =	simm.s32 @!p0 $0x5  }
0xdd: {  	_ =	swait.ge @!p0 [sflag:s7], $0x4000  }
0xde: {  	s6 =	sadd.s32 $0x1, s6;
	s18 =	rddreg [dreg:$0x3]  }
0xdf: {  	p1 =	sne.s32 s6, s18  }
.Ltmp2:
0xe0: {  	_ = 	snop;
	(pc) =	sbr.rel @p1 .LBB2_1-.Ltmp2, $3  }
0xe1: {  	_ =	sdelay $0x1  }
0xe2: {  	[sflag:s7] =	ssyncset.done @!p0 $0x0  }
0xe3: {  	[sflag:s7] =	ssyncadd.s32 @!p0 $0xFFFFC000  }
0xe4: {  	_ =	sfence.sel $0x180000  }
0xe5: {  	[bflag:$0x0] =	sbarrier.arrive $0xFFFF  }
0xe6: {  	_ =	strace $0x9000004D  }
0xe7: {  	s0 =	stileid.u32;
	[bflag:$0x2] =	sbarrier.arrive $0xFFFF  }
0xe8: {  	p0 =	sne.s32 s0, $0x0;
	s0 =	rddreg [dreg:$0x2]  }
0xe9: {  	s0 =	sadd.s32 @!p0 $0x100000, s0  }
0xea: {  	[sflag:s0] =	ssyncadd.tile.s32 @!p0 $0x1;
	_ =	shalt  }
.Lfunc_end2:
_tile_overlayer_lowered:
.L_overlay_start_2:
0xeb: {  	(tag) =	ssettag $0x2  }
0xec: {  	s0 =	rddreg [dreg:$0x0];
	s2 =	stileid.u32  }
0xed: {  	s1 =	rddreg [dreg:$0x1];
	p0 =	sne.s32 s2, $0x0  }
0xee: {  	s3 =	rddreg [dreg:$0x2];
	[bflag:$0x3] =	sbarrier.arrive $0xFFFF;
	s2 =	simm.s32 @!p0 $0x1C05  }
0xef: {  	[timem:s3], [sflag:s2] =	dma.local @!p0 [hbm:s0], s1  }
0xf0: {  	s0 =	simm.s32 @!p0 $0x5  }
0xf1: {  	_ =	swait.ge @!p0 [sflag:s0], s1  }
0xf2: {  	s1 =	ssub.s32 @!p0 $0x0, s1;
	[sflag:s0] =	ssyncset.done @!p0 $0x0  }
0xf3: {  	[sflag:s0] =	ssyncadd.s32 @!p0 s1  }
0xf4: {  	[bflag:$0x3] =	sbarrier.arrive $0xFFFF  }
0xf5: {  	_ =	shalt  }

// kernel: kernel.19.cloned.1.call-start
scs
__scs_entry_jumppad:
0x0: {  	(pc) =	sbr.rel $0x88, $3  }
0x1: {  	(tag) =	ssettag $0x0;
	lr =	simm.s32 $0x1  }
0x2: {  	[smem:$0x3F99] =	sst lr;
	_ =	strace $0xD0000000  }
0x3: {  	_ = 	snop  }
0x4: {  	_ = 	snop  }
0x5: {  	_ = 	snop  }
0x6: {  	_ = 	snop  }
0x7: {  	_ = 	snop  }
__scs_overlays_trampoline_lowered:
0x8: {  	[smem:$0x3FA8] =	sst s0  }
0x9: {  	[smem:$0x3FA9] =	sst s1  }
0xa: {  	[smem:$0x3FAA] =	sst s2  }
0xb: {  	[smem:$0x3FAB] =	sst s3  }
0xc: {  	[smem:$0x3FAC] =	sst s4  }
0xd: {  	[smem:$0x3FAD] =	sst s5  }
0xe: {  	[smem:$0x3FAE] =	sst s6  }
0xf: {  	[smem:$0x3FAF] =	sst s7  }
0x10: {  	[smem:$0x3FB0] =	sst s8  }
0x11: {  	[smem:$0x3FB1] =	sst s9;
	s0 =	simm.s32 @!p0 $0x0  }
0x12: {  	s1 =	sld [smem:$0x3F97];
	s0 =	simm.s32 @p0 $0x1  }
0x13: {  	[smem:$0x3FB2] =	sst s0;
	s0 =	simm.s32 @!p1 $0x0  }
0x14: {  	s2 =	sld [smem:$0x3F96];
	s0 =	simm.s32 @p1 $0x1  }
0x15: {  	[smem:$0x3FB3] =	sst s0;
	s0 =	simm.s32 @!p2 $0x0  }
0x16: {  	s3 =	sld [smem:$0x3FDB];
	s0 =	simm.s32 @p2 $0x1  }
0x17: {  	s4 =	simm.s32 $0x1BF5;
	[smem:$0x3FB5] =	sst s0  }
0x18: {  	s0 =	sld [smem:$0x3F98];
	_ =	swait.ge [sflag:s4], $0x0  }
0x19: {  	s7 =	sld [smem:$0x3F99]  }
0x1a: {  	s8 =	sadd.s32 $0xFFFFE003, lr  }
0x1b: {  	s9 =	sadd.s32 $0xFFFFFEF7, lr;
	s5 =	simm.s32 $0xFFFFFFFF;
	p2 =	slt.u32 s8, $0xFFFFF086  }
0x1c: {  	p1 =	slt.u32 s9, $0xF7A;
	s5 =	simm.s32 @!p2 $0x0  }
0x1d: {  	s5 =	simm.s32 @p1 $0x1;
	p0 =	seq.s32 s7, s2  }
0x1e: {  	s7 =	smul.u32 @!p0 $0xF7A, s2;
	p2 =	seq.s32 @!p0 s5, $0x0  }
0x1f: {  	s9 =	smul.u32 $0xF7A, s1;
	s8 =	simm.s32 @!p0 $0x1BF5;
	p2 =	por !p2, p0  }
0x20: {  	[sflag:s8] =	ssyncset.s32 @!p0 $0xFFFFF086;
	s6 =	sadd.s32 @!p0 s3, s7;
	s7 =	simm.s32 @!p0 $0x108  }
0x21: {  	s3 =	sadd.s32 s3, s9;
	s6 =	sadd.s32 @!p0 $0x88, s6;
	s7 =	simm.s32 @p2 $0x1082  }
0x22: {  	[simem:s7], [sflag:s8] =	dma.local @!p0 [hbm:s6], $0xF7A  }
0x23: {  	s9 =	sor.u32 $0xD0000000, s2;
	s6 =	simm.s32 $0x108;
	_ =	swait.ge @!p0 [sflag:s8], $0x0  }
0x24: {  	s3 =	sadd.s32 $0x88, s3;
	s6 =	simm.s32 @!p1 $0x1082;
	[sflag:s4] =	ssyncset.s32 $0xFFFFF086  }
0x25: {  	[simem:s6], [sflag:s4] =	dma.local [hbm:s3], $0xF7A  }
0x26: {  	[smem:$0x3F99] =	sst s1;
	(tag) =	ssettag s2;
	_ =	strace s9  }
0x27: {  	s1 =	sld [smem:$0x3FA9]  }
0x28: {  	s2 =	sld [smem:$0x3FAA]  }
0x29: {  	s4 =	sld [smem:$0x3FAC]  }
0x2a: {  	p0 =	seq.s32 s5, $0x0;
	s5 =	sld [smem:$0x3FAD]  }
0x2b: {  	s6 =	sld [smem:$0x3FAE]  }
0x2c: {  	s7 =	sld [smem:$0x3FAF]  }
0x2d: {  	s3 =	simm.s32 $0x108;
	s8 =	sld [smem:$0x3FB0]  }
0x2e: {  	s3 =	simm.s32 @!p0 $0x1082;
	s9 =	sld [smem:$0x3FB1]  }
0x2f: {  	lr =	sadd.s32 s0, s3;
	s0 =	sld [smem:$0x3FA8]  }
0x30: {  	s3 =	sld [smem:$0x3FAB]  }
0x31: {  	[smem:$0x3FB4] =	sst s10  }
0x32: {  	s10 =	sld [smem:$0x3FB2];
	_ =	sdelay $0x3  }
0x33: {  	p0 =	seq.s32 s10, $0x1;
	s10 =	sld [smem:$0x3FB4];
	_ =	sdelay $0x3  }
0x34: {  	[smem:$0x3FB4] =	sst s10  }
0x35: {  	s10 =	sld [smem:$0x3FB3];
	_ =	sdelay $0x3  }
0x36: {  	p1 =	seq.s32 s10, $0x1;
	s10 =	sld [smem:$0x3FB4];
	_ =	sdelay $0x3  }
0x37: {  	[smem:$0x3FB4] =	sst s10  }
0x38: {  	s10 =	sld [smem:$0x3FB5]  }
0x39: {  	_ = 	snop;
	(pc) =	sbr.ind lr, $3  }
0x3a: {  	_ = 	snop  }
0x3b: {  	_ = 	snop  }
0x3c: {  	p2 =	seq.s32 s10, $0x1;
	s10 =	sld [smem:$0x3FB4]  }
0x3d: {  	_ =	shalt  }
0x3e: {  	_ =	shalt  }
0x3f: {  	_ =	shalt  }
0x40: {  	_ =	shalt  }
0x41: {  	_ =	shalt  }
0x42: {  	_ =	shalt  }
0x43: {  	_ =	shalt  }
0x44: {  	_ =	shalt  }
0x45: {  	_ =	shalt  }
0x46: {  	_ =	shalt  }
0x47: {  	_ =	shalt  }
0x48: {  	_ =	shalt  }
0x49: {  	_ =	shalt  }
0x4a: {  	_ =	shalt  }
0x4b: {  	_ =	shalt  }
0x4c: {  	_ =	shalt  }
0x4d: {  	_ =	shalt  }
0x4e: {  	_ =	shalt  }
0x4f: {  	_ =	shalt  }
0x50: {  	_ =	shalt  }
0x51: {  	_ =	shalt  }
0x52: {  	_ =	shalt  }
0x53: {  	_ =	shalt  }
0x54: {  	_ =	shalt  }
0x55: {  	_ =	shalt  }
0x56: {  	_ =	shalt  }
0x57: {  	_ =	shalt  }
0x58: {  	_ =	shalt  }
0x59: {  	_ =	shalt  }
0x5a: {  	_ =	shalt  }
0x5b: {  	_ =	shalt  }
0x5c: {  	_ =	shalt  }
0x5d: {  	_ =	shalt  }
0x5e: {  	_ =	shalt  }
0x5f: {  	_ =	shalt  }
0x60: {  	_ =	shalt  }
0x61: {  	_ =	shalt  }
0x62: {  	_ =	shalt  }
0x63: {  	_ =	shalt  }
0x64: {  	_ =	shalt  }
0x65: {  	_ =	shalt  }
0x66: {  	_ =	shalt  }
0x67: {  	_ =	shalt  }
0x68: {  	_ =	shalt  }
0x69: {  	_ =	shalt  }
0x6a: {  	_ =	shalt  }
0x6b: {  	_ =	shalt  }
0x6c: {  	_ =	shalt  }
0x6d: {  	_ =	shalt  }
0x6e: {  	_ =	shalt  }
0x6f: {  	_ =	shalt  }
0x70: {  	_ =	shalt  }
0x71: {  	_ =	shalt  }
0x72: {  	_ =	shalt  }
0x73: {  	_ =	shalt  }
0x74: {  	_ =	shalt  }
0x75: {  	_ =	shalt  }
0x76: {  	_ =	shalt  }
0x77: {  	_ =	shalt  }
0x78: {  	_ =	shalt  }
0x79: {  	_ =	shalt  }
0x7a: {  	_ =	shalt  }
0x7b: {  	_ =	shalt  }
0x7c: {  	_ =	shalt  }
0x7d: {  	_ =	shalt  }
0x7e: {  	_ =	shalt  }
0x7f: {  	_ =	shalt  }
0x80: {  	_ =	shalt  }
0x81: {  	_ =	shalt  }
0x82: {  	_ =	shalt  }
0x83: {  	_ =	shalt  }
0x84: {  	_ =	shalt  }
0x85: {  	_ =	shalt  }
0x86: {  	_ =	shalt  }
0x87: {  	_ =	shalt  }
.Lfunc_end0:
.L_simem_size_0:
called_computation.3_lowered:
.L_overlay_start_0:
0x88: {  	s2 =	sld [smem:$0x3FD9]  }
0x89: {  	s3 =	sld [smem:$0x3FFE];
	_ =	sdelay $0x1  }
0x8a: {  	s1 =	srdreg.scid  }
0x8b: {  	s0 =	sand.u32 $0x1, s1  }
0x8c: {  	s16 =	sshll.u32 s0, $0xA;
	s2 =	sadd.s32 s3, s2  }
0x8d: {  	s2 =	sadd.s32 s2, s16  }
0x8e: {  	[smem:$0x3FC0] =	sst s2  }
0x8f: {  	_ = 	snop  }
0x90: {  	(tm) =	ssettm $0x1  }
0x91: {  	s17 =	sld [smem:$0x3FFB];
	_ =	sdelay $0x3  }
0x92: {  	_ =	strace s17  }
0x93: {  	s2 =	sld [smem:$0x3FFC];
	_ =	sdelay $0x3  }
0x94: {  	_ =	strace s2  }
0x95: {  	s2 =	sld [smem:$0x3FFD];
	_ =	sdelay $0x3  }
0x96: {  	_ =	strace s2  }
0x97: {  	_ =	strace $0x8FFFFFFF  }
0x98: {  	s18 =	sld [smem:$0x3FDB];
	_ =	sdelay $0x1  }
0x99: {  	s19 =	simm.s32 $_scs_section_size  }
0x9a: {  	s4 =	simm.s32 $_size__tile_overlayer_lowered;
	s5 =	simm.s32 $_tile_overlayer_lowered  }
0x9b: {  	s22 =	simm.s32 $0x1BFF;
	s21 =	sshll.u32 s5, $0x1;
	s2 =	sadd.s32 s19, s18  }
0x9c: {  	s6 =	simm.s32 $0x0;
	s20 =	sshll.u32 s4, $0x1;
	s4 =	sadd.s32 s21, s2  }
0x9d: {  	[timem:s6], [sflag:s22] =	dma.local [hbm:s4], s20  }
0x9e: {  	_ =	swait.ge [sflag:s22], s20  }
0x9f: {  	s3 =	ssub.s32 $0x0, s20;
	[sflag:s22] =	ssyncset.done $0x0  }
0xa0: {  	[sflag:s22] =	ssyncadd.s32 s3;
	_ =	sdelay $0x1  }
0xa1: {  	s23 =	simm.s32 $0x1B8B  }
0xa2: {  	_ =	swait.ge [sflag:s23], $0x1  }
0xa3: {  	[sflag:s23] =	ssyncset.done $0x0  }
0xa4: {  	s25 =	simm.s32 $0x1B8E;
	s24 =	sld [smem:$0x3FFE];
	[sflag:s23] =	ssyncadd.s32 $0xFFFFFFFF  }
0xa5: {  	s26 =	simm.s32 $execute0_lowered;
	[smem:$0x3FD2] =	sst s25  }
0xa6: {  	s4 =	sshll.u32 s26, $0x1;
	_ =	strace $0x8000004F;
	[dreg:$0x1] =	wrdreg $0xFFFFFFFF  }
0xa7: {  	s28 =	simm.s32 $_size_execute0_lowered;
	s2 =	sadd.s32 s2, s4;
	[dreg:$0x0] =	wrdreg $0x0  }
0xa8: {  	s4 =	sshll.u32 s28, $0x1;
	[dreg:$0x2] =	wrdreg s2  }
0xa9: {  	[dreg:$0x3] =	wrdreg s4  }
0xaa: {  	[dreg:$0x4] =	wrdreg $0xC0  }
0xab: {  	_ =	task [dreg:s6], $0x5FFFF  }
0xac: {  	[dreg:$0x1] =	wrdreg $0xFFFFFFFF  }
0xad: {  	[dreg:$0x0] =	wrdreg $0x60  }
0xae: {  	[dreg:$0x2] =	wrdreg s24  }
0xaf: {  	[dreg:$0x3] =	wrdreg $0xA8000  }
0xb0: {  	[dreg:$0x4] =	wrdreg $0x9  }
0xb1: {  	_ =	task.clear_ibuf [dreg:s6], $0x5FFFF;
	_ =	strace $0x9000004F  }
0xb2: {  	s29 =	simm.s32 $0x9;
	_ =	strace $0x80000051  }
0xb3: {  	_ =	swait.ge [sflag:s29], $0x1  }
0xb4: {  	[sflag:s29] =	ssyncadd.s32 $0xFFFFFFFF  }
0xb5: {  	_ =	strace $0x90000051  }
0xb6: {  	_ =	sfence  }
0xb7: {  	s30 =	sld [smem:$0x0];
	_ =	sdelay $0x2  }
0xb8: {  	s31 =	sshll.u32 s1, $0xD;
	s1 =	sshrl.u32 s1, $0x2  }
0xb9: {  	s3 =	sand.u32 $0x4000, s31;
	s1 =	sadd.s32 s1, s30  }
0xba: {  	s0 =	sor.u32 s3, s0;
	s1 =	sshll.u32 s1, $0x11  }
0xbb: {  	s0 =	sor.u32 s1, s0  }
0xbc: {  	s0 =	sadd.s32 $0x8F2B, s0  }
0xbd: {  	[sflag:s0] =	ssyncadd.remote.s32 $0x1  }
0xbe: {  	_ =	sfence.sel $0xFFFF  }
0xbf: {  	[dreg:$0x0] =	wrdreg $0xFFFFFFFF;
	(pc) =	sbr.abs _section_cstart, $3  }
0xc0: {  	[dreg:$0x1] =	wrdreg $0xFFFFFFFF  }
0xc1: {  	_ =	task.clear_ibuf [dreg:s6], $0x2FFFF;
	_ =	strace $0x9FFFFFFF  }
0xc2: {  	(tm) =	ssettm $0x7FFFFFFF  }
0xc3: {  	_ =	shalt  }
tec
execute0_lowered:
.L_overlay_start_1:
0x0: {  	(tag) =	ssettag $0x1  }
0x1: {  	s0 =	srdreg.scid  }
0x2: {  	s1 =	rddreg [dreg:$0x0];
	s8 =	stileid.u32  }
0x3: {  	s2 =	rddreg [dreg:$0x1];
	s28 =	simm.s32 $0x1400;
	s29 =	simm.s32 $0x80  }
0x4: {  	s30 =	simm.s32 $0x6800;
	s31 =	simm.s32 $0x1;
	s0 =	sand.u32 $0x1, s0  }
0x5: {  	s9 =	sshll.u32 s8, $0xB;
	s18 =	sshll.u32 s8, $0xE;
	s19 =	sor.u32 $0x10, s8  }
0x6: {  	s22 =	sor.u32 $0x20, s8;
	s23 =	sor.u32 $0x30, s8;
	s25 =	sor.u32 $0x40, s8  }
0x7: {  	p0 =	seq.s32 s8, $0xF;
	s3 =	sshll.u32 s0, $0x4;
	s5 =	smul.u32 $0x27800, s0  }
0x8: {  	s0 =	ssub.s32 $0x2, s0;
	s11 =	sadd.s32 s18, s2;
	s12 =	sshll.u32 s19, $0xB  }
0x9: {  	s20 =	sshll.u32 s19, $0xE;
	s18 =	sshll.u32 s23, $0xB;
	s24 =	sshll.u32 s23, $0xE  }
0xa: {  	s26 =	sshll.u32 s25, $0xE;
	s4 =	sor.u32 s8, s3;
	s3 =	simm.s32 $0x0  }
0xb: {  	s14 =	sshrl.u32 s0, $0x1;
	s23 =	sadd.s32 s26, s2;
	s26 =	simm.s32 $0x5  }
0xc: {  	s4 =	smul.u32 $0x280, s4;
	[smem:$0x7FF] =	sst s3;
	s0 =	ssub.s32 s0, s14  }
0xd: {  	s14 =	sadd.s32 s20, s2;
	s20 =	sadd.s32 s24, s2;
	s24 =	simm.s32 $0x2800  }
0xe: {  	_ =	strace $0x80000050;
	s0 =	smax.u32 s0, $0x1;
	s6 =	sadd.s32 s4, s1  }
0xf: {  	s4 =	sadd.s32 $0x2400, s1;
	s1 =	sadd.s32 s5, s1;
	[dreg:$0x5] =	wrdreg s0  }
0x10: {  	s0 =	sshll.u32 s22, $0xE;
	s5 =	simm.s32 $0x4;
	s15 =	sadd.s32 $0x51400, s6  }
0x11: {  	s16 =	sadd.s32 $0x56400, s6;
	s7 =	sadd.s32 $0x5B400, s1;
	[dreg:$0x3] =	wrdreg s15  }
0x12: {  	s17 =	sadd.s32 s4, s9;
	s21 =	sadd.s32 s4, s12;
	[dreg:$0x4] =	wrdreg s16  }
0x13: {  	s19 =	sadd.s32 s4, s18;
	s1 =	simm.s32 $0x3;
	[dreg:$0x6] =	wrdreg s17  }
0x14: {  	s6 =	simm.s32 $0x0;
	[dreg:$0x7] =	wrdreg s21;
	s15 =	sshll.u32 s22, $0xB  }
0x15: {  	s17 =	sadd.s32 s0, s2;
	s21 =	sshll.u32 s25, $0xB;
	s25 =	simm.s32 $0x6  }
0x16: {  	s0 =	simm.s32 $0x2;
	s16 =	sadd.s32 s4, s15;
	s22 =	sadd.s32 s4, s21  }
.LBB2_1:
0x17: {  	s8 =	rddreg [dreg:$0x6]  }
0x18: {  	[tilespmem:s24], [sflag:$0x6] =	stream.linear.gather [hbm4b:s8+s3], $0x4000, $0x38;
	[tilespmem:$0x1E400] =	vst v63  }
0x19: {  	_ =	swait.ge [sflag:s25], $0x4000  }
0x1a: {  	[sflag:s25] =	ssyncset.done $0x0  }
0x1b: {  	[sflag:s25] =	ssyncadd.s32 $0xFFFFC000  }
0x1c: {  	[spmem:s11] =	stream.linear.scatter [tilespmem:s24], [sflag:$0x5], $0x4000, $0x38;
	[tilespmem:$0x1E400] =	vst v63  }
0x1d: {  	_ =	swait.ge [sflag:s26], $0x4000  }
0x1e: {  	[sflag:s26] =	ssyncset.done $0x0  }
0x1f: {  	s10 =	rddreg [dreg:$0x7];
	[sflag:s26] =	ssyncadd.s32 $0xFFFFC000  }
0x20: {  	[tilespmem:s24], [sflag:$0x6] =	stream.linear.gather [hbm4b:s10+s3], $0x4000, $0x38;
	[tilespmem:$0x1E400] =	vst v63  }
0x21: {  	_ =	swait.ge [sflag:s25], $0x4000  }
0x22: {  	[sflag:s25] =	ssyncset.done $0x0  }
0x23: {  	[sflag:s25] =	ssyncadd.s32 $0xFFFFC000  }
0x24: {  	[spmem:s14] =	stream.linear.scatter [tilespmem:s24], [sflag:$0x5], $0x4000, $0x38;
	[tilespmem:$0x1E400] =	vst v63  }
0x25: {  	_ =	swait.ge [sflag:s26], $0x4000  }
0x26: {  	[sflag:s26] =	ssyncset.done $0x0  }
0x27: {  	[sflag:s26] =	ssyncadd.s32 $0xFFFFC000  }
0x28: {  	[tilespmem:s24], [sflag:$0x6] =	stream.linear.gather [hbm4b:s16+s3], $0x4000, $0x38;
	[tilespmem:$0x1E400] =	vst v63  }
0x29: {  	_ =	swait.ge [sflag:s25], $0x4000  }
0x2a: {  	[sflag:s25] =	ssyncset.done $0x0  }
0x2b: {  	[sflag:s25] =	ssyncadd.s32 $0xFFFFC000  }
0x2c: {  	[spmem:s17] =	stream.linear.scatter [tilespmem:s24], [sflag:$0x5], $0x4000, $0x38;
	[tilespmem:$0x1E400] =	vst v63  }
0x2d: {  	_ =	swait.ge [sflag:s26], $0x4000  }
0x2e: {  	[sflag:s26] =	ssyncset.done $0x0  }
0x2f: {  	[sflag:s26] =	ssyncadd.s32 $0xFFFFC000  }
0x30: {  	[tilespmem:s24], [sflag:$0x6] =	stream.linear.gather [hbm4b:s19+s3], $0x4000, $0x38;
	[tilespmem:$0x1E400] =	vst v63  }
0x31: {  	_ =	swait.ge [sflag:s25], $0x4000  }
0x32: {  	[sflag:s25] =	ssyncset.done $0x0  }
0x33: {  	[sflag:s25] =	ssyncadd.s32 $0xFFFFC000  }
0x34: {  	[spmem:s20] =	stream.linear.scatter [tilespmem:s24], [sflag:$0x5], $0x4000, $0x38;
	[tilespmem:$0x1E400] =	vst v63  }
0x35: {  	_ =	swait.ge [sflag:s26], $0x4000  }
0x36: {  	[sflag:s26] =	ssyncset.done $0x0  }
0x37: {  	s8 =	simm.s32 @!p0 $0x0;
	s10 =	simm.s32 @!p0 $0x2800;
	[sflag:s26] =	ssyncadd.s32 $0xFFFFC000  }
0x38: {  	[tilespmem:s10], [sflag:$0x6] =	stream.linear.gather @!p0 [hbm4b:s22+s8], $0x4000, $0x38;
	[tilespmem:$0x1E400] =	vst v63  }
0x39: {  	s8 =	simm.s32 @!p0 $0x6  }
0x3a: {  	_ =	swait.ge @!p0 [sflag:s8], $0x4000  }
0x3b: {  	[sflag:s8] =	ssyncset.done @!p0 $0x0  }
0x3c: {  	[sflag:s8] =	ssyncadd.s32 @!p0 $0xFFFFC000;
	s8 =	simm.s32 @!p0 $0x5  }
0x3d: {  	[spmem:s23] =	stream.linear.scatter @!p0 [tilespmem:s10], [sflag:$0x5], $0x4000, $0x38;
	[tilespmem:$0x1E400] =	vst v63  }
0x3e: {  	_ =	swait.ge @!p0 [sflag:s8], $0x4000  }
0x3f: {  	[sflag:s8] =	ssyncset.done @!p0 $0x0  }
0x40: {  	[sflag:s8] =	ssyncadd.s32 @!p0 $0xFFFFC000  }
0x41: {  	[bflag:$0x0] =	sbarrier.arrive $0xFFFF  }
0x42: {  	s13 =	rddreg [dreg:$0x3]  }
0x43: {  	[tilespmem:s3], [sflag:$0x5] =	stream.linear.gather [hbm4b:s13+s3], $0x1400, $0x38;
	[tilespmem:$0x1E400] =	vst v63  }
0x44: {  	_ =	swait.ge [sflag:s26], $0x1400  }
0x45: {  	[sflag:s26] =	ssyncset.done $0x0  }
0x46: {  	s10 =	rddreg [dreg:$0x4];
	[sflag:s26] =	ssyncadd.s32 $0xFFFFEC00  }
0x47: {  	[tilespmem:s28], [sflag:$0x5] =	stream.linear.gather [hbm4b:s10+s3], $0x1400, $0x38;
	[tilespmem:$0x1E400] =	vst v63  }
0x48: {  	_ =	swait.ge [sflag:s26], $0x1400  }
0x49: {  	[sflag:s26] =	ssyncset.done $0x0  }
0x4a: {  	[sflag:s26] =	ssyncadd.s32 $0xFFFFEC00  }
0x4b: {  	[tilespmem:s24], [sflag:$0x1] =	stream.indirect.gather [hbm4b:s4+s29], $0x80, s3, s29, $0xb8;
	[tilespmem:$0x1E400] =	vst v63  }
0x4c: {  	_ = 	snop  }
0x4d: {  	[tilespmem:s30], [sflag:$0x2] =	stream.indirect.gather [hbm4b:s4+s29], $0x80, s29, s29, $0xb8;
	[tilespmem:$0x1E400] =	vst v63  }
0x4e: {  	_ =	swait.ge [sflag:s31], $0x4000  }
0x4f: {  	[sflag:s31] =	ssyncset.done $0x0  }
0x50: {  	[sflag:s31] =	ssyncadd.s32 $0xFFFFC000  }
0x51: {  	[spmem:s2] =	stream.indirect.scatter.add.f32 [tilespmem:s24], [sflag:$0x3], $0x80, s28, s29, $0xb8;
	[tilespmem:$0x1E400] =	vst v63  }
0x52: {  	_ =	swait.ge [sflag:s1], $0x4000  }
0x53: {  	[sflag:s1] =	ssyncset.done $0x0  }
0x54: {  	s13 =	simm.s32 $0x100;
	[sflag:s1] =	ssyncadd.s32 $0xFFFFC000  }
0x55: {  	[tilespmem:s24], [sflag:$0x1] =	stream.indirect.gather [hbm4b:s4+s29], $0x80, s13, s29, $0xb8;
	[tilespmem:$0x1E400] =	vst v63  }
0x56: {  	_ =	swait.ge [sflag:s0], $0x4000  }
0x57: {  	[sflag:s0] =	ssyncset.done $0x0  }
0x58: {  	s10 =	simm.s32 $0x1480;
	[sflag:s0] =	ssyncadd.s32 $0xFFFFC000  }
0x59: {  	[spmem:s2] =	stream.indirect.scatter.add.f32 [tilespmem:s30], [sflag:$0x4], $0x80, s10, s29, $0xb8;
	[tilespmem:$0x1E400] =	vst v63  }
0x5a: {  	_ =	swait.ge [sflag:s5], $0x4000  }
0x5b: {  	[sflag:s5] =	ssyncset.done $0x0  }
0x5c: {  	s13 =	simm.s32 $0x180;
	[sflag:s5] =	ssyncadd.s32 $0xFFFFC000  }
0x5d: {  	[tilespmem:s30], [sflag:$0x2] =	stream.indirect.gather [hbm4b:s4+s29], $0x80, s13, s29, $0xb8;
	[tilespmem:$0x1E400] =	vst v63  }
0x5e: {  	_ =	swait.ge [sflag:s31], $0x4000  }
0x5f: {  	[sflag:s31] =	ssyncset.done $0x0  }
0x60: {  	s8 =	simm.s32 $0xFFFFB800;
	s10 =	simm.s32 $0x1500;
	[sflag:s31] =	ssyncadd.s32 $0xFFFFC000  }
.LBB2_2:
0x61: {  	[spmem:s2] =	stream.indirect.scatter.add.f32 [tilespmem:s24], [sflag:$0x3], $0x80, s10, s29, $0xb8;
	[tilespmem:$0x1E400] =	vst v63  }
0x62: {  	s10 =	smov.u32 s8  }
0x63: {  	p1 =	sne.s32 s8, $0xFFFFFC00;
	s8 =	sadd.s32 $0x400, s8;
	_ =	swait.ge [sflag:s1], $0x4000  }
0x64: {  	s10 =	sshra.s32 s10, $0x2;
	[sflag:s1] =	ssyncset.done $0x0  }
0x65: {  	s13 =	sadd.s32 $0x1400, s10;
	[sflag:s1] =	ssyncadd.s32 $0xFFFFC000  }
0x66: {  	[tilespmem:s24], [sflag:$0x1] =	stream.indirect.gather [hbm4b:s4+s29], $0x80, s13, s29, $0xb8;
	[tilespmem:$0x1E400] =	vst v63  }
0x67: {  	_ =	swait.ge [sflag:s0], $0x4000  }
0x68: {  	[sflag:s0] =	ssyncset.done $0x0  }
0x69: {  	s13 =	sadd.s32 $0x2780, s10;
	[sflag:s0] =	ssyncadd.s32 $0xFFFFC000  }
0x6a: {  	[spmem:s2] =	stream.indirect.scatter.add.f32 [tilespmem:s30], [sflag:$0x4], $0x80, s13, s29, $0xb8;
	[tilespmem:$0x1E400] =	vst v63  }
0x6b: {  	_ =	swait.ge [sflag:s5], $0x4000  }
0x6c: {  	[sflag:s5] =	ssyncset.done $0x0  }
.Ltmp0:
0x6d: {  	s13 =	sadd.s32 $0x1480, s10;
	[sflag:s5] =	ssyncadd.s32 $0xFFFFC000;
	(pc) =	sbr.rel @p1 .LBB2_2-.Ltmp0, $4  }
0x6e: {  	[tilespmem:s30], [sflag:$0x2] =	stream.indirect.gather [hbm4b:s4+s29], $0x80, s13, s29, $0xb8;
	[tilespmem:$0x1E400] =	vst v63  }
0x6f: {  	_ =	swait.ge [sflag:s31], $0x4000  }
0x70: {  	[sflag:s31] =	ssyncset.done $0x0  }
0x71: {  	s10 =	sadd.s32 $0x2800, s10;
	[sflag:s31] =	ssyncadd.s32 $0xFFFFC000  }
0x72: {  	[spmem:s2] =	stream.indirect.scatter.add.f32 [tilespmem:s24], [sflag:$0x3], $0x80, s10, s29, $0xb8;
	[tilespmem:$0x1E400] =	vst v63  }
0x73: {  	_ =	swait.ge [sflag:s0], $0x4000  }
0x74: {  	[sflag:s0] =	ssyncset.done $0x0  }
0x75: {  	s8 =	simm.s32 $0x2780;
	[sflag:s0] =	ssyncadd.s32 $0xFFFFC000  }
0x76: {  	[spmem:s2] =	stream.indirect.scatter.add.f32 [tilespmem:s30], [sflag:$0x4], $0x80, s8, s29, $0xb8;
	[tilespmem:$0x1E400] =	vst v63  }
0x77: {  	_ =	swait.ge [sflag:s1], $0x4000  }
0x78: {  	[sflag:s1] =	ssyncset.done $0x0  }
0x79: {  	[sflag:s1] =	ssyncadd.s32 $0xFFFFC000  }
0x7a: {  	_ =	swait.ge [sflag:s5], $0x4000  }
0x7b: {  	[sflag:s5] =	ssyncset.done $0x0  }
0x7c: {  	[sflag:s5] =	ssyncadd.s32 $0xFFFFC000  }
0x7d: {  	[bflag:$0x0] =	sbarrier.arrive $0xFFFF  }
0x7e: {  	[tilespmem:s24], [sflag:$0x6] =	stream.linear.gather [spmem:s11], $0x4000, $0x38;
	[tilespmem:$0x1E400] =	vst v63  }
0x7f: {  	_ =	swait.ge [sflag:s25], $0x4000  }
0x80: {  	[sflag:s25] =	ssyncset.done $0x0  }
0x81: {  	s13 =	sadd.s32 s9, s7;
	[sflag:s25] =	ssyncadd.s32 $0xFFFFC000  }
0x82: {  	[hbm4b:s13+s3] =	stream.linear.scatter [tilespmem:s24], [sflag:$0x5], $0x4000, $0x38;
	[tilespmem:$0x1E400] =	vst v63  }
0x83: {  	_ =	swait.ge [sflag:s26], $0x4000  }
0x84: {  	[sflag:s26] =	ssyncset.done $0x0  }
0x85: {  	[sflag:s26] =	ssyncadd.s32 $0xFFFFC000  }
0x86: {  	[tilespmem:s24], [sflag:$0x6] =	stream.linear.gather [spmem:s14], $0x4000, $0x38;
	[tilespmem:$0x1E400] =	vst v63  }
0x87: {  	_ =	swait.ge [sflag:s25], $0x4000  }
0x88: {  	[sflag:s25] =	ssyncset.done $0x0  }
0x89: {  	s10 =	sadd.s32 s12, s7;
	[sflag:s25] =	ssyncadd.s32 $0xFFFFC000  }
0x8a: {  	[hbm4b:s10+s3] =	stream.linear.scatter [tilespmem:s24], [sflag:$0x5], $0x4000, $0x38;
	[tilespmem:$0x1E400] =	vst v63  }
0x8b: {  	_ =	swait.ge [sflag:s26], $0x4000  }
0x8c: {  	[sflag:s26] =	ssyncset.done $0x0  }
0x8d: {  	[sflag:s26] =	ssyncadd.s32 $0xFFFFC000  }
0x8e: {  	[tilespmem:s24], [sflag:$0x6] =	stream.linear.gather [spmem:s17], $0x4000, $0x38;
	[tilespmem:$0x1E400] =	vst v63  }
0x8f: {  	_ =	swait.ge [sflag:s25], $0x4000  }
0x90: {  	[sflag:s25] =	ssyncset.done $0x0  }
0x91: {  	s13 =	sadd.s32 s15, s7;
	[sflag:s25] =	ssyncadd.s32 $0xFFFFC000  }
0x92: {  	[hbm4b:s13+s3] =	stream.linear.scatter [tilespmem:s24], [sflag:$0x5], $0x4000, $0x38;
	[tilespmem:$0x1E400] =	vst v63  }
0x93: {  	_ =	swait.ge [sflag:s26], $0x4000  }
0x94: {  	[sflag:s26] =	ssyncset.done $0x0  }
0x95: {  	[sflag:s26] =	ssyncadd.s32 $0xFFFFC000  }
0x96: {  	[tilespmem:s24], [sflag:$0x6] =	stream.linear.gather [spmem:s20], $0x4000, $0x38;
	[tilespmem:$0x1E400] =	vst v63  }
0x97: {  	_ =	swait.ge [sflag:s25], $0x4000  }
0x98: {  	[sflag:s25] =	ssyncset.done $0x0  }
0x99: {  	s10 =	sadd.s32 s18, s7;
	[sflag:s25] =	ssyncadd.s32 $0xFFFFC000  }
0x9a: {  	[hbm4b:s10+s3] =	stream.linear.scatter [tilespmem:s24], [sflag:$0x5], $0x4000, $0x38;
	[tilespmem:$0x1E400] =	vst v63  }
0x9b: {  	_ =	swait.ge [sflag:s26], $0x4000  }
0x9c: {  	[sflag:s26] =	ssyncset.done $0x0  }
0x9d: {  	s8 =	simm.s32 @!p0 $0x2800;
	s10 =	simm.s32 @!p0 $0x6;
	[sflag:s26] =	ssyncadd.s32 $0xFFFFC000  }
0x9e: {  	[tilespmem:s8], [sflag:$0x6] =	stream.linear.gather @!p0 [spmem:s23], $0x4000, $0x38;
	[tilespmem:$0x1E400] =	vst v63  }
0x9f: {  	_ =	swait.ge @!p0 [sflag:s10], $0x4000  }
0xa0: {  	[sflag:s10] =	ssyncset.done @!p0 $0x0  }
0xa1: {  	s13 =	simm.s32 @!p0 $0x0;
	[sflag:s10] =	ssyncadd.s32 @!p0 $0xFFFFC000;
	s10 =	sadd.s32 @!p0 s21, s7  }
0xa2: {  	[hbm4b:s10+s13] =	stream.linear.scatter @!p0 [tilespmem:s8], [sflag:$0x5], $0x4000, $0x38;
	[tilespmem:$0x1E400] =	vst v63  }
0xa3: {  	s8 =	simm.s32 @!p0 $0x5  }
0xa4: {  	_ =	swait.ge @!p0 [sflag:s8], $0x4000  }
0xa5: {  	s6 =	sadd.s32 $0x1, s6;
	s13 =	rddreg [dreg:$0x5]  }
0xa6: {  	p1 =	sne.s32 s6, s13  }
.Ltmp1:
0xa7: {  	_ = 	snop;
	(pc) =	sbr.rel @p1 .LBB2_1-.Ltmp1, $3  }
0xa8: {  	_ =	sdelay $0x1  }
0xa9: {  	[sflag:s8] =	ssyncset.done @!p0 $0x0  }
0xaa: {  	[sflag:s8] =	ssyncadd.s32 @!p0 $0xFFFFC000  }
0xab: {  	_ =	sfence.sel $0x180000  }
0xac: {  	[bflag:$0x0] =	sbarrier.arrive $0xFFFF  }
0xad: {  	_ =	strace $0x90000050  }
0xae: {  	s0 =	stileid.u32;
	[bflag:$0x2] =	sbarrier.arrive $0xFFFF  }
0xaf: {  	p0 =	sne.s32 s0, $0x0;
	s0 =	rddreg [dreg:$0x2]  }
0xb0: {  	s0 =	sadd.s32 @!p0 $0x100000, s0  }
0xb1: {  	[sflag:s0] =	ssyncadd.tile.s32 @!p0 $0x1;
	_ =	shalt  }
.Lfunc_end2:
_tile_overlayer_lowered:
.L_overlay_start_2:
0xb2: {  	(tag) =	ssettag $0x2  }
0xb3: {  	s0 =	rddreg [dreg:$0x0];
	s2 =	stileid.u32  }
0xb4: {  	s1 =	rddreg [dreg:$0x1];
	p0 =	sne.s32 s2, $0x0  }
0xb5: {  	s3 =	rddreg [dreg:$0x2];
	[bflag:$0x3] =	sbarrier.arrive $0xFFFF;
	s2 =	simm.s32 @!p0 $0x1C05  }
0xb6: {  	[timem:s3], [sflag:s2] =	dma.local @!p0 [hbm:s0], s1  }
0xb7: {  	s0 =	simm.s32 @!p0 $0x5  }
0xb8: {  	_ =	swait.ge @!p0 [sflag:s0], s1  }
0xb9: {  	s1 =	ssub.s32 @!p0 $0x0, s1;
	[sflag:s0] =	ssyncset.done @!p0 $0x0  }
0xba: {  	[sflag:s0] =	ssyncadd.s32 @!p0 s1  }
0xbb: {  	[bflag:$0x3] =	sbarrier.arrive $0xFFFF  }
0xbc: {  	_ =	shalt  }

</sc_bundles>
